<compile_context>
chip_gen: v7x
topology: tpu7x:2x2x1
jax: 0.10.2.dev20260603
libtpu: 0.0.44.dev20260713+nightly
codegen_flags: <defaults>
</compile_context>

<pallas_src>
import functools

import jax
import jax.numpy as jnp
from jax import lax
from jax.experimental import pallas as pl
from jax.experimental.pallas import tpu as pltpu
from jax.experimental.pallas import tpu_sc as plsc

NN = 20000
EE = 320000
F = 16
F2 = 32
HID = 128

NC = 2
NS = 16
NW = NC * NS
CHUNK = 80
NBUF = 5
NCH0 = 65
NCH1 = 60
EH0 = NW * NCH0 * CHUNK
EH1 = NW * NCH1 * CHUNK
STRIPE = 1280
NP = STRIPE * NS

_SC_PARAMS = pltpu.CompilerParams(use_tc_tiling_on_sc=False)


def _sc_mesh():
    return plsc.VectorSubcoreMesh(core_axis_name="c", subcore_axis_name="s",
                                  num_cores=NC, num_subcores=NS)


@functools.cache
def _build_sc_gather(nch):
    epw = nch * CHUNK
    ngrp = nch // NBUF

    @functools.partial(
        pl.kernel,
        out_type=jax.ShapeDtypeStruct((NW * epw, 128), jnp.float32),
        mesh=_sc_mesh(),
        scratch_types=[
            pltpu.VMEM((nch, CHUNK), jnp.int32),
            pltpu.VMEM((NBUF, CHUNK, F), jnp.float32),
            pltpu.SemaphoreType.DMA,
            pltpu.SemaphoreType.DMA,
        ],
        compiler_params=_SC_PARAMS,
    )
    def _sc_gather(x_hbm, src_hbm, out_hbm, idx_v, buf_v, gsem, wsem):
        cid = lax.axis_index("c")
        sid = lax.axis_index("s")
        wid = sid * NC + cid
        pltpu.sync_copy(src_hbm.at[wid], idx_v)

        def group(g, carry):
            j0 = g * NBUF
            for b in range(NBUF):
                pltpu.async_copy(x_hbm.at[idx_v.at[j0 + b]], buf_v.at[b],
                                 gsem)
            for b in range(NBUF):
                pltpu.make_async_copy(x_hbm.at[idx_v.at[j0 + b]],
                                      buf_v.at[b], gsem).wait()
                pltpu.async_copy(
                    buf_v.at[b],
                    out_hbm.at[pl.ds(wid * epw + (j0 + b) * CHUNK, CHUNK),
                               pl.ds(0, F)], wsem)
            for b in range(NBUF):
                pltpu.make_async_copy(
                    buf_v.at[b],
                    out_hbm.at[pl.ds(wid * epw + (j0 + b) * CHUNK, CHUNK),
                               pl.ds(0, F)], wsem).wait()
            return carry

        lax.fori_loop(0, ngrp, group, 0, unroll=False)

    return _sc_gather


@functools.cache
def _build_sc_scatter(nch, chained):
    epw = nch * CHUNK
    ngrp = nch // NBUF

    @functools.partial(
        pl.kernel,
        out_type=jax.ShapeDtypeStruct((NC, NP, 128), jnp.float32),
        mesh=_sc_mesh(),
        scratch_types=[
            pltpu.VMEM((nch, CHUNK), jnp.int32),
            pltpu.VMEM((NBUF, CHUNK, F2), jnp.float32),
            pltpu.VMEM_SHARED((NP, F2), jnp.float32),
            pltpu.SemaphoreType.DMA,
        ],
        compiler_params=_SC_PARAMS,
    )
    def _sc_scatter(msg_hbm, dst_hbm, init_hbm, acc_out,
                    idx_v, mbuf, acc_sh, msem):
        cid = lax.axis_index("c")
        sid = lax.axis_index("s")
        wid = sid * NC + cid
        row0 = sid * STRIPE
        if chained:
            pltpu.sync_copy(
                init_hbm.at[cid, pl.ds(row0, STRIPE), pl.ds(0, F2)],
                acc_sh.at[pl.ds(row0, STRIPE)])
        else:
            pltpu.sync_copy(init_hbm, acc_sh.at[pl.ds(row0, STRIPE)])
        pltpu.sync_copy(dst_hbm.at[wid], idx_v)
        plsc.subcore_barrier()

        def group(g, carry):
            j0 = g * NBUF
            for b in range(NBUF):
                pltpu.async_copy(
                    msg_hbm.at[pl.ds(wid * epw + (j0 + b) * CHUNK, CHUNK),
                               pl.ds(0, F2)], mbuf.at[b], msem)
            for b in range(NBUF):
                pltpu.make_async_copy(
                    msg_hbm.at[pl.ds(wid * epw + (j0 + b) * CHUNK, CHUNK),
                               pl.ds(0, F2)], mbuf.at[b], msem).wait()
                pltpu.sync_copy(mbuf.at[b], acc_sh.at[idx_v.at[j0 + b]],
                                add=True)
            return carry

        lax.fori_loop(0, ngrp, group, 0, unroll=False)
        plsc.subcore_barrier()
        pltpu.sync_copy(acc_sh.at[pl.ds(row0, STRIPE)],
                        acc_out.at[cid, pl.ds(row0, STRIPE), pl.ds(0, F2)])

    return _sc_scatter


BE = 1280


def _gelu(z):
    return 0.5 * z * (1.0 + lax.erf(z * 0.7071067811865476))


def _edge_body(ea_ref, xj_ref, Wv4_ref, bv_ref, W1ea_ref, W1s_ref, b1_ref,
               g_ref, bb_ref, W2_ref, b2_ref, P_ref, G_ref, J_ref, R_ref,
               msg_ref):
    dot = functools.partial(jnp.dot, preferred_element_type=jnp.float32)
    ea = jnp.transpose(ea_ref[...])
    se = _gelu(dot(ea, Wv4_ref[...]) + bv_ref[...])
    h = dot(ea, W1ea_ref[...]) + dot(se, W1s_ref[...]) + b1_ref[...]
    mu = dot(h, J_ref[...])
    d = h - mu
    var = dot(d * d, J_ref[...])
    hn = d * lax.rsqrt(var + 1e-5) * g_ref[...] + bb_ref[...]
    h2 = _gelu(hn)
    w = dot(h2, W2_ref[...]) + b2_ref[...]
    n2 = dot(w * w, R_ref[...])
    inv = lax.rsqrt(jnp.maximum(n2, 1e-12))
    xrep = dot(xj_ref[:, 0:F], P_ref[...])
    msg_ref[:, 0:F] = dot(w * xrep, G_ref[...]) * inv
    msg_ref[:, F:F2] = jnp.ones((BE, F), jnp.float32)


def _edge_pipeline(name, blk_off, eh, eaT, xj, Wv, bv, W1, b1, ln_g, ln_b,
                   W2, b2):
    P = jnp.repeat(jnp.eye(F, dtype=jnp.float32), F, axis=1)
    G = jnp.tile(jnp.eye(F, dtype=jnp.float32), (F, 1))
    J = jnp.full((HID, HID), 1.0 / HID, jnp.float32)
    R = jnp.ones((F * F, F), jnp.float32)
    Wv4 = jnp.concatenate([jnp.zeros((1, F), jnp.float32), Wv], axis=0)
    W1ea = jnp.concatenate([W1[0:1, :], jnp.zeros((3, HID), jnp.float32)],
                           axis=0)
    full = lambda shape: pl.BlockSpec(shape, lambda i: (0, 0))
    return pl.pallas_call(
        _edge_body,
        grid=(eh // BE,),
        in_specs=[
            pl.BlockSpec((4, BE), lambda i: (0, i + blk_off)),
            pl.BlockSpec((BE, 128), lambda i: (i, 0)),
            full((4, F)),
            full((1, F)),
            full((4, HID)),
            full((F, HID)),
            full((1, HID)),
            full((1, HID)),
            full((1, HID)),
            full((HID, F * F)),
            full((1, F * F)),
            full((F, F * F)),
            full((F * F, F)),
            full((HID, HID)),
            full((F * F, F)),
        ],
        out_specs=pl.BlockSpec((BE, 128), lambda i: (i, 0)),
        out_shape=jax.ShapeDtypeStruct((eh, 128), jnp.float32),
        name=name,
    )(eaT, xj, Wv4, bv.reshape(1, F), W1ea, W1[1:, :],
      b1.reshape(1, HID), ln_g.reshape(1, HID), ln_b.reshape(1, HID),
      W2, b2.reshape(1, F * F), P, G, J, R)


BN = 2000


def _final_body(acc_ref, x_ref, WrT_ref, bias_ref, out_ref):
    s = acc_ref[0, :, 0:F] + acc_ref[1, :, 0:F]
    c = acc_ref[0, :, F:F2] + acc_ref[1, :, F:F2]
    agg = jnp.where(c > 0, s / jnp.where(c > 0, c, 1.0), 0.0)
    root = (jnp.dot(x_ref[...], WrT_ref[...],
                    preferred_element_type=jnp.float32) + bias_ref[...])
    out_ref[...] = _gelu(agg + root)


def _finalize(acc, x, WrT, bias):
    full = lambda shape: pl.BlockSpec(shape, lambda i: (0, 0))
    accblk = pl.BlockSpec((NC, BN, 128), lambda i: (0, i, 0))
    blk = pl.BlockSpec((BN, F), lambda i: (i, 0))
    return pl.pallas_call(
        _final_body,
        grid=(NN // BN,),
        in_specs=[accblk, blk, full((F, F)), full((1, F))],
        out_specs=blk,
        out_shape=jax.ShapeDtypeStruct((NN, F), jnp.float32),
    )(acc, x, WrT, bias.reshape(1, F))


def kernel(x, edge_attr, Wv, bv, W1, b1, ln_g, ln_b, W2, b2, Wr, bias,
           edge_index):
    eaT = edge_attr.T
    src0 = edge_index[0, :EH0].reshape(NW, NCH0, CHUNK)
    src1 = edge_index[0, EH0:].reshape(NW, NCH1, CHUNK)
    dst0 = edge_index[1, :EH0].reshape(NW, NCH0, CHUNK)
    dst1 = edge_index[1, EH0:].reshape(NW, NCH1, CHUNK)
    zeros = jnp.zeros((STRIPE, F2), jnp.float32)

    xj0 = _build_sc_gather(NCH0)(x, src0)
    xj1 = _build_sc_gather(NCH1)(x, src1)
    msg0 = _edge_pipeline("edge_mlp_h0", 0, EH0, eaT, xj0, Wv, bv, W1, b1,
                          ln_g, ln_b, W2, b2)
    msg1 = _edge_pipeline("edge_mlp_h1", EH0 // BE, EH1, eaT, xj1, Wv, bv,
                          W1, b1, ln_g, ln_b, W2, b2)
    acc0 = _build_sc_scatter(NCH0, False)(msg0, dst0, zeros)
    acc = _build_sc_scatter(NCH1, True)(msg1, dst1, acc0)
    return _finalize(acc, x, Wr.T, bias)

# --- scband reference (transcript-rebuilt; emitter-appended) ---
"""Pipeline reference for scband-multitask-debate-gnn-52853867544811 (READ-ONLY COPY).

The authoritative reference and input builder live on the scoring server;
editing this copy changes nothing except your own understanding.
"""

import jax, jax.numpy as jnp
import numpy as np

N = 20000
E = 320000
IN = 16
OUT = 16
HID = 128
CONF = 1
ST = 3


def setup_inputs(seed: int = 0) -> dict:
    key = jax.random.key(seed)
    ks = jax.random.split(key, 14)
    x = jax.random.normal(ks[0], (N, IN), dtype=jnp.float32)
    edge_index = jax.random.randint(ks[1], (2, E), 0, N, dtype=jnp.int32)
    edge_attr = jax.random.uniform(ks[2], (E, CONF + ST), dtype=jnp.float32)
    # vector_head: Linear(stance_dim, 16)
    Wv = jax.random.normal(ks[3], (ST, 16), dtype=jnp.float32) * 0.5
    bv = jnp.zeros((16,), dtype=jnp.float32)
    # edge_mlp: Linear(conf+16, HID) -> LayerNorm(HID) -> GELU -> Dropout(eval) -> Linear(HID, IN*OUT)
    W1 = jax.random.normal(ks[4], (CONF + 16, HID), dtype=jnp.float32) * (2.0 / np.sqrt(CONF + 16))
    b1 = jnp.zeros((HID,), dtype=jnp.float32)
    ln_g = jnp.ones((HID,), dtype=jnp.float32)
    ln_b = jnp.zeros((HID,), dtype=jnp.float32)
    W2 = jax.random.normal(ks[5], (HID, IN * OUT), dtype=jnp.float32) * (2.0 / np.sqrt(HID))
    b2 = jnp.zeros((IN * OUT,), dtype=jnp.float32)
    # root_lin: Linear(IN, OUT, bias=False) + bias param
    Wr = jax.random.normal(ks[6], (OUT, IN), dtype=jnp.float32) * (1.0 / np.sqrt(IN))
    bias = jnp.zeros((OUT,), dtype=jnp.float32)
    return {"x": x, "edge_attr": edge_attr, "Wv": Wv, "bv": bv, "W1": W1, "b1": b1,
            "ln_g": ln_g, "ln_b": ln_b, "W2": W2, "b2": b2, "Wr": Wr, "bias": bias,
            "edge_index": edge_index}


def reference(x, edge_attr, Wv, bv, W1, b1, ln_g, ln_b, W2, b2, Wr, bias, edge_index):
    # --- ECCConv.forward (eval mode: no DropEdge, no dropout) ---
    confidence = edge_attr[:, :CONF]
    stance_vec = edge_attr[:, CONF:CONF + ST]
    stance_emb = jax.nn.gelu(stance_vec @ Wv + bv, approximate=False)
    edge_input = jnp.concatenate([confidence, stance_emb], axis=1)  # [E, CONF+16]
    # edge_mlp
    h = edge_input @ W1 + b1
    mu = jnp.mean(h, axis=-1, keepdims=True)
    var = jnp.var(h, axis=-1, keepdims=True)
    h = (h - mu) / jnp.sqrt(var + 1e-5) * ln_g + ln_b
    h = jax.nn.gelu(h, approximate=False)
    w = (h @ W2 + b2).reshape(E, IN, OUT)
    nrm = jnp.sqrt(jnp.sum(w * w, axis=(1, 2), keepdims=True))
    w = w / jnp.clip(nrm, 1e-6, None)
    # message + mean aggregation (flow source_to_target: x_j = x[src], aggregate at dst)
    src = edge_index[0]
    dst = edge_index[1]
    x_j = jnp.take(x, src, axis=0)  # gather [E, IN]
    msg = jnp.einsum('ei,eio->eo', x_j, w)  # per-edge bmm [E, OUT]
    s = jax.ops.segment_sum(msg, dst, num_segments=N)  # scatter-add
    cnt = jax.ops.segment_sum(jnp.ones((E, 1), dtype=jnp.float32), dst, num_segments=N)
    agg = jnp.where(cnt > 0, s / jnp.where(cnt > 0, cnt, 1.0), 0.0)  # scatter-mean
    out = jax.nn.gelu(agg + x @ Wr.T + bias, approximate=False)
    return out

if __name__ == "__main__":
    import jax
    _d = setup_inputs()
    print(jax.jit(kernel)(*tuple(_d.values())))

</pallas_src>

<mosaic_0001>
#map = affine_map<(d0, d1) -> (0, 0)>
#map1 = affine_map<(d0, d1) -> (0, 0, 0)>
module attributes {stable_mosaic.version = 14 : i64} {
  func.func @_sc_gather(%arg0: i32, %arg1: i32, %arg2: memref<20000x16xf32, #tpu.memory_space<hbm>>, %arg3: memref<32x60x80xi32, #tpu.memory_space<hbm>>, %arg4: memref<153600x128xf32, #tpu.memory_space<hbm>>, %arg5: memref<60x80xi32, #tpu.memory_space<vmem>>, %arg6: memref<5x80x16xf32, #tpu.memory_space<vmem>>, %arg7: memref<!tpu.dma_semaphore, #tpu.memory_space<semaphore_mem>>, %arg8: memref<!tpu.dma_semaphore, #tpu.memory_space<semaphore_mem>>) attributes {dimension_semantics = [#tpu.dimension_semantics<core_parallel>, #tpu.dimension_semantics<subcore_parallel>], iteration_bounds = array<i64: 2, 16>, scalar_prefetch = 0 : i64, scratch_operands = 4 : i64, tpu.core_type = #tpu.core_type<sc_vector_subcore>, window_params = [{transform_indices = #map}, {transform_indices = #map1}, {transform_indices = #map}]} {
    %mul3A = arith.constant 2 : i32
    %mul3A_0 = arith.muli %arg1, %mul3A : i32
    %add3A = arith.addi %mul3A_0, %arg0 : i32
    "tpu.region"() ({
      %run_scoped3A = tpu.sem_alloc : memref<!tpu.dma_semaphore, #tpu.memory_space<semaphore_mem>>
      %dma_start3A = arith.constant 0 : i32
      %dma_start3A_6 = arith.constant 0 : i32
      %dma_start3A_7 = tpu.memref_slice %arg3[%add3A, %dma_start3A, %dma_start3A_6] : memref<32x60x80xi32, #tpu.memory_space<hbm>> -> memref<1x60x80xi32, #tpu.memory_space<hbm>>
      %dma_start3A_8 = tpu.memref_squeeze %dma_start3A_7 : memref<1x60x80xi32, #tpu.memory_space<hbm>> -> memref<60x80xi32, #tpu.memory_space<hbm>>
      %dma_start3A_9 = arith.constant 0 : i32
      %dma_start3A_10 = arith.constant 0 : i32
      %dma_start3A_11 = tpu.memref_slice %arg3[%add3A, %dma_start3A_9, %dma_start3A_10] : memref<32x60x80xi32, #tpu.memory_space<hbm>> -> memref<1x60x80xi32, #tpu.memory_space<hbm>>
      %dma_start3A_12 = tpu.memref_squeeze %dma_start3A_11 : memref<1x60x80xi32, #tpu.memory_space<hbm>> -> memref<60x80xi32, #tpu.memory_space<hbm>>
      tpu.enqueue_dma source(%dma_start3A_12 : memref<60x80xi32, #tpu.memory_space<hbm>>) target(%arg5 : memref<60x80xi32, #tpu.memory_space<vmem>>) target_semaphore(%run_scoped3A : memref<!tpu.dma_semaphore, #tpu.memory_space<semaphore_mem>>)
      %dma_wait3A = arith.constant 0 : i32
      %dma_wait3A_13 = arith.constant 0 : i32
      %dma_wait3A_14 = tpu.memref_slice %arg3[%add3A, %dma_wait3A, %dma_wait3A_13] : memref<32x60x80xi32, #tpu.memory_space<hbm>> -> memref<1x60x80xi32, #tpu.memory_space<hbm>>
      %dma_wait3A_15 = tpu.memref_squeeze %dma_wait3A_14 : memref<1x60x80xi32, #tpu.memory_space<hbm>> -> memref<60x80xi32, #tpu.memory_space<hbm>>
      %dma_wait3A_16 = arith.constant 0 : i32
      %dma_wait3A_17 = arith.constant 0 : i32
      %dma_wait3A_18 = tpu.memref_slice %arg3[%add3A, %dma_wait3A_16, %dma_wait3A_17] : memref<32x60x80xi32, #tpu.memory_space<hbm>> -> memref<1x60x80xi32, #tpu.memory_space<hbm>>
      %dma_wait3A_19 = tpu.memref_squeeze %dma_wait3A_18 : memref<1x60x80xi32, #tpu.memory_space<hbm>> -> memref<60x80xi32, #tpu.memory_space<hbm>>
      tpu.wait_dma2 semaphore(%run_scoped3A : memref<!tpu.dma_semaphore, #tpu.memory_space<semaphore_mem>>) src(%dma_wait3A_19 : memref<60x80xi32, #tpu.memory_space<hbm>>) dst(%arg5 : memref<60x80xi32, #tpu.memory_space<vmem>>)
      tpu.yield
    }) : () -> ()
    %scan3A = arith.constant 0 : i32
    %scan3A_1 = arith.constant 0 : i32
    %scan3A_2 = arith.constant 12 : i32
    %scan3A_3 = arith.addi %scan3A_1, %scan3A_2 : i32
    %scan3A_4 = arith.constant 1 : i32
    scf.for %scan3A_6 = %scan3A_1 to %scan3A_3 step %scan3A_4  : i32 {
      %mul3A_7 = arith.constant 5 : i32
      %mul3A_8 = arith.muli %scan3A_6, %mul3A_7 : i32
      %add3A_9 = arith.constant 0 : i32
      %add3A_10 = arith.addi %mul3A_8, %add3A_9 : i32
      %dma_start3A = arith.constant 0 : i32
      %dma_start3A_11 = arith.constant 0 : i32
      %dma_start3A_12 = arith.constant 0 : i32
      %dma_start3A_13 = tpu.memref_slice %arg6[%dma_start3A, %dma_start3A_11, %dma_start3A_12] : memref<5x80x16xf32, #tpu.memory_space<vmem>> -> memref<1x80x16xf32, #tpu.memory_space<vmem>>
      %dma_start3A_14 = tpu.memref_squeeze %dma_start3A_13 : memref<1x80x16xf32, #tpu.memory_space<vmem>> -> memref<80x16xf32, #tpu.memory_space<vmem>>
      %dma_start3A_15 = arith.constant 0 : i32
      %dma_start3A_16 = tpu.memref_slice %arg5[%add3A_10, %dma_start3A_15] : memref<60x80xi32, #tpu.memory_space<vmem>> -> memref<1x80xi32, #tpu.memory_space<vmem>>
      %dma_start3A_17 = tpu.memref_squeeze %dma_start3A_16 : memref<1x80xi32, #tpu.memory_space<vmem>> -> memref<80xi32, #tpu.memory_space<vmem>>
      %dma_start3A_18 = arith.constant 0 : i32
      %dma_start3A_19 = arith.constant 0 : i32
      %dma_start3A_20 = tpu.memref_slice %arg2[%dma_start3A_18, %dma_start3A_19] : memref<20000x16xf32, #tpu.memory_space<hbm>> -> memref<20000x16xf32, #tpu.memory_space<hbm>>
      tpu.enqueue_indirect_dma source(%dma_start3A_20 : memref<20000x16xf32, #tpu.memory_space<hbm>>) target(%dma_start3A_14 : memref<80x16xf32, #tpu.memory_space<vmem>>) offsets(%dma_start3A_17 : memref<80xi32, #tpu.memory_space<vmem>>) semaphore(%arg7 : memref<!tpu.dma_semaphore, #tpu.memory_space<semaphore_mem>>)
      %add3A_21 = arith.constant 1 : i32
      %add3A_22 = arith.addi %mul3A_8, %add3A_21 : i32
      %dma_start3A_23 = arith.constant 1 : i32
      %dma_start3A_24 = arith.constant 0 : i32
      %dma_start3A_25 = arith.constant 0 : i32
      %dma_start3A_26 = tpu.memref_slice %arg6[%dma_start3A_23, %dma_start3A_24, %dma_start3A_25] : memref<5x80x16xf32, #tpu.memory_space<vmem>> -> memref<1x80x16xf32, #tpu.memory_space<vmem>>
      %dma_start3A_27 = tpu.memref_squeeze %dma_start3A_26 : memref<1x80x16xf32, #tpu.memory_space<vmem>> -> memref<80x16xf32, #tpu.memory_space<vmem>>
      %dma_start3A_28 = arith.constant 0 : i32
      %dma_start3A_29 = tpu.memref_slice %arg5[%add3A_22, %dma_start3A_28] : memref<60x80xi32, #tpu.memory_space<vmem>> -> memref<1x80xi32, #tpu.memory_space<vmem>>
      %dma_start3A_30 = tpu.memref_squeeze %dma_start3A_29 : memref<1x80xi32, #tpu.memory_space<vmem>> -> memref<80xi32, #tpu.memory_space<vmem>>
      %dma_start3A_31 = arith.constant 0 : i32
      %dma_start3A_32 = arith.constant 0 : i32
      %dma_start3A_33 = tpu.memref_slice %arg2[%dma_start3A_31, %dma_start3A_32] : memref<20000x16xf32, #tpu.memory_space<hbm>> -> memref<20000x16xf32, #tpu.memory_space<hbm>>
      tpu.enqueue_indirect_dma source(%dma_start3A_33 : memref<20000x16xf32, #tpu.memory_space<hbm>>) target(%dma_start3A_27 : memref<80x16xf32, #tpu.memory_space<vmem>>) offsets(%dma_start3A_30 : memref<80xi32, #tpu.memory_space<vmem>>) semaphore(%arg7 : memref<!tpu.dma_semaphore, #tpu.memory_space<semaphore_mem>>)
      %add3A_34 = arith.constant 2 : i32
      %add3A_35 = arith.addi %mul3A_8, %add3A_34 : i32
      %dma_start3A_36 = arith.constant 2 : i32
      %dma_start3A_37 = arith.constant 0 : i32
      %dma_start3A_38 = arith.constant 0 : i32
      %dma_start3A_39 = tpu.memref_slice %arg6[%dma_start3A_36, %dma_start3A_37, %dma_start3A_38] : memref<5x80x16xf32, #tpu.memory_space<vmem>> -> memref<1x80x16xf32, #tpu.memory_space<vmem>>
      %dma_start3A_40 = tpu.memref_squeeze %dma_start3A_39 : memref<1x80x16xf32, #tpu.memory_space<vmem>> -> memref<80x16xf32, #tpu.memory_space<vmem>>
      %dma_start3A_41 = arith.constant 0 : i32
      %dma_start3A_42 = tpu.memref_slice %arg5[%add3A_35, %dma_start3A_41] : memref<60x80xi32, #tpu.memory_space<vmem>> -> memref<1x80xi32, #tpu.memory_space<vmem>>
      %dma_start3A_43 = tpu.memref_squeeze %dma_start3A_42 : memref<1x80xi32, #tpu.memory_space<vmem>> -> memref<80xi32, #tpu.memory_space<vmem>>
      %dma_start3A_44 = arith.constant 0 : i32
      %dma_start3A_45 = arith.constant 0 : i32
      %dma_start3A_46 = tpu.memref_slice %arg2[%dma_start3A_44, %dma_start3A_45] : memref<20000x16xf32, #tpu.memory_space<hbm>> -> memref<20000x16xf32, #tpu.memory_space<hbm>>
      tpu.enqueue_indirect_dma source(%dma_start3A_46 : memref<20000x16xf32, #tpu.memory_space<hbm>>) target(%dma_start3A_40 : memref<80x16xf32, #tpu.memory_space<vmem>>) offsets(%dma_start3A_43 : memref<80xi32, #tpu.memory_space<vmem>>) semaphore(%arg7 : memref<!tpu.dma_semaphore, #tpu.memory_space<semaphore_mem>>)
      %add3A_47 = arith.constant 3 : i32
      %add3A_48 = arith.addi %mul3A_8, %add3A_47 : i32
      %dma_start3A_49 = arith.constant 3 : i32
      %dma_start3A_50 = arith.constant 0 : i32
      %dma_start3A_51 = arith.constant 0 : i32
      %dma_start3A_52 = tpu.memref_slice %arg6[%dma_start3A_49, %dma_start3A_50, %dma_start3A_51] : memref<5x80x16xf32, #tpu.memory_space<vmem>> -> memref<1x80x16xf32, #tpu.memory_space<vmem>>
      %dma_start3A_53 = tpu.memref_squeeze %dma_start3A_52 : memref<1x80x16xf32, #tpu.memory_space<vmem>> -> memref<80x16xf32, #tpu.memory_space<vmem>>
      %dma_start3A_54 = arith.constant 0 : i32
      %dma_start3A_55 = tpu.memref_slice %arg5[%add3A_48, %dma_start3A_54] : memref<60x80xi32, #tpu.memory_space<vmem>> -> memref<1x80xi32, #tpu.memory_space<vmem>>
      %dma_start3A_56 = tpu.memref_squeeze %dma_start3A_55 : memref<1x80xi32, #tpu.memory_space<vmem>> -> memref<80xi32, #tpu.memory_space<vmem>>
      %dma_start3A_57 = arith.constant 0 : i32
      %dma_start3A_58 = arith.constant 0 : i32
      %dma_start3A_59 = tpu.memref_slice %arg2[%dma_start3A_57, %dma_start3A_58] : memref<20000x16xf32, #tpu.memory_space<hbm>> -> memref<20000x16xf32, #tpu.memory_space<hbm>>
      tpu.enqueue_indirect_dma source(%dma_start3A_59 : memref<20000x16xf32, #tpu.memory_space<hbm>>) target(%dma_start3A_53 : memref<80x16xf32, #tpu.memory_space<vmem>>) offsets(%dma_start3A_56 : memref<80xi32, #tpu.memory_space<vmem>>) semaphore(%arg7 : memref<!tpu.dma_semaphore, #tpu.memory_space<semaphore_mem>>)
      %add3A_60 = arith.constant 4 : i32
      %add3A_61 = arith.addi %mul3A_8, %add3A_60 : i32
      %dma_start3A_62 = arith.constant 4 : i32
      %dma_start3A_63 = arith.constant 0 : i32
      %dma_start3A_64 = arith.constant 0 : i32
      %dma_start3A_65 = tpu.memref_slice %arg6[%dma_start3A_62, %dma_start3A_63, %dma_start3A_64] : memref<5x80x16xf32, #tpu.memory_space<vmem>> -> memref<1x80x16xf32, #tpu.memory_space<vmem>>
      %dma_start3A_66 = tpu.memref_squeeze %dma_start3A_65 : memref<1x80x16xf32, #tpu.memory_space<vmem>> -> memref<80x16xf32, #tpu.memory_space<vmem>>
      %dma_start3A_67 = arith.constant 0 : i32
      %dma_start3A_68 = tpu.memref_slice %arg5[%add3A_61, %dma_start3A_67] : memref<60x80xi32, #tpu.memory_space<vmem>> -> memref<1x80xi32, #tpu.memory_space<vmem>>
      %dma_start3A_69 = tpu.memref_squeeze %dma_start3A_68 : memref<1x80xi32, #tpu.memory_space<vmem>> -> memref<80xi32, #tpu.memory_space<vmem>>
      %dma_start3A_70 = arith.constant 0 : i32
      %dma_start3A_71 = arith.constant 0 : i32
      %dma_start3A_72 = tpu.memref_slice %arg2[%dma_start3A_70, %dma_start3A_71] : memref<20000x16xf32, #tpu.memory_space<hbm>> -> memref<20000x16xf32, #tpu.memory_space<hbm>>
      tpu.enqueue_indirect_dma source(%dma_start3A_72 : memref<20000x16xf32, #tpu.memory_space<hbm>>) target(%dma_start3A_66 : memref<80x16xf32, #tpu.memory_space<vmem>>) offsets(%dma_start3A_69 : memref<80xi32, #tpu.memory_space<vmem>>) semaphore(%arg7 : memref<!tpu.dma_semaphore, #tpu.memory_space<semaphore_mem>>)
      %add3A_73 = arith.constant 0 : i32
      %add3A_74 = arith.addi %mul3A_8, %add3A_73 : i32
      %dma_wait3A = arith.constant 0 : i32
      %dma_wait3A_75 = arith.constant 0 : i32
      %dma_wait3A_76 = arith.constant 0 : i32
      %dma_wait3A_77 = tpu.memref_slice %arg6[%dma_wait3A, %dma_wait3A_75, %dma_wait3A_76] : memref<5x80x16xf32, #tpu.memory_space<vmem>> -> memref<1x80x16xf32, #tpu.memory_space<vmem>>
      %dma_wait3A_78 = tpu.memref_squeeze %dma_wait3A_77 : memref<1x80x16xf32, #tpu.memory_space<vmem>> -> memref<80x16xf32, #tpu.memory_space<vmem>>
      %dma_wait3A_79 = arith.constant 0 : i32
      %dma_wait3A_80 = tpu.memref_slice %arg5[%add3A_74, %dma_wait3A_79] : memref<60x80xi32, #tpu.memory_space<vmem>> -> memref<1x80xi32, #tpu.memory_space<vmem>>
      %dma_wait3A_81 = tpu.memref_squeeze %dma_wait3A_80 : memref<1x80xi32, #tpu.memory_space<vmem>> -> memref<80xi32, #tpu.memory_space<vmem>>
      %dma_wait3A_82 = arith.constant 0 : i32
      %dma_wait3A_83 = arith.constant 0 : i32
      %dma_wait3A_84 = tpu.memref_slice %arg2[%dma_wait3A_82, %dma_wait3A_83] : memref<20000x16xf32, #tpu.memory_space<hbm>> -> memref<20000x16xf32, #tpu.memory_space<hbm>>
      tpu.wait_indirect_dma semaphore(%arg7 : memref<!tpu.dma_semaphore, #tpu.memory_space<semaphore_mem>>) src(%dma_wait3A_84 : memref<20000x16xf32, #tpu.memory_space<hbm>>) dst(%dma_wait3A_78 : memref<80x16xf32, #tpu.memory_space<vmem>>)
      %mul3A_85 = arith.constant 4800 : i32
      %mul3A_86 = arith.muli %add3A, %mul3A_85 : i32
      %add3A_87 = arith.constant 0 : i32
      %add3A_88 = arith.addi %mul3A_8, %add3A_87 : i32
      %mul3A_89 = arith.constant 80 : i32
      %mul3A_90 = arith.muli %add3A_88, %mul3A_89 : i32
      %add3A_91 = arith.addi %mul3A_86, %mul3A_90 : i32
      %dma_start3A_92 = arith.constant 0 : i32
      %dma_start3A_93 = arith.constant 0 : i32
      %dma_start3A_94 = arith.constant 0 : i32
      %dma_start3A_95 = tpu.memref_slice %arg6[%dma_start3A_92, %dma_start3A_93, %dma_start3A_94] : memref<5x80x16xf32, #tpu.memory_space<vmem>> -> memref<1x80x16xf32, #tpu.memory_space<vmem>>
      %dma_start3A_96 = tpu.memref_squeeze %dma_start3A_95 : memref<1x80x16xf32, #tpu.memory_space<vmem>> -> memref<80x16xf32, #tpu.memory_space<vmem>>
      %dma_start3A_97 = arith.constant 0 : i32
      %dma_start3A_98 = tpu.memref_slice %arg4[%add3A_91, %dma_start3A_97] : memref<153600x128xf32, #tpu.memory_space<hbm>> -> memref<80x16xf32, #tpu.memory_space<hbm>>
      %dma_start3A_99 = arith.constant 0 : i32
      %dma_start3A_100 = tpu.memref_slice %arg4[%add3A_91, %dma_start3A_99] : memref<153600x128xf32, #tpu.memory_space<hbm>> -> memref<80x16xf32, #tpu.memory_space<hbm>>
      %dma_start3A_101 = arith.constant 0 : i32
      %dma_start3A_102 = arith.constant 0 : i32
      %dma_start3A_103 = tpu.memref_slice %arg6[%dma_start3A_92, %dma_start3A_101, %dma_start3A_102] : memref<5x80x16xf32, #tpu.memory_space<vmem>> -> memref<1x80x16xf32, #tpu.memory_space<vmem>>
      %dma_start3A_104 = tpu.memref_squeeze %dma_start3A_103 : memref<1x80x16xf32, #tpu.memory_space<vmem>> -> memref<80x16xf32, #tpu.memory_space<vmem>>
      tpu.enqueue_dma source(%dma_start3A_104 : memref<80x16xf32, #tpu.memory_space<vmem>>) target(%dma_start3A_100 : memref<80x16xf32, #tpu.memory_space<hbm>>) target_semaphore(%arg8 : memref<!tpu.dma_semaphore, #tpu.memory_space<semaphore_mem>>)
      %add3A_105 = arith.constant 1 : i32
      %add3A_106 = arith.addi %mul3A_8, %add3A_105 : i32
      %dma_wait3A_107 = arith.constant 1 : i32
      %dma_wait3A_108 = arith.constant 0 : i32
      %dma_wait3A_109 = arith.constant 0 : i32
      %dma_wait3A_110 = tpu.memref_slice %arg6[%dma_wait3A_107, %dma_wait3A_108, %dma_wait3A_109] : memref<5x80x16xf32, #tpu.memory_space<vmem>> -> memref<1x80x16xf32, #tpu.memory_space<vmem>>
      %dma_wait3A_111 = tpu.memref_squeeze %dma_wait3A_110 : memref<1x80x16xf32, #tpu.memory_space<vmem>> -> memref<80x16xf32, #tpu.memory_space<vmem>>
      %dma_wait3A_112 = arith.constant 0 : i32
      %dma_wait3A_113 = tpu.memref_slice %arg5[%add3A_106, %dma_wait3A_112] : memref<60x80xi32, #tpu.memory_space<vmem>> -> memref<1x80xi32, #tpu.memory_space<vmem>>
      %dma_wait3A_114 = tpu.memref_squeeze %dma_wait3A_113 : memref<1x80xi32, #tpu.memory_space<vmem>> -> memref<80xi32, #tpu.memory_space<vmem>>
      %dma_wait3A_115 = arith.constant 0 : i32
      %dma_wait3A_116 = arith.constant 0 : i32
      %dma_wait3A_117 = tpu.memref_slice %arg2[%dma_wait3A_115, %dma_wait3A_116] : memref<20000x16xf32, #tpu.memory_space<hbm>> -> memref<20000x16xf32, #tpu.memory_space<hbm>>
      tpu.wait_indirect_dma semaphore(%arg7 : memref<!tpu.dma_semaphore, #tpu.memory_space<semaphore_mem>>) src(%dma_wait3A_117 : memref<20000x16xf32, #tpu.memory_space<hbm>>) dst(%dma_wait3A_111 : memref<80x16xf32, #tpu.memory_space<vmem>>)
      %mul3A_118 = arith.constant 4800 : i32
      %mul3A_119 = arith.muli %add3A, %mul3A_118 : i32
      %add3A_120 = arith.constant 1 : i32
      %add3A_121 = arith.addi %mul3A_8, %add3A_120 : i32
      %mul3A_122 = arith.constant 80 : i32
      %mul3A_123 = arith.muli %add3A_121, %mul3A_122 : i32
      %add3A_124 = arith.addi %mul3A_119, %mul3A_123 : i32
      %dma_start3A_125 = arith.constant 1 : i32
      %dma_start3A_126 = arith.constant 0 : i32
      %dma_start3A_127 = arith.constant 0 : i32
      %dma_start3A_128 = tpu.memref_slice %arg6[%dma_start3A_125, %dma_start3A_126, %dma_start3A_127] : memref<5x80x16xf32, #tpu.memory_space<vmem>> -> memref<1x80x16xf32, #tpu.memory_space<vmem>>
      %dma_start3A_129 = tpu.memref_squeeze %dma_start3A_128 : memref<1x80x16xf32, #tpu.memory_space<vmem>> -> memref<80x16xf32, #tpu.memory_space<vmem>>
      %dma_start3A_130 = arith.constant 0 : i32
      %dma_start3A_131 = tpu.memref_slice %arg4[%add3A_124, %dma_start3A_130] : memref<153600x128xf32, #tpu.memory_space<hbm>> -> memref<80x16xf32, #tpu.memory_space<hbm>>
      %dma_start3A_132 = arith.constant 0 : i32
      %dma_start3A_133 = tpu.memref_slice %arg4[%add3A_124, %dma_start3A_132] : memref<153600x128xf32, #tpu.memory_space<hbm>> -> memref<80x16xf32, #tpu.memory_space<hbm>>
      %dma_start3A_134 = arith.constant 0 : i32
      %dma_start3A_135 = arith.constant 0 : i32
      %dma_start3A_136 = tpu.memref_slice %arg6[%dma_start3A_125, %dma_start3A_134, %dma_start3A_135] : memref<5x80x16xf32, #tpu.memory_space<vmem>> -> memref<1x80x16xf32, #tpu.memory_space<vmem>>
      %dma_start3A_137 = tpu.memref_squeeze %dma_start3A_136 : memref<1x80x16xf32, #tpu.memory_space<vmem>> -> memref<80x16xf32, #tpu.memory_space<vmem>>
      tpu.enqueue_dma source(%dma_start3A_137 : memref<80x16xf32, #tpu.memory_space<vmem>>) target(%dma_start3A_133 : memref<80x16xf32, #tpu.memory_space<hbm>>) target_semaphore(%arg8 : memref<!tpu.dma_semaphore, #tpu.memory_space<semaphore_mem>>)
      %add3A_138 = arith.constant 2 : i32
      %add3A_139 = arith.addi %mul3A_8, %add3A_138 : i32
      %dma_wait3A_140 = arith.constant 2 : i32
      %dma_wait3A_141 = arith.constant 0 : i32
      %dma_wait3A_142 = arith.constant 0 : i32
      %dma_wait3A_143 = tpu.memref_slice %arg6[%dma_wait3A_140, %dma_wait3A_141, %dma_wait3A_142] : memref<5x80x16xf32, #tpu.memory_space<vmem>> -> memref<1x80x16xf32, #tpu.memory_space<vmem>>
      %dma_wait3A_144 = tpu.memref_squeeze %dma_wait3A_143 : memref<1x80x16xf32, #tpu.memory_space<vmem>> -> memref<80x16xf32, #tpu.memory_space<vmem>>
      %dma_wait3A_145 = arith.constant 0 : i32
      %dma_wait3A_146 = tpu.memref_slice %arg5[%add3A_139, %dma_wait3A_145] : memref<60x80xi32, #tpu.memory_space<vmem>> -> memref<1x80xi32, #tpu.memory_space<vmem>>
      %dma_wait3A_147 = tpu.memref_squeeze %dma_wait3A_146 : memref<1x80xi32, #tpu.memory_space<vmem>> -> memref<80xi32, #tpu.memory_space<vmem>>
      %dma_wait3A_148 = arith.constant 0 : i32
      %dma_wait3A_149 = arith.constant 0 : i32
      %dma_wait3A_150 = tpu.memref_slice %arg2[%dma_wait3A_148, %dma_wait3A_149] : memref<20000x16xf32, #tpu.memory_space<hbm>> -> memref<20000x16xf32, #tpu.memory_space<hbm>>
      tpu.wait_indirect_dma semaphore(%arg7 : memref<!tpu.dma_semaphore, #tpu.memory_space<semaphore_mem>>) src(%dma_wait3A_150 : memref<20000x16xf32, #tpu.memory_space<hbm>>) dst(%dma_wait3A_144 : memref<80x16xf32, #tpu.memory_space<vmem>>)
      %mul3A_151 = arith.constant 4800 : i32
      %mul3A_152 = arith.muli %add3A, %mul3A_151 : i32
      %add3A_153 = arith.constant 2 : i32
      %add3A_154 = arith.addi %mul3A_8, %add3A_153 : i32
      %mul3A_155 = arith.constant 80 : i32
      %mul3A_156 = arith.muli %add3A_154, %mul3A_155 : i32
      %add3A_157 = arith.addi %mul3A_152, %mul3A_156 : i32
      %dma_start3A_158 = arith.constant 2 : i32
      %dma_start3A_159 = arith.constant 0 : i32
      %dma_start3A_160 = arith.constant 0 : i32
      %dma_start3A_161 = tpu.memref_slice %arg6[%dma_start3A_158, %dma_start3A_159, %dma_start3A_160] : memref<5x80x16xf32, #tpu.memory_space<vmem>> -> memref<1x80x16xf32, #tpu.memory_space<vmem>>
      %dma_start3A_162 = tpu.memref_squeeze %dma_start3A_161 : memref<1x80x16xf32, #tpu.memory_space<vmem>> -> memref<80x16xf32, #tpu.memory_space<vmem>>
      %dma_start3A_163 = arith.constant 0 : i32
      %dma_start3A_164 = tpu.memref_slice %arg4[%add3A_157, %dma_start3A_163] : memref<153600x128xf32, #tpu.memory_space<hbm>> -> memref<80x16xf32, #tpu.memory_space<hbm>>
      %dma_start3A_165 = arith.constant 0 : i32
      %dma_start3A_166 = tpu.memref_slice %arg4[%add3A_157, %dma_start3A_165] : memref<153600x128xf32, #tpu.memory_space<hbm>> -> memref<80x16xf32, #tpu.memory_space<hbm>>
      %dma_start3A_167 = arith.constant 0 : i32
      %dma_start3A_168 = arith.constant 0 : i32
      %dma_start3A_169 = tpu.memref_slice %arg6[%dma_start3A_158, %dma_start3A_167, %dma_start3A_168] : memref<5x80x16xf32, #tpu.memory_space<vmem>> -> memref<1x80x16xf32, #tpu.memory_space<vmem>>
      %dma_start3A_170 = tpu.memref_squeeze %dma_start3A_169 : memref<1x80x16xf32, #tpu.memory_space<vmem>> -> memref<80x16xf32, #tpu.memory_space<vmem>>
      tpu.enqueue_dma source(%dma_start3A_170 : memref<80x16xf32, #tpu.memory_space<vmem>>) target(%dma_start3A_166 : memref<80x16xf32, #tpu.memory_space<hbm>>) target_semaphore(%arg8 : memref<!tpu.dma_semaphore, #tpu.memory_space<semaphore_mem>>)
      %add3A_171 = arith.constant 3 : i32
      %add3A_172 = arith.addi %mul3A_8, %add3A_171 : i32
      %dma_wait3A_173 = arith.constant 3 : i32
      %dma_wait3A_174 = arith.constant 0 : i32
      %dma_wait3A_175 = arith.constant 0 : i32
      %dma_wait3A_176 = tpu.memref_slice %arg6[%dma_wait3A_173, %dma_wait3A_174, %dma_wait3A_175] : memref<5x80x16xf32, #tpu.memory_space<vmem>> -> memref<1x80x16xf32, #tpu.memory_space<vmem>>
      %dma_wait3A_177 = tpu.memref_squeeze %dma_wait3A_176 : memref<1x80x16xf32, #tpu.memory_space<vmem>> -> memref<80x16xf32, #tpu.memory_space<vmem>>
      %dma_wait3A_178 = arith.constant 0 : i32
      %dma_wait3A_179 = tpu.memref_slice %arg5[%add3A_172, %dma_wait3A_178] : memref<60x80xi32, #tpu.memory_space<vmem>> -> memref<1x80xi32, #tpu.memory_space<vmem>>
      %dma_wait3A_180 = tpu.memref_squeeze %dma_wait3A_179 : memref<1x80xi32, #tpu.memory_space<vmem>> -> memref<80xi32, #tpu.memory_space<vmem>>
      %dma_wait3A_181 = arith.constant 0 : i32
      %dma_wait3A_182 = arith.constant 0 : i32
      %dma_wait3A_183 = tpu.memref_slice %arg2[%dma_wait3A_181, %dma_wait3A_182] : memref<20000x16xf32, #tpu.memory_space<hbm>> -> memref<20000x16xf32, #tpu.memory_space<hbm>>
      tpu.wait_indirect_dma semaphore(%arg7 : memref<!tpu.dma_semaphore, #tpu.memory_space<semaphore_mem>>) src(%dma_wait3A_183 : memref<20000x16xf32, #tpu.memory_space<hbm>>) dst(%dma_wait3A_177 : memref<80x16xf32, #tpu.memory_space<vmem>>)
      %mul3A_184 = arith.constant 4800 : i32
      %mul3A_185 = arith.muli %add3A, %mul3A_184 : i32
      %add3A_186 = arith.constant 3 : i32
      %add3A_187 = arith.addi %mul3A_8, %add3A_186 : i32
      %mul3A_188 = arith.constant 80 : i32
      %mul3A_189 = arith.muli %add3A_187, %mul3A_188 : i32
      %add3A_190 = arith.addi %mul3A_185, %mul3A_189 : i32
      %dma_start3A_191 = arith.constant 3 : i32
      %dma_start3A_192 = arith.constant 0 : i32
      %dma_start3A_193 = arith.constant 0 : i32
      %dma_start3A_194 = tpu.memref_slice %arg6[%dma_start3A_191, %dma_start3A_192, %dma_start3A_193] : memref<5x80x16xf32, #tpu.memory_space<vmem>> -> memref<1x80x16xf32, #tpu.memory_space<vmem>>
      %dma_start3A_195 = tpu.memref_squeeze %dma_start3A_194 : memref<1x80x16xf32, #tpu.memory_space<vmem>> -> memref<80x16xf32, #tpu.memory_space<vmem>>
      %dma_start3A_196 = arith.constant 0 : i32
      %dma_start3A_197 = tpu.memref_slice %arg4[%add3A_190, %dma_start3A_196] : memref<153600x128xf32, #tpu.memory_space<hbm>> -> memref<80x16xf32, #tpu.memory_space<hbm>>
      %dma_start3A_198 = arith.constant 0 : i32
      %dma_start3A_199 = tpu.memref_slice %arg4[%add3A_190, %dma_start3A_198] : memref<153600x128xf32, #tpu.memory_space<hbm>> -> memref<80x16xf32, #tpu.memory_space<hbm>>
      %dma_start3A_200 = arith.constant 0 : i32
      %dma_start3A_201 = arith.constant 0 : i32
      %dma_start3A_202 = tpu.memref_slice %arg6[%dma_start3A_191, %dma_start3A_200, %dma_start3A_201] : memref<5x80x16xf32, #tpu.memory_space<vmem>> -> memref<1x80x16xf32, #tpu.memory_space<vmem>>
      %dma_start3A_203 = tpu.memref_squeeze %dma_start3A_202 : memref<1x80x16xf32, #tpu.memory_space<vmem>> -> memref<80x16xf32, #tpu.memory_space<vmem>>
      tpu.enqueue_dma source(%dma_start3A_203 : memref<80x16xf32, #tpu.memory_space<vmem>>) target(%dma_start3A_199 : memref<80x16xf32, #tpu.memory_space<hbm>>) target_semaphore(%arg8 : memref<!tpu.dma_semaphore, #tpu.memory_space<semaphore_mem>>)
      %add3A_204 = arith.constant 4 : i32
      %add3A_205 = arith.addi %mul3A_8, %add3A_204 : i32
      %dma_wait3A_206 = arith.constant 4 : i32
      %dma_wait3A_207 = arith.constant 0 : i32
      %dma_wait3A_208 = arith.constant 0 : i32
      %dma_wait3A_209 = tpu.memref_slice %arg6[%dma_wait3A_206, %dma_wait3A_207, %dma_wait3A_208] : memref<5x80x16xf32, #tpu.memory_space<vmem>> -> memref<1x80x16xf32, #tpu.memory_space<vmem>>
      %dma_wait3A_210 = tpu.memref_squeeze %dma_wait3A_209 : memref<1x80x16xf32, #tpu.memory_space<vmem>> -> memref<80x16xf32, #tpu.memory_space<vmem>>
      %dma_wait3A_211 = arith.constant 0 : i32
      %dma_wait3A_212 = tpu.memref_slice %arg5[%add3A_205, %dma_wait3A_211] : memref<60x80xi32, #tpu.memory_space<vmem>> -> memref<1x80xi32, #tpu.memory_space<vmem>>
      %dma_wait3A_213 = tpu.memref_squeeze %dma_wait3A_212 : memref<1x80xi32, #tpu.memory_space<vmem>> -> memref<80xi32, #tpu.memory_space<vmem>>
      %dma_wait3A_214 = arith.constant 0 : i32
      %dma_wait3A_215 = arith.constant 0 : i32
      %dma_wait3A_216 = tpu.memref_slice %arg2[%dma_wait3A_214, %dma_wait3A_215] : memref<20000x16xf32, #tpu.memory_space<hbm>> -> memref<20000x16xf32, #tpu.memory_space<hbm>>
      tpu.wait_indirect_dma semaphore(%arg7 : memref<!tpu.dma_semaphore, #tpu.memory_space<semaphore_mem>>) src(%dma_wait3A_216 : memref<20000x16xf32, #tpu.memory_space<hbm>>) dst(%dma_wait3A_210 : memref<80x16xf32, #tpu.memory_space<vmem>>)
      %mul3A_217 = arith.constant 4800 : i32
      %mul3A_218 = arith.muli %add3A, %mul3A_217 : i32
      %add3A_219 = arith.constant 4 : i32
      %add3A_220 = arith.addi %mul3A_8, %add3A_219 : i32
      %mul3A_221 = arith.constant 80 : i32
      %mul3A_222 = arith.muli %add3A_220, %mul3A_221 : i32
      %add3A_223 = arith.addi %mul3A_218, %mul3A_222 : i32
      %dma_start3A_224 = arith.constant 4 : i32
      %dma_start3A_225 = arith.constant 0 : i32
      %dma_start3A_226 = arith.constant 0 : i32
      %dma_start3A_227 = tpu.memref_slice %arg6[%dma_start3A_224, %dma_start3A_225, %dma_start3A_226] : memref<5x80x16xf32, #tpu.memory_space<vmem>> -> memref<1x80x16xf32, #tpu.memory_space<vmem>>
      %dma_start3A_228 = tpu.memref_squeeze %dma_start3A_227 : memref<1x80x16xf32, #tpu.memory_space<vmem>> -> memref<80x16xf32, #tpu.memory_space<vmem>>
      %dma_start3A_229 = arith.constant 0 : i32
      %dma_start3A_230 = tpu.memref_slice %arg4[%add3A_223, %dma_start3A_229] : memref<153600x128xf32, #tpu.memory_space<hbm>> -> memref<80x16xf32, #tpu.memory_space<hbm>>
      %dma_start3A_231 = arith.constant 0 : i32
      %dma_start3A_232 = tpu.memref_slice %arg4[%add3A_223, %dma_start3A_231] : memref<153600x128xf32, #tpu.memory_space<hbm>> -> memref<80x16xf32, #tpu.memory_space<hbm>>
      %dma_start3A_233 = arith.constant 0 : i32
      %dma_start3A_234 = arith.constant 0 : i32
      %dma_start3A_235 = tpu.memref_slice %arg6[%dma_start3A_224, %dma_start3A_233, %dma_start3A_234] : memref<5x80x16xf32, #tpu.memory_space<vmem>> -> memref<1x80x16xf32, #tpu.memory_space<vmem>>
      %dma_start3A_236 = tpu.memref_squeeze %dma_start3A_235 : memref<1x80x16xf32, #tpu.memory_space<vmem>> -> memref<80x16xf32, #tpu.memory_space<vmem>>
      tpu.enqueue_dma source(%dma_start3A_236 : memref<80x16xf32, #tpu.memory_space<vmem>>) target(%dma_start3A_232 : memref<80x16xf32, #tpu.memory_space<hbm>>) target_semaphore(%arg8 : memref<!tpu.dma_semaphore, #tpu.memory_space<semaphore_mem>>)
      %mul3A_237 = arith.constant 4800 : i32
      %mul3A_238 = arith.muli %add3A, %mul3A_237 : i32
      %add3A_239 = arith.constant 0 : i32
      %add3A_240 = arith.addi %mul3A_8, %add3A_239 : i32
      %mul3A_241 = arith.constant 80 : i32
      %mul3A_242 = arith.muli %add3A_240, %mul3A_241 : i32
      %add3A_243 = arith.addi %mul3A_238, %mul3A_242 : i32
      %dma_wait3A_244 = arith.constant 0 : i32
      %dma_wait3A_245 = arith.constant 0 : i32
      %dma_wait3A_246 = arith.constant 0 : i32
      %dma_wait3A_247 = tpu.memref_slice %arg6[%dma_wait3A_244, %dma_wait3A_245, %dma_wait3A_246] : memref<5x80x16xf32, #tpu.memory_space<vmem>> -> memref<1x80x16xf32, #tpu.memory_space<vmem>>
      %dma_wait3A_248 = tpu.memref_squeeze %dma_wait3A_247 : memref<1x80x16xf32, #tpu.memory_space<vmem>> -> memref<80x16xf32, #tpu.memory_space<vmem>>
      %dma_wait3A_249 = arith.constant 0 : i32
      %dma_wait3A_250 = tpu.memref_slice %arg4[%add3A_243, %dma_wait3A_249] : memref<153600x128xf32, #tpu.memory_space<hbm>> -> memref<80x16xf32, #tpu.memory_space<hbm>>
      %dma_wait3A_251 = arith.constant 0 : i32
      %dma_wait3A_252 = tpu.memref_slice %arg4[%add3A_243, %dma_wait3A_251] : memref<153600x128xf32, #tpu.memory_space<hbm>> -> memref<80x16xf32, #tpu.memory_space<hbm>>
      %dma_wait3A_253 = arith.constant 0 : i32
      %dma_wait3A_254 = arith.constant 0 : i32
      %dma_wait3A_255 = tpu.memref_slice %arg6[%dma_wait3A_244, %dma_wait3A_253, %dma_wait3A_254] : memref<5x80x16xf32, #tpu.memory_space<vmem>> -> memref<1x80x16xf32, #tpu.memory_space<vmem>>
      %dma_wait3A_256 = tpu.memref_squeeze %dma_wait3A_255 : memref<1x80x16xf32, #tpu.memory_space<vmem>> -> memref<80x16xf32, #tpu.memory_space<vmem>>
      tpu.wait_dma2 semaphore(%arg8 : memref<!tpu.dma_semaphore, #tpu.memory_space<semaphore_mem>>) src(%dma_wait3A_256 : memref<80x16xf32, #tpu.memory_space<vmem>>) dst(%dma_wait3A_252 : memref<80x16xf32, #tpu.memory_space<hbm>>)
      %mul3A_257 = arith.constant 4800 : i32
      %mul3A_258 = arith.muli %add3A, %mul3A_257 : i32
      %add3A_259 = arith.constant 1 : i32
      %add3A_260 = arith.addi %mul3A_8, %add3A_259 : i32
      %mul3A_261 = arith.constant 80 : i32
      %mul3A_262 = arith.muli %add3A_260, %mul3A_261 : i32
      %add3A_263 = arith.addi %mul3A_258, %mul3A_262 : i32
      %dma_wait3A_264 = arith.constant 1 : i32
      %dma_wait3A_265 = arith.constant 0 : i32
      %dma_wait3A_266 = arith.constant 0 : i32
      %dma_wait3A_267 = tpu.memref_slice %arg6[%dma_wait3A_264, %dma_wait3A_265, %dma_wait3A_266] : memref<5x80x16xf32, #tpu.memory_space<vmem>> -> memref<1x80x16xf32, #tpu.memory_space<vmem>>
      %dma_wait3A_268 = tpu.memref_squeeze %dma_wait3A_267 : memref<1x80x16xf32, #tpu.memory_space<vmem>> -> memref<80x16xf32, #tpu.memory_space<vmem>>
      %dma_wait3A_269 = arith.constant 0 : i32
      %dma_wait3A_270 = tpu.memref_slice %arg4[%add3A_263, %dma_wait3A_269] : memref<153600x128xf32, #tpu.memory_space<hbm>> -> memref<80x16xf32, #tpu.memory_space<hbm>>
      %dma_wait3A_271 = arith.constant 0 : i32
      %dma_wait3A_272 = tpu.memref_slice %arg4[%add3A_263, %dma_wait3A_271] : memref<153600x128xf32, #tpu.memory_space<hbm>> -> memref<80x16xf32, #tpu.memory_space<hbm>>
      %dma_wait3A_273 = arith.constant 0 : i32
      %dma_wait3A_274 = arith.constant 0 : i32
      %dma_wait3A_275 = tpu.memref_slice %arg6[%dma_wait3A_264, %dma_wait3A_273, %dma_wait3A_274] : memref<5x80x16xf32, #tpu.memory_space<vmem>> -> memref<1x80x16xf32, #tpu.memory_space<vmem>>
      %dma_wait3A_276 = tpu.memref_squeeze %dma_wait3A_275 : memref<1x80x16xf32, #tpu.memory_space<vmem>> -> memref<80x16xf32, #tpu.memory_space<vmem>>
      tpu.wait_dma2 semaphore(%arg8 : memref<!tpu.dma_semaphore, #tpu.memory_space<semaphore_mem>>) src(%dma_wait3A_276 : memref<80x16xf32, #tpu.memory_space<vmem>>) dst(%dma_wait3A_272 : memref<80x16xf32, #tpu.memory_space<hbm>>)
      %mul3A_277 = arith.constant 4800 : i32
      %mul3A_278 = arith.muli %add3A, %mul3A_277 : i32
      %add3A_279 = arith.constant 2 : i32
      %add3A_280 = arith.addi %mul3A_8, %add3A_279 : i32
      %mul3A_281 = arith.constant 80 : i32
      %mul3A_282 = arith.muli %add3A_280, %mul3A_281 : i32
      %add3A_283 = arith.addi %mul3A_278, %mul3A_282 : i32
      %dma_wait3A_284 = arith.constant 2 : i32
      %dma_wait3A_285 = arith.constant 0 : i32
      %dma_wait3A_286 = arith.constant 0 : i32
      %dma_wait3A_287 = tpu.memref_slice %arg6[%dma_wait3A_284, %dma_wait3A_285, %dma_wait3A_286] : memref<5x80x16xf32, #tpu.memory_space<vmem>> -> memref<1x80x16xf32, #tpu.memory_space<vmem>>
      %dma_wait3A_288 = tpu.memref_squeeze %dma_wait3A_287 : memref<1x80x16xf32, #tpu.memory_space<vmem>> -> memref<80x16xf32, #tpu.memory_space<vmem>>
      %dma_wait3A_289 = arith.constant 0 : i32
      %dma_wait3A_290 = tpu.memref_slice %arg4[%add3A_283, %dma_wait3A_289] : memref<153600x128xf32, #tpu.memory_space<hbm>> -> memref<80x16xf32, #tpu.memory_space<hbm>>
      %dma_wait3A_291 = arith.constant 0 : i32
      %dma_wait3A_292 = tpu.memref_slice %arg4[%add3A_283, %dma_wait3A_291] : memref<153600x128xf32, #tpu.memory_space<hbm>> -> memref<80x16xf32, #tpu.memory_space<hbm>>
      %dma_wait3A_293 = arith.constant 0 : i32
      %dma_wait3A_294 = arith.constant 0 : i32
      %dma_wait3A_295 = tpu.memref_slice %arg6[%dma_wait3A_284, %dma_wait3A_293, %dma_wait3A_294] : memref<5x80x16xf32, #tpu.memory_space<vmem>> -> memref<1x80x16xf32, #tpu.memory_space<vmem>>
      %dma_wait3A_296 = tpu.memref_squeeze %dma_wait3A_295 : memref<1x80x16xf32, #tpu.memory_space<vmem>> -> memref<80x16xf32, #tpu.memory_space<vmem>>
      tpu.wait_dma2 semaphore(%arg8 : memref<!tpu.dma_semaphore, #tpu.memory_space<semaphore_mem>>) src(%dma_wait3A_296 : memref<80x16xf32, #tpu.memory_space<vmem>>) dst(%dma_wait3A_292 : memref<80x16xf32, #tpu.memory_space<hbm>>)
      %mul3A_297 = arith.constant 4800 : i32
      %mul3A_298 = arith.muli %add3A, %mul3A_297 : i32
      %add3A_299 = arith.constant 3 : i32
      %add3A_300 = arith.addi %mul3A_8, %add3A_299 : i32
      %mul3A_301 = arith.constant 80 : i32
      %mul3A_302 = arith.muli %add3A_300, %mul3A_301 : i32
      %add3A_303 = arith.addi %mul3A_298, %mul3A_302 : i32
      %dma_wait3A_304 = arith.constant 3 : i32
      %dma_wait3A_305 = arith.constant 0 : i32
      %dma_wait3A_306 = arith.constant 0 : i32
      %dma_wait3A_307 = tpu.memref_slice %arg6[%dma_wait3A_304, %dma_wait3A_305, %dma_wait3A_306] : memref<5x80x16xf32, #tpu.memory_space<vmem>> -> memref<1x80x16xf32, #tpu.memory_space<vmem>>
      %dma_wait3A_308 = tpu.memref_squeeze %dma_wait3A_307 : memref<1x80x16xf32, #tpu.memory_space<vmem>> -> memref<80x16xf32, #tpu.memory_space<vmem>>
      %dma_wait3A_309 = arith.constant 0 : i32
      %dma_wait3A_310 = tpu.memref_slice %arg4[%add3A_303, %dma_wait3A_309] : memref<153600x128xf32, #tpu.memory_space<hbm>> -> memref<80x16xf32, #tpu.memory_space<hbm>>
      %dma_wait3A_311 = arith.constant 0 : i32
      %dma_wait3A_312 = tpu.memref_slice %arg4[%add3A_303, %dma_wait3A_311] : memref<153600x128xf32, #tpu.memory_space<hbm>> -> memref<80x16xf32, #tpu.memory_space<hbm>>
      %dma_wait3A_313 = arith.constant 0 : i32
      %dma_wait3A_314 = arith.constant 0 : i32
      %dma_wait3A_315 = tpu.memref_slice %arg6[%dma_wait3A_304, %dma_wait3A_313, %dma_wait3A_314] : memref<5x80x16xf32, #tpu.memory_space<vmem>> -> memref<1x80x16xf32, #tpu.memory_space<vmem>>
      %dma_wait3A_316 = tpu.memref_squeeze %dma_wait3A_315 : memref<1x80x16xf32, #tpu.memory_space<vmem>> -> memref<80x16xf32, #tpu.memory_space<vmem>>
      tpu.wait_dma2 semaphore(%arg8 : memref<!tpu.dma_semaphore, #tpu.memory_space<semaphore_mem>>) src(%dma_wait3A_316 : memref<80x16xf32, #tpu.memory_space<vmem>>) dst(%dma_wait3A_312 : memref<80x16xf32, #tpu.memory_space<hbm>>)
      %mul3A_317 = arith.constant 4800 : i32
      %mul3A_318 = arith.muli %add3A, %mul3A_317 : i32
      %add3A_319 = arith.constant 4 : i32
      %add3A_320 = arith.addi %mul3A_8, %add3A_319 : i32
      %mul3A_321 = arith.constant 80 : i32
      %mul3A_322 = arith.muli %add3A_320, %mul3A_321 : i32
      %add3A_323 = arith.addi %mul3A_318, %mul3A_322 : i32
      %dma_wait3A_324 = arith.constant 4 : i32
      %dma_wait3A_325 = arith.constant 0 : i32
      %dma_wait3A_326 = arith.constant 0 : i32
      %dma_wait3A_327 = tpu.memref_slice %arg6[%dma_wait3A_324, %dma_wait3A_325, %dma_wait3A_326] : memref<5x80x16xf32, #tpu.memory_space<vmem>> -> memref<1x80x16xf32, #tpu.memory_space<vmem>>
      %dma_wait3A_328 = tpu.memref_squeeze %dma_wait3A_327 : memref<1x80x16xf32, #tpu.memory_space<vmem>> -> memref<80x16xf32, #tpu.memory_space<vmem>>
      %dma_wait3A_329 = arith.constant 0 : i32
      %dma_wait3A_330 = tpu.memref_slice %arg4[%add3A_323, %dma_wait3A_329] : memref<153600x128xf32, #tpu.memory_space<hbm>> -> memref<80x16xf32, #tpu.memory_space<hbm>>
      %dma_wait3A_331 = arith.constant 0 : i32
      %dma_wait3A_332 = tpu.memref_slice %arg4[%add3A_323, %dma_wait3A_331] : memref<153600x128xf32, #tpu.memory_space<hbm>> -> memref<80x16xf32, #tpu.memory_space<hbm>>
      %dma_wait3A_333 = arith.constant 0 : i32
      %dma_wait3A_334 = arith.constant 0 : i32
      %dma_wait3A_335 = tpu.memref_slice %arg6[%dma_wait3A_324, %dma_wait3A_333, %dma_wait3A_334] : memref<5x80x16xf32, #tpu.memory_space<vmem>> -> memref<1x80x16xf32, #tpu.memory_space<vmem>>
      %dma_wait3A_336 = tpu.memref_squeeze %dma_wait3A_335 : memref<1x80x16xf32, #tpu.memory_space<vmem>> -> memref<80x16xf32, #tpu.memory_space<vmem>>
      tpu.wait_dma2 semaphore(%arg8 : memref<!tpu.dma_semaphore, #tpu.memory_space<semaphore_mem>>) src(%dma_wait3A_336 : memref<80x16xf32, #tpu.memory_space<vmem>>) dst(%dma_wait3A_332 : memref<80x16xf32, #tpu.memory_space<hbm>>)
    }
    %scan3A_5 = arith.constant 12 : i32
    return
  }
}

#map = affine_map<(d0, d1) -> (0, 0)>
#map1 = affine_map<(d0, d1) -> (0, 0, 0)>
module attributes {stable_mosaic.version = 14 : i64} {
  func.func @_sc_gather(%arg0: i32, %arg1: i32, %arg2: memref<20000x16xf32, #tpu.memory_space<hbm>>, %arg3: memref<32x65x80xi32, #tpu.memory_space<hbm>>, %arg4: memref<166400x128xf32, #tpu.memory_space<hbm>>, %arg5: memref<65x80xi32, #tpu.memory_space<vmem>>, %arg6: memref<5x80x16xf32, #tpu.memory_space<vmem>>, %arg7: memref<!tpu.dma_semaphore, #tpu.memory_space<semaphore_mem>>, %arg8: memref<!tpu.dma_semaphore, #tpu.memory_space<semaphore_mem>>) attributes {dimension_semantics = [#tpu.dimension_semantics<core_parallel>, #tpu.dimension_semantics<subcore_parallel>], iteration_bounds = array<i64: 2, 16>, scalar_prefetch = 0 : i64, scratch_operands = 4 : i64, tpu.core_type = #tpu.core_type<sc_vector_subcore>, window_params = [{transform_indices = #map}, {transform_indices = #map1}, {transform_indices = #map}]} {
    %mul3A = arith.constant 2 : i32
    %mul3A_0 = arith.muli %arg1, %mul3A : i32
    %add3A = arith.addi %mul3A_0, %arg0 : i32
    "tpu.region"() ({
      %run_scoped3A = tpu.sem_alloc : memref<!tpu.dma_semaphore, #tpu.memory_space<semaphore_mem>>
      %dma_start3A = arith.constant 0 : i32
      %dma_start3A_6 = arith.constant 0 : i32
      %dma_start3A_7 = tpu.memref_slice %arg3[%add3A, %dma_start3A, %dma_start3A_6] : memref<32x65x80xi32, #tpu.memory_space<hbm>> -> memref<1x65x80xi32, #tpu.memory_space<hbm>>
      %dma_start3A_8 = tpu.memref_squeeze %dma_start3A_7 : memref<1x65x80xi32, #tpu.memory_space<hbm>> -> memref<65x80xi32, #tpu.memory_space<hbm>>
      %dma_start3A_9 = arith.constant 0 : i32
      %dma_start3A_10 = arith.constant 0 : i32
      %dma_start3A_11 = tpu.memref_slice %arg3[%add3A, %dma_start3A_9, %dma_start3A_10] : memref<32x65x80xi32, #tpu.memory_space<hbm>> -> memref<1x65x80xi32, #tpu.memory_space<hbm>>
      %dma_start3A_12 = tpu.memref_squeeze %dma_start3A_11 : memref<1x65x80xi32, #tpu.memory_space<hbm>> -> memref<65x80xi32, #tpu.memory_space<hbm>>
      tpu.enqueue_dma source(%dma_start3A_12 : memref<65x80xi32, #tpu.memory_space<hbm>>) target(%arg5 : memref<65x80xi32, #tpu.memory_space<vmem>>) target_semaphore(%run_scoped3A : memref<!tpu.dma_semaphore, #tpu.memory_space<semaphore_mem>>)
      %dma_wait3A = arith.constant 0 : i32
      %dma_wait3A_13 = arith.constant 0 : i32
      %dma_wait3A_14 = tpu.memref_slice %arg3[%add3A, %dma_wait3A, %dma_wait3A_13] : memref<32x65x80xi32, #tpu.memory_space<hbm>> -> memref<1x65x80xi32, #tpu.memory_space<hbm>>
      %dma_wait3A_15 = tpu.memref_squeeze %dma_wait3A_14 : memref<1x65x80xi32, #tpu.memory_space<hbm>> -> memref<65x80xi32, #tpu.memory_space<hbm>>
      %dma_wait3A_16 = arith.constant 0 : i32
      %dma_wait3A_17 = arith.constant 0 : i32
      %dma_wait3A_18 = tpu.memref_slice %arg3[%add3A, %dma_wait3A_16, %dma_wait3A_17] : memref<32x65x80xi32, #tpu.memory_space<hbm>> -> memref<1x65x80xi32, #tpu.memory_space<hbm>>
      %dma_wait3A_19 = tpu.memref_squeeze %dma_wait3A_18 : memref<1x65x80xi32, #tpu.memory_space<hbm>> -> memref<65x80xi32, #tpu.memory_space<hbm>>
      tpu.wait_dma2 semaphore(%run_scoped3A : memref<!tpu.dma_semaphore, #tpu.memory_space<semaphore_mem>>) src(%dma_wait3A_19 : memref<65x80xi32, #tpu.memory_space<hbm>>) dst(%arg5 : memref<65x80xi32, #tpu.memory_space<vmem>>)
      tpu.yield
    }) : () -> ()
    %scan3A = arith.constant 0 : i32
    %scan3A_1 = arith.constant 0 : i32
    %scan3A_2 = arith.constant 13 : i32
    %scan3A_3 = arith.addi %scan3A_1, %scan3A_2 : i32
    %scan3A_4 = arith.constant 1 : i32
    scf.for %scan3A_6 = %scan3A_1 to %scan3A_3 step %scan3A_4  : i32 {
      %mul3A_7 = arith.constant 5 : i32
      %mul3A_8 = arith.muli %scan3A_6, %mul3A_7 : i32
      %add3A_9 = arith.constant 0 : i32
      %add3A_10 = arith.addi %mul3A_8, %add3A_9 : i32
      %dma_start3A = arith.constant 0 : i32
      %dma_start3A_11 = arith.constant 0 : i32
      %dma_start3A_12 = arith.constant 0 : i32
      %dma_start3A_13 = tpu.memref_slice %arg6[%dma_start3A, %dma_start3A_11, %dma_start3A_12] : memref<5x80x16xf32, #tpu.memory_space<vmem>> -> memref<1x80x16xf32, #tpu.memory_space<vmem>>
      %dma_start3A_14 = tpu.memref_squeeze %dma_start3A_13 : memref<1x80x16xf32, #tpu.memory_space<vmem>> -> memref<80x16xf32, #tpu.memory_space<vmem>>
      %dma_start3A_15 = arith.constant 0 : i32
      %dma_start3A_16 = tpu.memref_slice %arg5[%add3A_10, %dma_start3A_15] : memref<65x80xi32, #tpu.memory_space<vmem>> -> memref<1x80xi32, #tpu.memory_space<vmem>>
      %dma_start3A_17 = tpu.memref_squeeze %dma_start3A_16 : memref<1x80xi32, #tpu.memory_space<vmem>> -> memref<80xi32, #tpu.memory_space<vmem>>
      %dma_start3A_18 = arith.constant 0 : i32
      %dma_start3A_19 = arith.constant 0 : i32
      %dma_start3A_20 = tpu.memref_slice %arg2[%dma_start3A_18, %dma_start3A_19] : memref<20000x16xf32, #tpu.memory_space<hbm>> -> memref<20000x16xf32, #tpu.memory_space<hbm>>
      tpu.enqueue_indirect_dma source(%dma_start3A_20 : memref<20000x16xf32, #tpu.memory_space<hbm>>) target(%dma_start3A_14 : memref<80x16xf32, #tpu.memory_space<vmem>>) offsets(%dma_start3A_17 : memref<80xi32, #tpu.memory_space<vmem>>) semaphore(%arg7 : memref<!tpu.dma_semaphore, #tpu.memory_space<semaphore_mem>>)
      %add3A_21 = arith.constant 1 : i32
      %add3A_22 = arith.addi %mul3A_8, %add3A_21 : i32
      %dma_start3A_23 = arith.constant 1 : i32
      %dma_start3A_24 = arith.constant 0 : i32
      %dma_start3A_25 = arith.constant 0 : i32
      %dma_start3A_26 = tpu.memref_slice %arg6[%dma_start3A_23, %dma_start3A_24, %dma_start3A_25] : memref<5x80x16xf32, #tpu.memory_space<vmem>> -> memref<1x80x16xf32, #tpu.memory_space<vmem>>
      %dma_start3A_27 = tpu.memref_squeeze %dma_start3A_26 : memref<1x80x16xf32, #tpu.memory_space<vmem>> -> memref<80x16xf32, #tpu.memory_space<vmem>>
      %dma_start3A_28 = arith.constant 0 : i32
      %dma_start3A_29 = tpu.memref_slice %arg5[%add3A_22, %dma_start3A_28] : memref<65x80xi32, #tpu.memory_space<vmem>> -> memref<1x80xi32, #tpu.memory_space<vmem>>
      %dma_start3A_30 = tpu.memref_squeeze %dma_start3A_29 : memref<1x80xi32, #tpu.memory_space<vmem>> -> memref<80xi32, #tpu.memory_space<vmem>>
      %dma_start3A_31 = arith.constant 0 : i32
      %dma_start3A_32 = arith.constant 0 : i32
      %dma_start3A_33 = tpu.memref_slice %arg2[%dma_start3A_31, %dma_start3A_32] : memref<20000x16xf32, #tpu.memory_space<hbm>> -> memref<20000x16xf32, #tpu.memory_space<hbm>>
      tpu.enqueue_indirect_dma source(%dma_start3A_33 : memref<20000x16xf32, #tpu.memory_space<hbm>>) target(%dma_start3A_27 : memref<80x16xf32, #tpu.memory_space<vmem>>) offsets(%dma_start3A_30 : memref<80xi32, #tpu.memory_space<vmem>>) semaphore(%arg7 : memref<!tpu.dma_semaphore, #tpu.memory_space<semaphore_mem>>)
      %add3A_34 = arith.constant 2 : i32
      %add3A_35 = arith.addi %mul3A_8, %add3A_34 : i32
      %dma_start3A_36 = arith.constant 2 : i32
      %dma_start3A_37 = arith.constant 0 : i32
      %dma_start3A_38 = arith.constant 0 : i32
      %dma_start3A_39 = tpu.memref_slice %arg6[%dma_start3A_36, %dma_start3A_37, %dma_start3A_38] : memref<5x80x16xf32, #tpu.memory_space<vmem>> -> memref<1x80x16xf32, #tpu.memory_space<vmem>>
      %dma_start3A_40 = tpu.memref_squeeze %dma_start3A_39 : memref<1x80x16xf32, #tpu.memory_space<vmem>> -> memref<80x16xf32, #tpu.memory_space<vmem>>
      %dma_start3A_41 = arith.constant 0 : i32
      %dma_start3A_42 = tpu.memref_slice %arg5[%add3A_35, %dma_start3A_41] : memref<65x80xi32, #tpu.memory_space<vmem>> -> memref<1x80xi32, #tpu.memory_space<vmem>>
      %dma_start3A_43 = tpu.memref_squeeze %dma_start3A_42 : memref<1x80xi32, #tpu.memory_space<vmem>> -> memref<80xi32, #tpu.memory_space<vmem>>
      %dma_start3A_44 = arith.constant 0 : i32
      %dma_start3A_45 = arith.constant 0 : i32
      %dma_start3A_46 = tpu.memref_slice %arg2[%dma_start3A_44, %dma_start3A_45] : memref<20000x16xf32, #tpu.memory_space<hbm>> -> memref<20000x16xf32, #tpu.memory_space<hbm>>
      tpu.enqueue_indirect_dma source(%dma_start3A_46 : memref<20000x16xf32, #tpu.memory_space<hbm>>) target(%dma_start3A_40 : memref<80x16xf32, #tpu.memory_space<vmem>>) offsets(%dma_start3A_43 : memref<80xi32, #tpu.memory_space<vmem>>) semaphore(%arg7 : memref<!tpu.dma_semaphore, #tpu.memory_space<semaphore_mem>>)
      %add3A_47 = arith.constant 3 : i32
      %add3A_48 = arith.addi %mul3A_8, %add3A_47 : i32
      %dma_start3A_49 = arith.constant 3 : i32
      %dma_start3A_50 = arith.constant 0 : i32
      %dma_start3A_51 = arith.constant 0 : i32
      %dma_start3A_52 = tpu.memref_slice %arg6[%dma_start3A_49, %dma_start3A_50, %dma_start3A_51] : memref<5x80x16xf32, #tpu.memory_space<vmem>> -> memref<1x80x16xf32, #tpu.memory_space<vmem>>
      %dma_start3A_53 = tpu.memref_squeeze %dma_start3A_52 : memref<1x80x16xf32, #tpu.memory_space<vmem>> -> memref<80x16xf32, #tpu.memory_space<vmem>>
      %dma_start3A_54 = arith.constant 0 : i32
      %dma_start3A_55 = tpu.memref_slice %arg5[%add3A_48, %dma_start3A_54] : memref<65x80xi32, #tpu.memory_space<vmem>> -> memref<1x80xi32, #tpu.memory_space<vmem>>
      %dma_start3A_56 = tpu.memref_squeeze %dma_start3A_55 : memref<1x80xi32, #tpu.memory_space<vmem>> -> memref<80xi32, #tpu.memory_space<vmem>>
      %dma_start3A_57 = arith.constant 0 : i32
      %dma_start3A_58 = arith.constant 0 : i32
      %dma_start3A_59 = tpu.memref_slice %arg2[%dma_start3A_57, %dma_start3A_58] : memref<20000x16xf32, #tpu.memory_space<hbm>> -> memref<20000x16xf32, #tpu.memory_space<hbm>>
      tpu.enqueue_indirect_dma source(%dma_start3A_59 : memref<20000x16xf32, #tpu.memory_space<hbm>>) target(%dma_start3A_53 : memref<80x16xf32, #tpu.memory_space<vmem>>) offsets(%dma_start3A_56 : memref<80xi32, #tpu.memory_space<vmem>>) semaphore(%arg7 : memref<!tpu.dma_semaphore, #tpu.memory_space<semaphore_mem>>)
      %add3A_60 = arith.constant 4 : i32
      %add3A_61 = arith.addi %mul3A_8, %add3A_60 : i32
      %dma_start3A_62 = arith.constant 4 : i32
      %dma_start3A_63 = arith.constant 0 : i32
      %dma_start3A_64 = arith.constant 0 : i32
      %dma_start3A_65 = tpu.memref_slice %arg6[%dma_start3A_62, %dma_start3A_63, %dma_start3A_64] : memref<5x80x16xf32, #tpu.memory_space<vmem>> -> memref<1x80x16xf32, #tpu.memory_space<vmem>>
      %dma_start3A_66 = tpu.memref_squeeze %dma_start3A_65 : memref<1x80x16xf32, #tpu.memory_space<vmem>> -> memref<80x16xf32, #tpu.memory_space<vmem>>
      %dma_start3A_67 = arith.constant 0 : i32
      %dma_start3A_68 = tpu.memref_slice %arg5[%add3A_61, %dma_start3A_67] : memref<65x80xi32, #tpu.memory_space<vmem>> -> memref<1x80xi32, #tpu.memory_space<vmem>>
      %dma_start3A_69 = tpu.memref_squeeze %dma_start3A_68 : memref<1x80xi32, #tpu.memory_space<vmem>> -> memref<80xi32, #tpu.memory_space<vmem>>
      %dma_start3A_70 = arith.constant 0 : i32
      %dma_start3A_71 = arith.constant 0 : i32
      %dma_start3A_72 = tpu.memref_slice %arg2[%dma_start3A_70, %dma_start3A_71] : memref<20000x16xf32, #tpu.memory_space<hbm>> -> memref<20000x16xf32, #tpu.memory_space<hbm>>
      tpu.enqueue_indirect_dma source(%dma_start3A_72 : memref<20000x16xf32, #tpu.memory_space<hbm>>) target(%dma_start3A_66 : memref<80x16xf32, #tpu.memory_space<vmem>>) offsets(%dma_start3A_69 : memref<80xi32, #tpu.memory_space<vmem>>) semaphore(%arg7 : memref<!tpu.dma_semaphore, #tpu.memory_space<semaphore_mem>>)
      %add3A_73 = arith.constant 0 : i32
      %add3A_74 = arith.addi %mul3A_8, %add3A_73 : i32
      %dma_wait3A = arith.constant 0 : i32
      %dma_wait3A_75 = arith.constant 0 : i32
      %dma_wait3A_76 = arith.constant 0 : i32
      %dma_wait3A_77 = tpu.memref_slice %arg6[%dma_wait3A, %dma_wait3A_75, %dma_wait3A_76] : memref<5x80x16xf32, #tpu.memory_space<vmem>> -> memref<1x80x16xf32, #tpu.memory_space<vmem>>
      %dma_wait3A_78 = tpu.memref_squeeze %dma_wait3A_77 : memref<1x80x16xf32, #tpu.memory_space<vmem>> -> memref<80x16xf32, #tpu.memory_space<vmem>>
      %dma_wait3A_79 = arith.constant 0 : i32
      %dma_wait3A_80 = tpu.memref_slice %arg5[%add3A_74, %dma_wait3A_79] : memref<65x80xi32, #tpu.memory_space<vmem>> -> memref<1x80xi32, #tpu.memory_space<vmem>>
      %dma_wait3A_81 = tpu.memref_squeeze %dma_wait3A_80 : memref<1x80xi32, #tpu.memory_space<vmem>> -> memref<80xi32, #tpu.memory_space<vmem>>
      %dma_wait3A_82 = arith.constant 0 : i32
      %dma_wait3A_83 = arith.constant 0 : i32
      %dma_wait3A_84 = tpu.memref_slice %arg2[%dma_wait3A_82, %dma_wait3A_83] : memref<20000x16xf32, #tpu.memory_space<hbm>> -> memref<20000x16xf32, #tpu.memory_space<hbm>>
      tpu.wait_indirect_dma semaphore(%arg7 : memref<!tpu.dma_semaphore, #tpu.memory_space<semaphore_mem>>) src(%dma_wait3A_84 : memref<20000x16xf32, #tpu.memory_space<hbm>>) dst(%dma_wait3A_78 : memref<80x16xf32, #tpu.memory_space<vmem>>)
      %mul3A_85 = arith.constant 5200 : i32
      %mul3A_86 = arith.muli %add3A, %mul3A_85 : i32
      %add3A_87 = arith.constant 0 : i32
      %add3A_88 = arith.addi %mul3A_8, %add3A_87 : i32
      %mul3A_89 = arith.constant 80 : i32
      %mul3A_90 = arith.muli %add3A_88, %mul3A_89 : i32
      %add3A_91 = arith.addi %mul3A_86, %mul3A_90 : i32
      %dma_start3A_92 = arith.constant 0 : i32
      %dma_start3A_93 = arith.constant 0 : i32
      %dma_start3A_94 = arith.constant 0 : i32
      %dma_start3A_95 = tpu.memref_slice %arg6[%dma_start3A_92, %dma_start3A_93, %dma_start3A_94] : memref<5x80x16xf32, #tpu.memory_space<vmem>> -> memref<1x80x16xf32, #tpu.memory_space<vmem>>
      %dma_start3A_96 = tpu.memref_squeeze %dma_start3A_95 : memref<1x80x16xf32, #tpu.memory_space<vmem>> -> memref<80x16xf32, #tpu.memory_space<vmem>>
      %dma_start3A_97 = arith.constant 0 : i32
      %dma_start3A_98 = tpu.memref_slice %arg4[%add3A_91, %dma_start3A_97] : memref<166400x128xf32, #tpu.memory_space<hbm>> -> memref<80x16xf32, #tpu.memory_space<hbm>>
      %dma_start3A_99 = arith.constant 0 : i32
      %dma_start3A_100 = tpu.memref_slice %arg4[%add3A_91, %dma_start3A_99] : memref<166400x128xf32, #tpu.memory_space<hbm>> -> memref<80x16xf32, #tpu.memory_space<hbm>>
      %dma_start3A_101 = arith.constant 0 : i32
      %dma_start3A_102 = arith.constant 0 : i32
      %dma_start3A_103 = tpu.memref_slice %arg6[%dma_start3A_92, %dma_start3A_101, %dma_start3A_102] : memref<5x80x16xf32, #tpu.memory_space<vmem>> -> memref<1x80x16xf32, #tpu.memory_space<vmem>>
      %dma_start3A_104 = tpu.memref_squeeze %dma_start3A_103 : memref<1x80x16xf32, #tpu.memory_space<vmem>> -> memref<80x16xf32, #tpu.memory_space<vmem>>
      tpu.enqueue_dma source(%dma_start3A_104 : memref<80x16xf32, #tpu.memory_space<vmem>>) target(%dma_start3A_100 : memref<80x16xf32, #tpu.memory_space<hbm>>) target_semaphore(%arg8 : memref<!tpu.dma_semaphore, #tpu.memory_space<semaphore_mem>>)
      %add3A_105 = arith.constant 1 : i32
      %add3A_106 = arith.addi %mul3A_8, %add3A_105 : i32
      %dma_wait3A_107 = arith.constant 1 : i32
      %dma_wait3A_108 = arith.constant 0 : i32
      %dma_wait3A_109 = arith.constant 0 : i32
      %dma_wait3A_110 = tpu.memref_slice %arg6[%dma_wait3A_107, %dma_wait3A_108, %dma_wait3A_109] : memref<5x80x16xf32, #tpu.memory_space<vmem>> -> memref<1x80x16xf32, #tpu.memory_space<vmem>>
      %dma_wait3A_111 = tpu.memref_squeeze %dma_wait3A_110 : memref<1x80x16xf32, #tpu.memory_space<vmem>> -> memref<80x16xf32, #tpu.memory_space<vmem>>
      %dma_wait3A_112 = arith.constant 0 : i32
      %dma_wait3A_113 = tpu.memref_slice %arg5[%add3A_106, %dma_wait3A_112] : memref<65x80xi32, #tpu.memory_space<vmem>> -> memref<1x80xi32, #tpu.memory_space<vmem>>
      %dma_wait3A_114 = tpu.memref_squeeze %dma_wait3A_113 : memref<1x80xi32, #tpu.memory_space<vmem>> -> memref<80xi32, #tpu.memory_space<vmem>>
      %dma_wait3A_115 = arith.constant 0 : i32
      %dma_wait3A_116 = arith.constant 0 : i32
      %dma_wait3A_117 = tpu.memref_slice %arg2[%dma_wait3A_115, %dma_wait3A_116] : memref<20000x16xf32, #tpu.memory_space<hbm>> -> memref<20000x16xf32, #tpu.memory_space<hbm>>
      tpu.wait_indirect_dma semaphore(%arg7 : memref<!tpu.dma_semaphore, #tpu.memory_space<semaphore_mem>>) src(%dma_wait3A_117 : memref<20000x16xf32, #tpu.memory_space<hbm>>) dst(%dma_wait3A_111 : memref<80x16xf32, #tpu.memory_space<vmem>>)
      %mul3A_118 = arith.constant 5200 : i32
      %mul3A_119 = arith.muli %add3A, %mul3A_118 : i32
      %add3A_120 = arith.constant 1 : i32
      %add3A_121 = arith.addi %mul3A_8, %add3A_120 : i32
      %mul3A_122 = arith.constant 80 : i32
      %mul3A_123 = arith.muli %add3A_121, %mul3A_122 : i32
      %add3A_124 = arith.addi %mul3A_119, %mul3A_123 : i32
      %dma_start3A_125 = arith.constant 1 : i32
      %dma_start3A_126 = arith.constant 0 : i32
      %dma_start3A_127 = arith.constant 0 : i32
      %dma_start3A_128 = tpu.memref_slice %arg6[%dma_start3A_125, %dma_start3A_126, %dma_start3A_127] : memref<5x80x16xf32, #tpu.memory_space<vmem>> -> memref<1x80x16xf32, #tpu.memory_space<vmem>>
      %dma_start3A_129 = tpu.memref_squeeze %dma_start3A_128 : memref<1x80x16xf32, #tpu.memory_space<vmem>> -> memref<80x16xf32, #tpu.memory_space<vmem>>
      %dma_start3A_130 = arith.constant 0 : i32
      %dma_start3A_131 = tpu.memref_slice %arg4[%add3A_124, %dma_start3A_130] : memref<166400x128xf32, #tpu.memory_space<hbm>> -> memref<80x16xf32, #tpu.memory_space<hbm>>
      %dma_start3A_132 = arith.constant 0 : i32
      %dma_start3A_133 = tpu.memref_slice %arg4[%add3A_124, %dma_start3A_132] : memref<166400x128xf32, #tpu.memory_space<hbm>> -> memref<80x16xf32, #tpu.memory_space<hbm>>
      %dma_start3A_134 = arith.constant 0 : i32
      %dma_start3A_135 = arith.constant 0 : i32
      %dma_start3A_136 = tpu.memref_slice %arg6[%dma_start3A_125, %dma_start3A_134, %dma_start3A_135] : memref<5x80x16xf32, #tpu.memory_space<vmem>> -> memref<1x80x16xf32, #tpu.memory_space<vmem>>
      %dma_start3A_137 = tpu.memref_squeeze %dma_start3A_136 : memref<1x80x16xf32, #tpu.memory_space<vmem>> -> memref<80x16xf32, #tpu.memory_space<vmem>>
      tpu.enqueue_dma source(%dma_start3A_137 : memref<80x16xf32, #tpu.memory_space<vmem>>) target(%dma_start3A_133 : memref<80x16xf32, #tpu.memory_space<hbm>>) target_semaphore(%arg8 : memref<!tpu.dma_semaphore, #tpu.memory_space<semaphore_mem>>)
      %add3A_138 = arith.constant 2 : i32
      %add3A_139 = arith.addi %mul3A_8, %add3A_138 : i32
      %dma_wait3A_140 = arith.constant 2 : i32
      %dma_wait3A_141 = arith.constant 0 : i32
      %dma_wait3A_142 = arith.constant 0 : i32
      %dma_wait3A_143 = tpu.memref_slice %arg6[%dma_wait3A_140, %dma_wait3A_141, %dma_wait3A_142] : memref<5x80x16xf32, #tpu.memory_space<vmem>> -> memref<1x80x16xf32, #tpu.memory_space<vmem>>
      %dma_wait3A_144 = tpu.memref_squeeze %dma_wait3A_143 : memref<1x80x16xf32, #tpu.memory_space<vmem>> -> memref<80x16xf32, #tpu.memory_space<vmem>>
      %dma_wait3A_145 = arith.constant 0 : i32
      %dma_wait3A_146 = tpu.memref_slice %arg5[%add3A_139, %dma_wait3A_145] : memref<65x80xi32, #tpu.memory_space<vmem>> -> memref<1x80xi32, #tpu.memory_space<vmem>>
      %dma_wait3A_147 = tpu.memref_squeeze %dma_wait3A_146 : memref<1x80xi32, #tpu.memory_space<vmem>> -> memref<80xi32, #tpu.memory_space<vmem>>
      %dma_wait3A_148 = arith.constant 0 : i32
      %dma_wait3A_149 = arith.constant 0 : i32
      %dma_wait3A_150 = tpu.memref_slice %arg2[%dma_wait3A_148, %dma_wait3A_149] : memref<20000x16xf32, #tpu.memory_space<hbm>> -> memref<20000x16xf32, #tpu.memory_space<hbm>>
      tpu.wait_indirect_dma semaphore(%arg7 : memref<!tpu.dma_semaphore, #tpu.memory_space<semaphore_mem>>) src(%dma_wait3A_150 : memref<20000x16xf32, #tpu.memory_space<hbm>>) dst(%dma_wait3A_144 : memref<80x16xf32, #tpu.memory_space<vmem>>)
      %mul3A_151 = arith.constant 5200 : i32
      %mul3A_152 = arith.muli %add3A, %mul3A_151 : i32
      %add3A_153 = arith.constant 2 : i32
      %add3A_154 = arith.addi %mul3A_8, %add3A_153 : i32
      %mul3A_155 = arith.constant 80 : i32
      %mul3A_156 = arith.muli %add3A_154, %mul3A_155 : i32
      %add3A_157 = arith.addi %mul3A_152, %mul3A_156 : i32
      %dma_start3A_158 = arith.constant 2 : i32
      %dma_start3A_159 = arith.constant 0 : i32
      %dma_start3A_160 = arith.constant 0 : i32
      %dma_start3A_161 = tpu.memref_slice %arg6[%dma_start3A_158, %dma_start3A_159, %dma_start3A_160] : memref<5x80x16xf32, #tpu.memory_space<vmem>> -> memref<1x80x16xf32, #tpu.memory_space<vmem>>
      %dma_start3A_162 = tpu.memref_squeeze %dma_start3A_161 : memref<1x80x16xf32, #tpu.memory_space<vmem>> -> memref<80x16xf32, #tpu.memory_space<vmem>>
      %dma_start3A_163 = arith.constant 0 : i32
      %dma_start3A_164 = tpu.memref_slice %arg4[%add3A_157, %dma_start3A_163] : memref<166400x128xf32, #tpu.memory_space<hbm>> -> memref<80x16xf32, #tpu.memory_space<hbm>>
      %dma_start3A_165 = arith.constant 0 : i32
      %dma_start3A_166 = tpu.memref_slice %arg4[%add3A_157, %dma_start3A_165] : memref<166400x128xf32, #tpu.memory_space<hbm>> -> memref<80x16xf32, #tpu.memory_space<hbm>>
      %dma_start3A_167 = arith.constant 0 : i32
      %dma_start3A_168 = arith.constant 0 : i32
      %dma_start3A_169 = tpu.memref_slice %arg6[%dma_start3A_158, %dma_start3A_167, %dma_start3A_168] : memref<5x80x16xf32, #tpu.memory_space<vmem>> -> memref<1x80x16xf32, #tpu.memory_space<vmem>>
      %dma_start3A_170 = tpu.memref_squeeze %dma_start3A_169 : memref<1x80x16xf32, #tpu.memory_space<vmem>> -> memref<80x16xf32, #tpu.memory_space<vmem>>
      tpu.enqueue_dma source(%dma_start3A_170 : memref<80x16xf32, #tpu.memory_space<vmem>>) target(%dma_start3A_166 : memref<80x16xf32, #tpu.memory_space<hbm>>) target_semaphore(%arg8 : memref<!tpu.dma_semaphore, #tpu.memory_space<semaphore_mem>>)
      %add3A_171 = arith.constant 3 : i32
      %add3A_172 = arith.addi %mul3A_8, %add3A_171 : i32
      %dma_wait3A_173 = arith.constant 3 : i32
      %dma_wait3A_174 = arith.constant 0 : i32
      %dma_wait3A_175 = arith.constant 0 : i32
      %dma_wait3A_176 = tpu.memref_slice %arg6[%dma_wait3A_173, %dma_wait3A_174, %dma_wait3A_175] : memref<5x80x16xf32, #tpu.memory_space<vmem>> -> memref<1x80x16xf32, #tpu.memory_space<vmem>>
      %dma_wait3A_177 = tpu.memref_squeeze %dma_wait3A_176 : memref<1x80x16xf32, #tpu.memory_space<vmem>> -> memref<80x16xf32, #tpu.memory_space<vmem>>
      %dma_wait3A_178 = arith.constant 0 : i32
      %dma_wait3A_179 = tpu.memref_slice %arg5[%add3A_172, %dma_wait3A_178] : memref<65x80xi32, #tpu.memory_space<vmem>> -> memref<1x80xi32, #tpu.memory_space<vmem>>
      %dma_wait3A_180 = tpu.memref_squeeze %dma_wait3A_179 : memref<1x80xi32, #tpu.memory_space<vmem>> -> memref<80xi32, #tpu.memory_space<vmem>>
      %dma_wait3A_181 = arith.constant 0 : i32
      %dma_wait3A_182 = arith.constant 0 : i32
      %dma_wait3A_183 = tpu.memref_slice %arg2[%dma_wait3A_181, %dma_wait3A_182] : memref<20000x16xf32, #tpu.memory_space<hbm>> -> memref<20000x16xf32, #tpu.memory_space<hbm>>
      tpu.wait_indirect_dma semaphore(%arg7 : memref<!tpu.dma_semaphore, #tpu.memory_space<semaphore_mem>>) src(%dma_wait3A_183 : memref<20000x16xf32, #tpu.memory_space<hbm>>) dst(%dma_wait3A_177 : memref<80x16xf32, #tpu.memory_space<vmem>>)
      %mul3A_184 = arith.constant 5200 : i32
      %mul3A_185 = arith.muli %add3A, %mul3A_184 : i32
      %add3A_186 = arith.constant 3 : i32
      %add3A_187 = arith.addi %mul3A_8, %add3A_186 : i32
      %mul3A_188 = arith.constant 80 : i32
      %mul3A_189 = arith.muli %add3A_187, %mul3A_188 : i32
      %add3A_190 = arith.addi %mul3A_185, %mul3A_189 : i32
      %dma_start3A_191 = arith.constant 3 : i32
      %dma_start3A_192 = arith.constant 0 : i32
      %dma_start3A_193 = arith.constant 0 : i32
      %dma_start3A_194 = tpu.memref_slice %arg6[%dma_start3A_191, %dma_start3A_192, %dma_start3A_193] : memref<5x80x16xf32, #tpu.memory_space<vmem>> -> memref<1x80x16xf32, #tpu.memory_space<vmem>>
      %dma_start3A_195 = tpu.memref_squeeze %dma_start3A_194 : memref<1x80x16xf32, #tpu.memory_space<vmem>> -> memref<80x16xf32, #tpu.memory_space<vmem>>
      %dma_start3A_196 = arith.constant 0 : i32
      %dma_start3A_197 = tpu.memref_slice %arg4[%add3A_190, %dma_start3A_196] : memref<166400x128xf32, #tpu.memory_space<hbm>> -> memref<80x16xf32, #tpu.memory_space<hbm>>
      %dma_start3A_198 = arith.constant 0 : i32
      %dma_start3A_199 = tpu.memref_slice %arg4[%add3A_190, %dma_start3A_198] : memref<166400x128xf32, #tpu.memory_space<hbm>> -> memref<80x16xf32, #tpu.memory_space<hbm>>
      %dma_start3A_200 = arith.constant 0 : i32
      %dma_start3A_201 = arith.constant 0 : i32
      %dma_start3A_202 = tpu.memref_slice %arg6[%dma_start3A_191, %dma_start3A_200, %dma_start3A_201] : memref<5x80x16xf32, #tpu.memory_space<vmem>> -> memref<1x80x16xf32, #tpu.memory_space<vmem>>
      %dma_start3A_203 = tpu.memref_squeeze %dma_start3A_202 : memref<1x80x16xf32, #tpu.memory_space<vmem>> -> memref<80x16xf32, #tpu.memory_space<vmem>>
      tpu.enqueue_dma source(%dma_start3A_203 : memref<80x16xf32, #tpu.memory_space<vmem>>) target(%dma_start3A_199 : memref<80x16xf32, #tpu.memory_space<hbm>>) target_semaphore(%arg8 : memref<!tpu.dma_semaphore, #tpu.memory_space<semaphore_mem>>)
      %add3A_204 = arith.constant 4 : i32
      %add3A_205 = arith.addi %mul3A_8, %add3A_204 : i32
      %dma_wait3A_206 = arith.constant 4 : i32
      %dma_wait3A_207 = arith.constant 0 : i32
      %dma_wait3A_208 = arith.constant 0 : i32
      %dma_wait3A_209 = tpu.memref_slice %arg6[%dma_wait3A_206, %dma_wait3A_207, %dma_wait3A_208] : memref<5x80x16xf32, #tpu.memory_space<vmem>> -> memref<1x80x16xf32, #tpu.memory_space<vmem>>
      %dma_wait3A_210 = tpu.memref_squeeze %dma_wait3A_209 : memref<1x80x16xf32, #tpu.memory_space<vmem>> -> memref<80x16xf32, #tpu.memory_space<vmem>>
      %dma_wait3A_211 = arith.constant 0 : i32
      %dma_wait3A_212 = tpu.memref_slice %arg5[%add3A_205, %dma_wait3A_211] : memref<65x80xi32, #tpu.memory_space<vmem>> -> memref<1x80xi32, #tpu.memory_space<vmem>>
      %dma_wait3A_213 = tpu.memref_squeeze %dma_wait3A_212 : memref<1x80xi32, #tpu.memory_space<vmem>> -> memref<80xi32, #tpu.memory_space<vmem>>
      %dma_wait3A_214 = arith.constant 0 : i32
      %dma_wait3A_215 = arith.constant 0 : i32
      %dma_wait3A_216 = tpu.memref_slice %arg2[%dma_wait3A_214, %dma_wait3A_215] : memref<20000x16xf32, #tpu.memory_space<hbm>> -> memref<20000x16xf32, #tpu.memory_space<hbm>>
      tpu.wait_indirect_dma semaphore(%arg7 : memref<!tpu.dma_semaphore, #tpu.memory_space<semaphore_mem>>) src(%dma_wait3A_216 : memref<20000x16xf32, #tpu.memory_space<hbm>>) dst(%dma_wait3A_210 : memref<80x16xf32, #tpu.memory_space<vmem>>)
      %mul3A_217 = arith.constant 5200 : i32
      %mul3A_218 = arith.muli %add3A, %mul3A_217 : i32
      %add3A_219 = arith.constant 4 : i32
      %add3A_220 = arith.addi %mul3A_8, %add3A_219 : i32
      %mul3A_221 = arith.constant 80 : i32
      %mul3A_222 = arith.muli %add3A_220, %mul3A_221 : i32
      %add3A_223 = arith.addi %mul3A_218, %mul3A_222 : i32
      %dma_start3A_224 = arith.constant 4 : i32
      %dma_start3A_225 = arith.constant 0 : i32
      %dma_start3A_226 = arith.constant 0 : i32
      %dma_start3A_227 = tpu.memref_slice %arg6[%dma_start3A_224, %dma_start3A_225, %dma_start3A_226] : memref<5x80x16xf32, #tpu.memory_space<vmem>> -> memref<1x80x16xf32, #tpu.memory_space<vmem>>
      %dma_start3A_228 = tpu.memref_squeeze %dma_start3A_227 : memref<1x80x16xf32, #tpu.memory_space<vmem>> -> memref<80x16xf32, #tpu.memory_space<vmem>>
      %dma_start3A_229 = arith.constant 0 : i32
      %dma_start3A_230 = tpu.memref_slice %arg4[%add3A_223, %dma_start3A_229] : memref<166400x128xf32, #tpu.memory_space<hbm>> -> memref<80x16xf32, #tpu.memory_space<hbm>>
      %dma_start3A_231 = arith.constant 0 : i32
      %dma_start3A_232 = tpu.memref_slice %arg4[%add3A_223, %dma_start3A_231] : memref<166400x128xf32, #tpu.memory_space<hbm>> -> memref<80x16xf32, #tpu.memory_space<hbm>>
      %dma_start3A_233 = arith.constant 0 : i32
      %dma_start3A_234 = arith.constant 0 : i32
      %dma_start3A_235 = tpu.memref_slice %arg6[%dma_start3A_224, %dma_start3A_233, %dma_start3A_234] : memref<5x80x16xf32, #tpu.memory_space<vmem>> -> memref<1x80x16xf32, #tpu.memory_space<vmem>>
      %dma_start3A_236 = tpu.memref_squeeze %dma_start3A_235 : memref<1x80x16xf32, #tpu.memory_space<vmem>> -> memref<80x16xf32, #tpu.memory_space<vmem>>
      tpu.enqueue_dma source(%dma_start3A_236 : memref<80x16xf32, #tpu.memory_space<vmem>>) target(%dma_start3A_232 : memref<80x16xf32, #tpu.memory_space<hbm>>) target_semaphore(%arg8 : memref<!tpu.dma_semaphore, #tpu.memory_space<semaphore_mem>>)
      %mul3A_237 = arith.constant 5200 : i32
      %mul3A_238 = arith.muli %add3A, %mul3A_237 : i32
      %add3A_239 = arith.constant 0 : i32
      %add3A_240 = arith.addi %mul3A_8, %add3A_239 : i32
      %mul3A_241 = arith.constant 80 : i32
      %mul3A_242 = arith.muli %add3A_240, %mul3A_241 : i32
      %add3A_243 = arith.addi %mul3A_238, %mul3A_242 : i32
      %dma_wait3A_244 = arith.constant 0 : i32
      %dma_wait3A_245 = arith.constant 0 : i32
      %dma_wait3A_246 = arith.constant 0 : i32
      %dma_wait3A_247 = tpu.memref_slice %arg6[%dma_wait3A_244, %dma_wait3A_245, %dma_wait3A_246] : memref<5x80x16xf32, #tpu.memory_space<vmem>> -> memref<1x80x16xf32, #tpu.memory_space<vmem>>
      %dma_wait3A_248 = tpu.memref_squeeze %dma_wait3A_247 : memref<1x80x16xf32, #tpu.memory_space<vmem>> -> memref<80x16xf32, #tpu.memory_space<vmem>>
      %dma_wait3A_249 = arith.constant 0 : i32
      %dma_wait3A_250 = tpu.memref_slice %arg4[%add3A_243, %dma_wait3A_249] : memref<166400x128xf32, #tpu.memory_space<hbm>> -> memref<80x16xf32, #tpu.memory_space<hbm>>
      %dma_wait3A_251 = arith.constant 0 : i32
      %dma_wait3A_252 = tpu.memref_slice %arg4[%add3A_243, %dma_wait3A_251] : memref<166400x128xf32, #tpu.memory_space<hbm>> -> memref<80x16xf32, #tpu.memory_space<hbm>>
      %dma_wait3A_253 = arith.constant 0 : i32
      %dma_wait3A_254 = arith.constant 0 : i32
      %dma_wait3A_255 = tpu.memref_slice %arg6[%dma_wait3A_244, %dma_wait3A_253, %dma_wait3A_254] : memref<5x80x16xf32, #tpu.memory_space<vmem>> -> memref<1x80x16xf32, #tpu.memory_space<vmem>>
      %dma_wait3A_256 = tpu.memref_squeeze %dma_wait3A_255 : memref<1x80x16xf32, #tpu.memory_space<vmem>> -> memref<80x16xf32, #tpu.memory_space<vmem>>
      tpu.wait_dma2 semaphore(%arg8 : memref<!tpu.dma_semaphore, #tpu.memory_space<semaphore_mem>>) src(%dma_wait3A_256 : memref<80x16xf32, #tpu.memory_space<vmem>>) dst(%dma_wait3A_252 : memref<80x16xf32, #tpu.memory_space<hbm>>)
      %mul3A_257 = arith.constant 5200 : i32
      %mul3A_258 = arith.muli %add3A, %mul3A_257 : i32
      %add3A_259 = arith.constant 1 : i32
      %add3A_260 = arith.addi %mul3A_8, %add3A_259 : i32
      %mul3A_261 = arith.constant 80 : i32
      %mul3A_262 = arith.muli %add3A_260, %mul3A_261 : i32
      %add3A_263 = arith.addi %mul3A_258, %mul3A_262 : i32
      %dma_wait3A_264 = arith.constant 1 : i32
      %dma_wait3A_265 = arith.constant 0 : i32
      %dma_wait3A_266 = arith.constant 0 : i32
      %dma_wait3A_267 = tpu.memref_slice %arg6[%dma_wait3A_264, %dma_wait3A_265, %dma_wait3A_266] : memref<5x80x16xf32, #tpu.memory_space<vmem>> -> memref<1x80x16xf32, #tpu.memory_space<vmem>>
      %dma_wait3A_268 = tpu.memref_squeeze %dma_wait3A_267 : memref<1x80x16xf32, #tpu.memory_space<vmem>> -> memref<80x16xf32, #tpu.memory_space<vmem>>
      %dma_wait3A_269 = arith.constant 0 : i32
      %dma_wait3A_270 = tpu.memref_slice %arg4[%add3A_263, %dma_wait3A_269] : memref<166400x128xf32, #tpu.memory_space<hbm>> -> memref<80x16xf32, #tpu.memory_space<hbm>>
      %dma_wait3A_271 = arith.constant 0 : i32
      %dma_wait3A_272 = tpu.memref_slice %arg4[%add3A_263, %dma_wait3A_271] : memref<166400x128xf32, #tpu.memory_space<hbm>> -> memref<80x16xf32, #tpu.memory_space<hbm>>
      %dma_wait3A_273 = arith.constant 0 : i32
      %dma_wait3A_274 = arith.constant 0 : i32
      %dma_wait3A_275 = tpu.memref_slice %arg6[%dma_wait3A_264, %dma_wait3A_273, %dma_wait3A_274] : memref<5x80x16xf32, #tpu.memory_space<vmem>> -> memref<1x80x16xf32, #tpu.memory_space<vmem>>
      %dma_wait3A_276 = tpu.memref_squeeze %dma_wait3A_275 : memref<1x80x16xf32, #tpu.memory_space<vmem>> -> memref<80x16xf32, #tpu.memory_space<vmem>>
      tpu.wait_dma2 semaphore(%arg8 : memref<!tpu.dma_semaphore, #tpu.memory_space<semaphore_mem>>) src(%dma_wait3A_276 : memref<80x16xf32, #tpu.memory_space<vmem>>) dst(%dma_wait3A_272 : memref<80x16xf32, #tpu.memory_space<hbm>>)
      %mul3A_277 = arith.constant 5200 : i32
      %mul3A_278 = arith.muli %add3A, %mul3A_277 : i32
      %add3A_279 = arith.constant 2 : i32
      %add3A_280 = arith.addi %mul3A_8, %add3A_279 : i32
      %mul3A_281 = arith.constant 80 : i32
      %mul3A_282 = arith.muli %add3A_280, %mul3A_281 : i32
      %add3A_283 = arith.addi %mul3A_278, %mul3A_282 : i32
      %dma_wait3A_284 = arith.constant 2 : i32
      %dma_wait3A_285 = arith.constant 0 : i32
      %dma_wait3A_286 = arith.constant 0 : i32
      %dma_wait3A_287 = tpu.memref_slice %arg6[%dma_wait3A_284, %dma_wait3A_285, %dma_wait3A_286] : memref<5x80x16xf32, #tpu.memory_space<vmem>> -> memref<1x80x16xf32, #tpu.memory_space<vmem>>
      %dma_wait3A_288 = tpu.memref_squeeze %dma_wait3A_287 : memref<1x80x16xf32, #tpu.memory_space<vmem>> -> memref<80x16xf32, #tpu.memory_space<vmem>>
      %dma_wait3A_289 = arith.constant 0 : i32
      %dma_wait3A_290 = tpu.memref_slice %arg4[%add3A_283, %dma_wait3A_289] : memref<166400x128xf32, #tpu.memory_space<hbm>> -> memref<80x16xf32, #tpu.memory_space<hbm>>
      %dma_wait3A_291 = arith.constant 0 : i32
      %dma_wait3A_292 = tpu.memref_slice %arg4[%add3A_283, %dma_wait3A_291] : memref<166400x128xf32, #tpu.memory_space<hbm>> -> memref<80x16xf32, #tpu.memory_space<hbm>>
      %dma_wait3A_293 = arith.constant 0 : i32
      %dma_wait3A_294 = arith.constant 0 : i32
      %dma_wait3A_295 = tpu.memref_slice %arg6[%dma_wait3A_284, %dma_wait3A_293, %dma_wait3A_294] : memref<5x80x16xf32, #tpu.memory_space<vmem>> -> memref<1x80x16xf32, #tpu.memory_space<vmem>>
      %dma_wait3A_296 = tpu.memref_squeeze %dma_wait3A_295 : memref<1x80x16xf32, #tpu.memory_space<vmem>> -> memref<80x16xf32, #tpu.memory_space<vmem>>
      tpu.wait_dma2 semaphore(%arg8 : memref<!tpu.dma_semaphore, #tpu.memory_space<semaphore_mem>>) src(%dma_wait3A_296 : memref<80x16xf32, #tpu.memory_space<vmem>>) dst(%dma_wait3A_292 : memref<80x16xf32, #tpu.memory_space<hbm>>)
      %mul3A_297 = arith.constant 5200 : i32
      %mul3A_298 = arith.muli %add3A, %mul3A_297 : i32
      %add3A_299 = arith.constant 3 : i32
      %add3A_300 = arith.addi %mul3A_8, %add3A_299 : i32
      %mul3A_301 = arith.constant 80 : i32
      %mul3A_302 = arith.muli %add3A_300, %mul3A_301 : i32
      %add3A_303 = arith.addi %mul3A_298, %mul3A_302 : i32
      %dma_wait3A_304 = arith.constant 3 : i32
      %dma_wait3A_305 = arith.constant 0 : i32
      %dma_wait3A_306 = arith.constant 0 : i32
      %dma_wait3A_307 = tpu.memref_slice %arg6[%dma_wait3A_304, %dma_wait3A_305, %dma_wait3A_306] : memref<5x80x16xf32, #tpu.memory_space<vmem>> -> memref<1x80x16xf32, #tpu.memory_space<vmem>>
      %dma_wait3A_308 = tpu.memref_squeeze %dma_wait3A_307 : memref<1x80x16xf32, #tpu.memory_space<vmem>> -> memref<80x16xf32, #tpu.memory_space<vmem>>
      %dma_wait3A_309 = arith.constant 0 : i32
      %dma_wait3A_310 = tpu.memref_slice %arg4[%add3A_303, %dma_wait3A_309] : memref<166400x128xf32, #tpu.memory_space<hbm>> -> memref<80x16xf32, #tpu.memory_space<hbm>>
      %dma_wait3A_311 = arith.constant 0 : i32
      %dma_wait3A_312 = tpu.memref_slice %arg4[%add3A_303, %dma_wait3A_311] : memref<166400x128xf32, #tpu.memory_space<hbm>> -> memref<80x16xf32, #tpu.memory_space<hbm>>
      %dma_wait3A_313 = arith.constant 0 : i32
      %dma_wait3A_314 = arith.constant 0 : i32
      %dma_wait3A_315 = tpu.memref_slice %arg6[%dma_wait3A_304, %dma_wait3A_313, %dma_wait3A_314] : memref<5x80x16xf32, #tpu.memory_space<vmem>> -> memref<1x80x16xf32, #tpu.memory_space<vmem>>
      %dma_wait3A_316 = tpu.memref_squeeze %dma_wait3A_315 : memref<1x80x16xf32, #tpu.memory_space<vmem>> -> memref<80x16xf32, #tpu.memory_space<vmem>>
      tpu.wait_dma2 semaphore(%arg8 : memref<!tpu.dma_semaphore, #tpu.memory_space<semaphore_mem>>) src(%dma_wait3A_316 : memref<80x16xf32, #tpu.memory_space<vmem>>) dst(%dma_wait3A_312 : memref<80x16xf32, #tpu.memory_space<hbm>>)
      %mul3A_317 = arith.constant 5200 : i32
      %mul3A_318 = arith.muli %add3A, %mul3A_317 : i32
      %add3A_319 = arith.constant 4 : i32
      %add3A_320 = arith.addi %mul3A_8, %add3A_319 : i32
      %mul3A_321 = arith.constant 80 : i32
      %mul3A_322 = arith.muli %add3A_320, %mul3A_321 : i32
      %add3A_323 = arith.addi %mul3A_318, %mul3A_322 : i32
      %dma_wait3A_324 = arith.constant 4 : i32
      %dma_wait3A_325 = arith.constant 0 : i32
      %dma_wait3A_326 = arith.constant 0 : i32
      %dma_wait3A_327 = tpu.memref_slice %arg6[%dma_wait3A_324, %dma_wait3A_325, %dma_wait3A_326] : memref<5x80x16xf32, #tpu.memory_space<vmem>> -> memref<1x80x16xf32, #tpu.memory_space<vmem>>
      %dma_wait3A_328 = tpu.memref_squeeze %dma_wait3A_327 : memref<1x80x16xf32, #tpu.memory_space<vmem>> -> memref<80x16xf32, #tpu.memory_space<vmem>>
      %dma_wait3A_329 = arith.constant 0 : i32
      %dma_wait3A_330 = tpu.memref_slice %arg4[%add3A_323, %dma_wait3A_329] : memref<166400x128xf32, #tpu.memory_space<hbm>> -> memref<80x16xf32, #tpu.memory_space<hbm>>
      %dma_wait3A_331 = arith.constant 0 : i32
      %dma_wait3A_332 = tpu.memref_slice %arg4[%add3A_323, %dma_wait3A_331] : memref<166400x128xf32, #tpu.memory_space<hbm>> -> memref<80x16xf32, #tpu.memory_space<hbm>>
      %dma_wait3A_333 = arith.constant 0 : i32
      %dma_wait3A_334 = arith.constant 0 : i32
      %dma_wait3A_335 = tpu.memref_slice %arg6[%dma_wait3A_324, %dma_wait3A_333, %dma_wait3A_334] : memref<5x80x16xf32, #tpu.memory_space<vmem>> -> memref<1x80x16xf32, #tpu.memory_space<vmem>>
      %dma_wait3A_336 = tpu.memref_squeeze %dma_wait3A_335 : memref<1x80x16xf32, #tpu.memory_space<vmem>> -> memref<80x16xf32, #tpu.memory_space<vmem>>
      tpu.wait_dma2 semaphore(%arg8 : memref<!tpu.dma_semaphore, #tpu.memory_space<semaphore_mem>>) src(%dma_wait3A_336 : memref<80x16xf32, #tpu.memory_space<vmem>>) dst(%dma_wait3A_332 : memref<80x16xf32, #tpu.memory_space<hbm>>)
    }
    %scan3A_5 = arith.constant 13 : i32
    return
  }
}

#map = affine_map<(d0, d1) -> (0, 0)>
#map1 = affine_map<(d0, d1) -> (0, 0, 0)>
module attributes {stable_mosaic.version = 14 : i64} {
  func.func @_sc_scatter(%arg0: i32, %arg1: i32, %arg2: memref<166400x128xf32, #tpu.memory_space<hbm>>, %arg3: memref<32x65x80xi32, #tpu.memory_space<hbm>>, %arg4: memref<1280x32xf32, #tpu.memory_space<hbm>>, %arg5: memref<2x20480x128xf32, #tpu.memory_space<hbm>>, %arg6: memref<65x80xi32, #tpu.memory_space<vmem>>, %arg7: memref<5x80x32xf32, #tpu.memory_space<vmem>>, %arg8: memref<20480x32xf32, #tpu.memory_space<vmem_shared>>, %arg9: memref<!tpu.dma_semaphore, #tpu.memory_space<semaphore_mem>>) attributes {dimension_semantics = [#tpu.dimension_semantics<core_parallel>, #tpu.dimension_semantics<subcore_parallel>], iteration_bounds = array<i64: 2, 16>, scalar_prefetch = 0 : i64, scratch_operands = 4 : i64, tpu.core_type = #tpu.core_type<sc_vector_subcore>, window_params = [{transform_indices = #map}, {transform_indices = #map1}, {transform_indices = #map}, {transform_indices = #map1}]} {
    %mul3A = arith.constant 2 : i32
    %mul3A_0 = arith.muli %arg1, %mul3A : i32
    %add3A = arith.addi %mul3A_0, %arg0 : i32
    %mul3A_1 = arith.constant 1280 : i32
    %mul3A_2 = arith.muli %arg1, %mul3A_1 : i32
    "tpu.region"() ({
      %run_scoped3A = tpu.sem_alloc : memref<!tpu.dma_semaphore, #tpu.memory_space<semaphore_mem>>
      %dma_start3A = arith.constant 0 : i32
      %dma_start3A_9 = tpu.memref_slice %arg8[%mul3A_2, %dma_start3A] : memref<20480x32xf32, #tpu.memory_space<vmem_shared>> -> memref<1280x32xf32, #tpu.memory_space<vmem_shared>>
      tpu.enqueue_dma source(%arg4 : memref<1280x32xf32, #tpu.memory_space<hbm>>) target(%dma_start3A_9 : memref<1280x32xf32, #tpu.memory_space<vmem_shared>>) target_semaphore(%run_scoped3A : memref<!tpu.dma_semaphore, #tpu.memory_space<semaphore_mem>>)
      %dma_wait3A = arith.constant 0 : i32
      %dma_wait3A_10 = tpu.memref_slice %arg8[%mul3A_2, %dma_wait3A] : memref<20480x32xf32, #tpu.memory_space<vmem_shared>> -> memref<1280x32xf32, #tpu.memory_space<vmem_shared>>
      tpu.wait_dma2 semaphore(%run_scoped3A : memref<!tpu.dma_semaphore, #tpu.memory_space<semaphore_mem>>) src(%arg4 : memref<1280x32xf32, #tpu.memory_space<hbm>>) dst(%dma_wait3A_10 : memref<1280x32xf32, #tpu.memory_space<vmem_shared>>)
      tpu.yield
    }) : () -> ()
    "tpu.region"() ({
      %run_scoped3A = tpu.sem_alloc : memref<!tpu.dma_semaphore, #tpu.memory_space<semaphore_mem>>
      %dma_start3A = arith.constant 0 : i32
      %dma_start3A_9 = arith.constant 0 : i32
      %dma_start3A_10 = tpu.memref_slice %arg3[%add3A, %dma_start3A, %dma_start3A_9] : memref<32x65x80xi32, #tpu.memory_space<hbm>> -> memref<1x65x80xi32, #tpu.memory_space<hbm>>
      %dma_start3A_11 = tpu.memref_squeeze %dma_start3A_10 : memref<1x65x80xi32, #tpu.memory_space<hbm>> -> memref<65x80xi32, #tpu.memory_space<hbm>>
      %dma_start3A_12 = arith.constant 0 : i32
      %dma_start3A_13 = arith.constant 0 : i32
      %dma_start3A_14 = tpu.memref_slice %arg3[%add3A, %dma_start3A_12, %dma_start3A_13] : memref<32x65x80xi32, #tpu.memory_space<hbm>> -> memref<1x65x80xi32, #tpu.memory_space<hbm>>
      %dma_start3A_15 = tpu.memref_squeeze %dma_start3A_14 : memref<1x65x80xi32, #tpu.memory_space<hbm>> -> memref<65x80xi32, #tpu.memory_space<hbm>>
      tpu.enqueue_dma source(%dma_start3A_15 : memref<65x80xi32, #tpu.memory_space<hbm>>) target(%arg6 : memref<65x80xi32, #tpu.memory_space<vmem>>) target_semaphore(%run_scoped3A : memref<!tpu.dma_semaphore, #tpu.memory_space<semaphore_mem>>)
      %dma_wait3A = arith.constant 0 : i32
      %dma_wait3A_16 = arith.constant 0 : i32
      %dma_wait3A_17 = tpu.memref_slice %arg3[%add3A, %dma_wait3A, %dma_wait3A_16] : memref<32x65x80xi32, #tpu.memory_space<hbm>> -> memref<1x65x80xi32, #tpu.memory_space<hbm>>
      %dma_wait3A_18 = tpu.memref_squeeze %dma_wait3A_17 : memref<1x65x80xi32, #tpu.memory_space<hbm>> -> memref<65x80xi32, #tpu.memory_space<hbm>>
      %dma_wait3A_19 = arith.constant 0 : i32
      %dma_wait3A_20 = arith.constant 0 : i32
      %dma_wait3A_21 = tpu.memref_slice %arg3[%add3A, %dma_wait3A_19, %dma_wait3A_20] : memref<32x65x80xi32, #tpu.memory_space<hbm>> -> memref<1x65x80xi32, #tpu.memory_space<hbm>>
      %dma_wait3A_22 = tpu.memref_squeeze %dma_wait3A_21 : memref<1x65x80xi32, #tpu.memory_space<hbm>> -> memref<65x80xi32, #tpu.memory_space<hbm>>
      tpu.wait_dma2 semaphore(%run_scoped3A : memref<!tpu.dma_semaphore, #tpu.memory_space<semaphore_mem>>) src(%dma_wait3A_22 : memref<65x80xi32, #tpu.memory_space<hbm>>) dst(%arg6 : memref<65x80xi32, #tpu.memory_space<vmem>>)
      tpu.yield
    }) : () -> ()
    %barrier3A = arith.constant 0 : index
    tpu.barrier barrier_id(%barrier3A)
    %scan3A = arith.constant 0 : i32
    %scan3A_3 = arith.constant 0 : i32
    %scan3A_4 = arith.constant 13 : i32
    %scan3A_5 = arith.addi %scan3A_3, %scan3A_4 : i32
    %scan3A_6 = arith.constant 1 : i32
    scf.for %scan3A_9 = %scan3A_3 to %scan3A_5 step %scan3A_6  : i32 {
      %mul3A_10 = arith.constant 5 : i32
      %mul3A_11 = arith.muli %scan3A_9, %mul3A_10 : i32
      %mul3A_12 = arith.constant 5200 : i32
      %mul3A_13 = arith.muli %add3A, %mul3A_12 : i32
      %add3A_14 = arith.constant 0 : i32
      %add3A_15 = arith.addi %mul3A_11, %add3A_14 : i32
      %mul3A_16 = arith.constant 80 : i32
      %mul3A_17 = arith.muli %add3A_15, %mul3A_16 : i32
      %add3A_18 = arith.addi %mul3A_13, %mul3A_17 : i32
      %dma_start3A = arith.constant 0 : i32
      %dma_start3A_19 = arith.constant 0 : i32
      %dma_start3A_20 = arith.constant 0 : i32
      %dma_start3A_21 = tpu.memref_slice %arg7[%dma_start3A, %dma_start3A_19, %dma_start3A_20] : memref<5x80x32xf32, #tpu.memory_space<vmem>> -> memref<1x80x32xf32, #tpu.memory_space<vmem>>
      %dma_start3A_22 = tpu.memref_squeeze %dma_start3A_21 : memref<1x80x32xf32, #tpu.memory_space<vmem>> -> memref<80x32xf32, #tpu.memory_space<vmem>>
      %dma_start3A_23 = arith.constant 0 : i32
      %dma_start3A_24 = tpu.memref_slice %arg2[%add3A_18, %dma_start3A_23] : memref<166400x128xf32, #tpu.memory_space<hbm>> -> memref<80x32xf32, #tpu.memory_space<hbm>>
      %dma_start3A_25 = arith.constant 0 : i32
      %dma_start3A_26 = arith.constant 0 : i32
      %dma_start3A_27 = tpu.memref_slice %arg7[%dma_start3A, %dma_start3A_25, %dma_start3A_26] : memref<5x80x32xf32, #tpu.memory_space<vmem>> -> memref<1x80x32xf32, #tpu.memory_space<vmem>>
      %dma_start3A_28 = tpu.memref_squeeze %dma_start3A_27 : memref<1x80x32xf32, #tpu.memory_space<vmem>> -> memref<80x32xf32, #tpu.memory_space<vmem>>
      %dma_start3A_29 = arith.constant 0 : i32
      %dma_start3A_30 = tpu.memref_slice %arg2[%add3A_18, %dma_start3A_29] : memref<166400x128xf32, #tpu.memory_space<hbm>> -> memref<80x32xf32, #tpu.memory_space<hbm>>
      tpu.enqueue_dma source(%dma_start3A_30 : memref<80x32xf32, #tpu.memory_space<hbm>>) target(%dma_start3A_28 : memref<80x32xf32, #tpu.memory_space<vmem>>) target_semaphore(%arg9 : memref<!tpu.dma_semaphore, #tpu.memory_space<semaphore_mem>>)
      %mul3A_31 = arith.constant 5200 : i32
      %mul3A_32 = arith.muli %add3A, %mul3A_31 : i32
      %add3A_33 = arith.constant 1 : i32
      %add3A_34 = arith.addi %mul3A_11, %add3A_33 : i32
      %mul3A_35 = arith.constant 80 : i32
      %mul3A_36 = arith.muli %add3A_34, %mul3A_35 : i32
      %add3A_37 = arith.addi %mul3A_32, %mul3A_36 : i32
      %dma_start3A_38 = arith.constant 1 : i32
      %dma_start3A_39 = arith.constant 0 : i32
      %dma_start3A_40 = arith.constant 0 : i32
      %dma_start3A_41 = tpu.memref_slice %arg7[%dma_start3A_38, %dma_start3A_39, %dma_start3A_40] : memref<5x80x32xf32, #tpu.memory_space<vmem>> -> memref<1x80x32xf32, #tpu.memory_space<vmem>>
      %dma_start3A_42 = tpu.memref_squeeze %dma_start3A_41 : memref<1x80x32xf32, #tpu.memory_space<vmem>> -> memref<80x32xf32, #tpu.memory_space<vmem>>
      %dma_start3A_43 = arith.constant 0 : i32
      %dma_start3A_44 = tpu.memref_slice %arg2[%add3A_37, %dma_start3A_43] : memref<166400x128xf32, #tpu.memory_space<hbm>> -> memref<80x32xf32, #tpu.memory_space<hbm>>
      %dma_start3A_45 = arith.constant 0 : i32
      %dma_start3A_46 = arith.constant 0 : i32
      %dma_start3A_47 = tpu.memref_slice %arg7[%dma_start3A_38, %dma_start3A_45, %dma_start3A_46] : memref<5x80x32xf32, #tpu.memory_space<vmem>> -> memref<1x80x32xf32, #tpu.memory_space<vmem>>
      %dma_start3A_48 = tpu.memref_squeeze %dma_start3A_47 : memref<1x80x32xf32, #tpu.memory_space<vmem>> -> memref<80x32xf32, #tpu.memory_space<vmem>>
      %dma_start3A_49 = arith.constant 0 : i32
      %dma_start3A_50 = tpu.memref_slice %arg2[%add3A_37, %dma_start3A_49] : memref<166400x128xf32, #tpu.memory_space<hbm>> -> memref<80x32xf32, #tpu.memory_space<hbm>>
      tpu.enqueue_dma source(%dma_start3A_50 : memref<80x32xf32, #tpu.memory_space<hbm>>) target(%dma_start3A_48 : memref<80x32xf32, #tpu.memory_space<vmem>>) target_semaphore(%arg9 : memref<!tpu.dma_semaphore, #tpu.memory_space<semaphore_mem>>)
      %mul3A_51 = arith.constant 5200 : i32
      %mul3A_52 = arith.muli %add3A, %mul3A_51 : i32
      %add3A_53 = arith.constant 2 : i32
      %add3A_54 = arith.addi %mul3A_11, %add3A_53 : i32
      %mul3A_55 = arith.constant 80 : i32
      %mul3A_56 = arith.muli %add3A_54, %mul3A_55 : i32
      %add3A_57 = arith.addi %mul3A_52, %mul3A_56 : i32
      %dma_start3A_58 = arith.constant 2 : i32
      %dma_start3A_59 = arith.constant 0 : i32
      %dma_start3A_60 = arith.constant 0 : i32
      %dma_start3A_61 = tpu.memref_slice %arg7[%dma_start3A_58, %dma_start3A_59, %dma_start3A_60] : memref<5x80x32xf32, #tpu.memory_space<vmem>> -> memref<1x80x32xf32, #tpu.memory_space<vmem>>
      %dma_start3A_62 = tpu.memref_squeeze %dma_start3A_61 : memref<1x80x32xf32, #tpu.memory_space<vmem>> -> memref<80x32xf32, #tpu.memory_space<vmem>>
      %dma_start3A_63 = arith.constant 0 : i32
      %dma_start3A_64 = tpu.memref_slice %arg2[%add3A_57, %dma_start3A_63] : memref<166400x128xf32, #tpu.memory_space<hbm>> -> memref<80x32xf32, #tpu.memory_space<hbm>>
      %dma_start3A_65 = arith.constant 0 : i32
      %dma_start3A_66 = arith.constant 0 : i32
      %dma_start3A_67 = tpu.memref_slice %arg7[%dma_start3A_58, %dma_start3A_65, %dma_start3A_66] : memref<5x80x32xf32, #tpu.memory_space<vmem>> -> memref<1x80x32xf32, #tpu.memory_space<vmem>>
      %dma_start3A_68 = tpu.memref_squeeze %dma_start3A_67 : memref<1x80x32xf32, #tpu.memory_space<vmem>> -> memref<80x32xf32, #tpu.memory_space<vmem>>
      %dma_start3A_69 = arith.constant 0 : i32
      %dma_start3A_70 = tpu.memref_slice %arg2[%add3A_57, %dma_start3A_69] : memref<166400x128xf32, #tpu.memory_space<hbm>> -> memref<80x32xf32, #tpu.memory_space<hbm>>
      tpu.enqueue_dma source(%dma_start3A_70 : memref<80x32xf32, #tpu.memory_space<hbm>>) target(%dma_start3A_68 : memref<80x32xf32, #tpu.memory_space<vmem>>) target_semaphore(%arg9 : memref<!tpu.dma_semaphore, #tpu.memory_space<semaphore_mem>>)
      %mul3A_71 = arith.constant 5200 : i32
      %mul3A_72 = arith.muli %add3A, %mul3A_71 : i32
      %add3A_73 = arith.constant 3 : i32
      %add3A_74 = arith.addi %mul3A_11, %add3A_73 : i32
      %mul3A_75 = arith.constant 80 : i32
      %mul3A_76 = arith.muli %add3A_74, %mul3A_75 : i32
      %add3A_77 = arith.addi %mul3A_72, %mul3A_76 : i32
      %dma_start3A_78 = arith.constant 3 : i32
      %dma_start3A_79 = arith.constant 0 : i32
      %dma_start3A_80 = arith.constant 0 : i32
      %dma_start3A_81 = tpu.memref_slice %arg7[%dma_start3A_78, %dma_start3A_79, %dma_start3A_80] : memref<5x80x32xf32, #tpu.memory_space<vmem>> -> memref<1x80x32xf32, #tpu.memory_space<vmem>>
      %dma_start3A_82 = tpu.memref_squeeze %dma_start3A_81 : memref<1x80x32xf32, #tpu.memory_space<vmem>> -> memref<80x32xf32, #tpu.memory_space<vmem>>
      %dma_start3A_83 = arith.constant 0 : i32
      %dma_start3A_84 = tpu.memref_slice %arg2[%add3A_77, %dma_start3A_83] : memref<166400x128xf32, #tpu.memory_space<hbm>> -> memref<80x32xf32, #tpu.memory_space<hbm>>
      %dma_start3A_85 = arith.constant 0 : i32
      %dma_start3A_86 = arith.constant 0 : i32
      %dma_start3A_87 = tpu.memref_slice %arg7[%dma_start3A_78, %dma_start3A_85, %dma_start3A_86] : memref<5x80x32xf32, #tpu.memory_space<vmem>> -> memref<1x80x32xf32, #tpu.memory_space<vmem>>
      %dma_start3A_88 = tpu.memref_squeeze %dma_start3A_87 : memref<1x80x32xf32, #tpu.memory_space<vmem>> -> memref<80x32xf32, #tpu.memory_space<vmem>>
      %dma_start3A_89 = arith.constant 0 : i32
      %dma_start3A_90 = tpu.memref_slice %arg2[%add3A_77, %dma_start3A_89] : memref<166400x128xf32, #tpu.memory_space<hbm>> -> memref<80x32xf32, #tpu.memory_space<hbm>>
      tpu.enqueue_dma source(%dma_start3A_90 : memref<80x32xf32, #tpu.memory_space<hbm>>) target(%dma_start3A_88 : memref<80x32xf32, #tpu.memory_space<vmem>>) target_semaphore(%arg9 : memref<!tpu.dma_semaphore, #tpu.memory_space<semaphore_mem>>)
      %mul3A_91 = arith.constant 5200 : i32
      %mul3A_92 = arith.muli %add3A, %mul3A_91 : i32
      %add3A_93 = arith.constant 4 : i32
      %add3A_94 = arith.addi %mul3A_11, %add3A_93 : i32
      %mul3A_95 = arith.constant 80 : i32
      %mul3A_96 = arith.muli %add3A_94, %mul3A_95 : i32
      %add3A_97 = arith.addi %mul3A_92, %mul3A_96 : i32
      %dma_start3A_98 = arith.constant 4 : i32
      %dma_start3A_99 = arith.constant 0 : i32
      %dma_start3A_100 = arith.constant 0 : i32
      %dma_start3A_101 = tpu.memref_slice %arg7[%dma_start3A_98, %dma_start3A_99, %dma_start3A_100] : memref<5x80x32xf32, #tpu.memory_space<vmem>> -> memref<1x80x32xf32, #tpu.memory_space<vmem>>
      %dma_start3A_102 = tpu.memref_squeeze %dma_start3A_101 : memref<1x80x32xf32, #tpu.memory_space<vmem>> -> memref<80x32xf32, #tpu.memory_space<vmem>>
      %dma_start3A_103 = arith.constant 0 : i32
      %dma_start3A_104 = tpu.memref_slice %arg2[%add3A_97, %dma_start3A_103] : memref<166400x128xf32, #tpu.memory_space<hbm>> -> memref<80x32xf32, #tpu.memory_space<hbm>>
      %dma_start3A_105 = arith.constant 0 : i32
      %dma_start3A_106 = arith.constant 0 : i32
      %dma_start3A_107 = tpu.memref_slice %arg7[%dma_start3A_98, %dma_start3A_105, %dma_start3A_106] : memref<5x80x32xf32, #tpu.memory_space<vmem>> -> memref<1x80x32xf32, #tpu.memory_space<vmem>>
      %dma_start3A_108 = tpu.memref_squeeze %dma_start3A_107 : memref<1x80x32xf32, #tpu.memory_space<vmem>> -> memref<80x32xf32, #tpu.memory_space<vmem>>
      %dma_start3A_109 = arith.constant 0 : i32
      %dma_start3A_110 = tpu.memref_slice %arg2[%add3A_97, %dma_start3A_109] : memref<166400x128xf32, #tpu.memory_space<hbm>> -> memref<80x32xf32, #tpu.memory_space<hbm>>
      tpu.enqueue_dma source(%dma_start3A_110 : memref<80x32xf32, #tpu.memory_space<hbm>>) target(%dma_start3A_108 : memref<80x32xf32, #tpu.memory_space<vmem>>) target_semaphore(%arg9 : memref<!tpu.dma_semaphore, #tpu.memory_space<semaphore_mem>>)
      %mul3A_111 = arith.constant 5200 : i32
      %mul3A_112 = arith.muli %add3A, %mul3A_111 : i32
      %add3A_113 = arith.constant 0 : i32
      %add3A_114 = arith.addi %mul3A_11, %add3A_113 : i32
      %mul3A_115 = arith.constant 80 : i32
      %mul3A_116 = arith.muli %add3A_114, %mul3A_115 : i32
      %add3A_117 = arith.addi %mul3A_112, %mul3A_116 : i32
      %dma_wait3A = arith.constant 0 : i32
      %dma_wait3A_118 = arith.constant 0 : i32
      %dma_wait3A_119 = arith.constant 0 : i32
      %dma_wait3A_120 = tpu.memref_slice %arg7[%dma_wait3A, %dma_wait3A_118, %dma_wait3A_119] : memref<5x80x32xf32, #tpu.memory_space<vmem>> -> memref<1x80x32xf32, #tpu.memory_space<vmem>>
      %dma_wait3A_121 = tpu.memref_squeeze %dma_wait3A_120 : memref<1x80x32xf32, #tpu.memory_space<vmem>> -> memref<80x32xf32, #tpu.memory_space<vmem>>
      %dma_wait3A_122 = arith.constant 0 : i32
      %dma_wait3A_123 = tpu.memref_slice %arg2[%add3A_117, %dma_wait3A_122] : memref<166400x128xf32, #tpu.memory_space<hbm>> -> memref<80x32xf32, #tpu.memory_space<hbm>>
      %dma_wait3A_124 = arith.constant 0 : i32
      %dma_wait3A_125 = arith.constant 0 : i32
      %dma_wait3A_126 = tpu.memref_slice %arg7[%dma_wait3A, %dma_wait3A_124, %dma_wait3A_125] : memref<5x80x32xf32, #tpu.memory_space<vmem>> -> memref<1x80x32xf32, #tpu.memory_space<vmem>>
      %dma_wait3A_127 = tpu.memref_squeeze %dma_wait3A_126 : memref<1x80x32xf32, #tpu.memory_space<vmem>> -> memref<80x32xf32, #tpu.memory_space<vmem>>
      %dma_wait3A_128 = arith.constant 0 : i32
      %dma_wait3A_129 = tpu.memref_slice %arg2[%add3A_117, %dma_wait3A_128] : memref<166400x128xf32, #tpu.memory_space<hbm>> -> memref<80x32xf32, #tpu.memory_space<hbm>>
      tpu.wait_dma2 semaphore(%arg9 : memref<!tpu.dma_semaphore, #tpu.memory_space<semaphore_mem>>) src(%dma_wait3A_129 : memref<80x32xf32, #tpu.memory_space<hbm>>) dst(%dma_wait3A_127 : memref<80x32xf32, #tpu.memory_space<vmem>>)
      %add3A_130 = arith.constant 0 : i32
      %add3A_131 = arith.addi %mul3A_11, %add3A_130 : i32
      %run_scoped3A = arith.constant 0 : i32
      "tpu.region"() ({
        %run_scoped3A_224 = tpu.sem_alloc : memref<!tpu.dma_semaphore, #tpu.memory_space<semaphore_mem>>
        %dma_start3A_225 = arith.constant 0 : i32
        %dma_start3A_226 = arith.constant 0 : i32
        %dma_start3A_227 = tpu.memref_slice %arg7[%run_scoped3A, %dma_start3A_225, %dma_start3A_226] : memref<5x80x32xf32, #tpu.memory_space<vmem>> -> memref<1x80x32xf32, #tpu.memory_space<vmem>>
        %dma_start3A_228 = tpu.memref_squeeze %dma_start3A_227 : memref<1x80x32xf32, #tpu.memory_space<vmem>> -> memref<80x32xf32, #tpu.memory_space<vmem>>
        %dma_start3A_229 = arith.constant 0 : i32
        %dma_start3A_230 = tpu.memref_slice %arg6[%add3A_131, %dma_start3A_229] : memref<65x80xi32, #tpu.memory_space<vmem>> -> memref<1x80xi32, #tpu.memory_space<vmem>>
        %dma_start3A_231 = tpu.memref_squeeze %dma_start3A_230 : memref<1x80xi32, #tpu.memory_space<vmem>> -> memref<80xi32, #tpu.memory_space<vmem>>
        %dma_start3A_232 = arith.constant 0 : i32
        %dma_start3A_233 = arith.constant 0 : i32
        %dma_start3A_234 = tpu.memref_slice %arg8[%dma_start3A_232, %dma_start3A_233] : memref<20480x32xf32, #tpu.memory_space<vmem_shared>> -> memref<20480x32xf32, #tpu.memory_space<vmem_shared>>
        tpu.enqueue_indirect_dma source(%dma_start3A_228 : memref<80x32xf32, #tpu.memory_space<vmem>>) target(%dma_start3A_234 : memref<20480x32xf32, #tpu.memory_space<vmem_shared>>) offsets(%dma_start3A_231 : memref<80xi32, #tpu.memory_space<vmem>>) semaphore(%run_scoped3A_224 : memref<!tpu.dma_semaphore, #tpu.memory_space<semaphore_mem>>) {add = true}
        %dma_wait3A_235 = arith.constant 0 : i32
        %dma_wait3A_236 = arith.constant 0 : i32
        %dma_wait3A_237 = tpu.memref_slice %arg7[%run_scoped3A, %dma_wait3A_235, %dma_wait3A_236] : memref<5x80x32xf32, #tpu.memory_space<vmem>> -> memref<1x80x32xf32, #tpu.memory_space<vmem>>
        %dma_wait3A_238 = tpu.memref_squeeze %dma_wait3A_237 : memref<1x80x32xf32, #tpu.memory_space<vmem>> -> memref<80x32xf32, #tpu.memory_space<vmem>>
        %dma_wait3A_239 = arith.constant 0 : i32
        %dma_wait3A_240 = tpu.memref_slice %arg6[%add3A_131, %dma_wait3A_239] : memref<65x80xi32, #tpu.memory_space<vmem>> -> memref<1x80xi32, #tpu.memory_space<vmem>>
        %dma_wait3A_241 = tpu.memref_squeeze %dma_wait3A_240 : memref<1x80xi32, #tpu.memory_space<vmem>> -> memref<80xi32, #tpu.memory_space<vmem>>
        %dma_wait3A_242 = arith.constant 0 : i32
        %dma_wait3A_243 = arith.constant 0 : i32
        %dma_wait3A_244 = tpu.memref_slice %arg8[%dma_wait3A_242, %dma_wait3A_243] : memref<20480x32xf32, #tpu.memory_space<vmem_shared>> -> memref<20480x32xf32, #tpu.memory_space<vmem_shared>>
        tpu.wait_indirect_dma semaphore(%run_scoped3A_224 : memref<!tpu.dma_semaphore, #tpu.memory_space<semaphore_mem>>) src(%dma_wait3A_238 : memref<80x32xf32, #tpu.memory_space<vmem>>) dst(%dma_wait3A_244 : memref<20480x32xf32, #tpu.memory_space<vmem_shared>>)
        tpu.yield
      }) : () -> ()
      %mul3A_132 = arith.constant 5200 : i32
      %mul3A_133 = arith.muli %add3A, %mul3A_132 : i32
      %add3A_134 = arith.constant 1 : i32
      %add3A_135 = arith.addi %mul3A_11, %add3A_134 : i32
      %mul3A_136 = arith.constant 80 : i32
      %mul3A_137 = arith.muli %add3A_135, %mul3A_136 : i32
      %add3A_138 = arith.addi %mul3A_133, %mul3A_137 : i32
      %dma_wait3A_139 = arith.constant 1 : i32
      %dma_wait3A_140 = arith.constant 0 : i32
      %dma_wait3A_141 = arith.constant 0 : i32
      %dma_wait3A_142 = tpu.memref_slice %arg7[%dma_wait3A_139, %dma_wait3A_140, %dma_wait3A_141] : memref<5x80x32xf32, #tpu.memory_space<vmem>> -> memref<1x80x32xf32, #tpu.memory_space<vmem>>
      %dma_wait3A_143 = tpu.memref_squeeze %dma_wait3A_142 : memref<1x80x32xf32, #tpu.memory_space<vmem>> -> memref<80x32xf32, #tpu.memory_space<vmem>>
      %dma_wait3A_144 = arith.constant 0 : i32
      %dma_wait3A_145 = tpu.memref_slice %arg2[%add3A_138, %dma_wait3A_144] : memref<166400x128xf32, #tpu.memory_space<hbm>> -> memref<80x32xf32, #tpu.memory_space<hbm>>
      %dma_wait3A_146 = arith.constant 0 : i32
      %dma_wait3A_147 = arith.constant 0 : i32
      %dma_wait3A_148 = tpu.memref_slice %arg7[%dma_wait3A_139, %dma_wait3A_146, %dma_wait3A_147] : memref<5x80x32xf32, #tpu.memory_space<vmem>> -> memref<1x80x32xf32, #tpu.memory_space<vmem>>
      %dma_wait3A_149 = tpu.memref_squeeze %dma_wait3A_148 : memref<1x80x32xf32, #tpu.memory_space<vmem>> -> memref<80x32xf32, #tpu.memory_space<vmem>>
      %dma_wait3A_150 = arith.constant 0 : i32
      %dma_wait3A_151 = tpu.memref_slice %arg2[%add3A_138, %dma_wait3A_150] : memref<166400x128xf32, #tpu.memory_space<hbm>> -> memref<80x32xf32, #tpu.memory_space<hbm>>
      tpu.wait_dma2 semaphore(%arg9 : memref<!tpu.dma_semaphore, #tpu.memory_space<semaphore_mem>>) src(%dma_wait3A_151 : memref<80x32xf32, #tpu.memory_space<hbm>>) dst(%dma_wait3A_149 : memref<80x32xf32, #tpu.memory_space<vmem>>)
      %add3A_152 = arith.constant 1 : i32
      %add3A_153 = arith.addi %mul3A_11, %add3A_152 : i32
      %run_scoped3A_154 = arith.constant 1 : i32
      "tpu.region"() ({
        %run_scoped3A_224 = tpu.sem_alloc : memref<!tpu.dma_semaphore, #tpu.memory_space<semaphore_mem>>
        %dma_start3A_225 = arith.constant 0 : i32
        %dma_start3A_226 = arith.constant 0 : i32
        %dma_start3A_227 = tpu.memref_slice %arg7[%run_scoped3A_154, %dma_start3A_225, %dma_start3A_226] : memref<5x80x32xf32, #tpu.memory_space<vmem>> -> memref<1x80x32xf32, #tpu.memory_space<vmem>>
        %dma_start3A_228 = tpu.memref_squeeze %dma_start3A_227 : memref<1x80x32xf32, #tpu.memory_space<vmem>> -> memref<80x32xf32, #tpu.memory_space<vmem>>
        %dma_start3A_229 = arith.constant 0 : i32
        %dma_start3A_230 = tpu.memref_slice %arg6[%add3A_153, %dma_start3A_229] : memref<65x80xi32, #tpu.memory_space<vmem>> -> memref<1x80xi32, #tpu.memory_space<vmem>>
        %dma_start3A_231 = tpu.memref_squeeze %dma_start3A_230 : memref<1x80xi32, #tpu.memory_space<vmem>> -> memref<80xi32, #tpu.memory_space<vmem>>
        %dma_start3A_232 = arith.constant 0 : i32
        %dma_start3A_233 = arith.constant 0 : i32
        %dma_start3A_234 = tpu.memref_slice %arg8[%dma_start3A_232, %dma_start3A_233] : memref<20480x32xf32, #tpu.memory_space<vmem_shared>> -> memref<20480x32xf32, #tpu.memory_space<vmem_shared>>
        tpu.enqueue_indirect_dma source(%dma_start3A_228 : memref<80x32xf32, #tpu.memory_space<vmem>>) target(%dma_start3A_234 : memref<20480x32xf32, #tpu.memory_space<vmem_shared>>) offsets(%dma_start3A_231 : memref<80xi32, #tpu.memory_space<vmem>>) semaphore(%run_scoped3A_224 : memref<!tpu.dma_semaphore, #tpu.memory_space<semaphore_mem>>) {add = true}
        %dma_wait3A_235 = arith.constant 0 : i32
        %dma_wait3A_236 = arith.constant 0 : i32
        %dma_wait3A_237 = tpu.memref_slice %arg7[%run_scoped3A_154, %dma_wait3A_235, %dma_wait3A_236] : memref<5x80x32xf32, #tpu.memory_space<vmem>> -> memref<1x80x32xf32, #tpu.memory_space<vmem>>
        %dma_wait3A_238 = tpu.memref_squeeze %dma_wait3A_237 : memref<1x80x32xf32, #tpu.memory_space<vmem>> -> memref<80x32xf32, #tpu.memory_space<vmem>>
        %dma_wait3A_239 = arith.constant 0 : i32
        %dma_wait3A_240 = tpu.memref_slice %arg6[%add3A_153, %dma_wait3A_239] : memref<65x80xi32, #tpu.memory_space<vmem>> -> memref<1x80xi32, #tpu.memory_space<vmem>>
        %dma_wait3A_241 = tpu.memref_squeeze %dma_wait3A_240 : memref<1x80xi32, #tpu.memory_space<vmem>> -> memref<80xi32, #tpu.memory_space<vmem>>
        %dma_wait3A_242 = arith.constant 0 : i32
        %dma_wait3A_243 = arith.constant 0 : i32
        %dma_wait3A_244 = tpu.memref_slice %arg8[%dma_wait3A_242, %dma_wait3A_243] : memref<20480x32xf32, #tpu.memory_space<vmem_shared>> -> memref<20480x32xf32, #tpu.memory_space<vmem_shared>>
        tpu.wait_indirect_dma semaphore(%run_scoped3A_224 : memref<!tpu.dma_semaphore, #tpu.memory_space<semaphore_mem>>) src(%dma_wait3A_238 : memref<80x32xf32, #tpu.memory_space<vmem>>) dst(%dma_wait3A_244 : memref<20480x32xf32, #tpu.memory_space<vmem_shared>>)
        tpu.yield
      }) : () -> ()
      %mul3A_155 = arith.constant 5200 : i32
      %mul3A_156 = arith.muli %add3A, %mul3A_155 : i32
      %add3A_157 = arith.constant 2 : i32
      %add3A_158 = arith.addi %mul3A_11, %add3A_157 : i32
      %mul3A_159 = arith.constant 80 : i32
      %mul3A_160 = arith.muli %add3A_158, %mul3A_159 : i32
      %add3A_161 = arith.addi %mul3A_156, %mul3A_160 : i32
      %dma_wait3A_162 = arith.constant 2 : i32
      %dma_wait3A_163 = arith.constant 0 : i32
      %dma_wait3A_164 = arith.constant 0 : i32
      %dma_wait3A_165 = tpu.memref_slice %arg7[%dma_wait3A_162, %dma_wait3A_163, %dma_wait3A_164] : memref<5x80x32xf32, #tpu.memory_space<vmem>> -> memref<1x80x32xf32, #tpu.memory_space<vmem>>
      %dma_wait3A_166 = tpu.memref_squeeze %dma_wait3A_165 : memref<1x80x32xf32, #tpu.memory_space<vmem>> -> memref<80x32xf32, #tpu.memory_space<vmem>>
      %dma_wait3A_167 = arith.constant 0 : i32
      %dma_wait3A_168 = tpu.memref_slice %arg2[%add3A_161, %dma_wait3A_167] : memref<166400x128xf32, #tpu.memory_space<hbm>> -> memref<80x32xf32, #tpu.memory_space<hbm>>
      %dma_wait3A_169 = arith.constant 0 : i32
      %dma_wait3A_170 = arith.constant 0 : i32
      %dma_wait3A_171 = tpu.memref_slice %arg7[%dma_wait3A_162, %dma_wait3A_169, %dma_wait3A_170] : memref<5x80x32xf32, #tpu.memory_space<vmem>> -> memref<1x80x32xf32, #tpu.memory_space<vmem>>
      %dma_wait3A_172 = tpu.memref_squeeze %dma_wait3A_171 : memref<1x80x32xf32, #tpu.memory_space<vmem>> -> memref<80x32xf32, #tpu.memory_space<vmem>>
      %dma_wait3A_173 = arith.constant 0 : i32
      %dma_wait3A_174 = tpu.memref_slice %arg2[%add3A_161, %dma_wait3A_173] : memref<166400x128xf32, #tpu.memory_space<hbm>> -> memref<80x32xf32, #tpu.memory_space<hbm>>
      tpu.wait_dma2 semaphore(%arg9 : memref<!tpu.dma_semaphore, #tpu.memory_space<semaphore_mem>>) src(%dma_wait3A_174 : memref<80x32xf32, #tpu.memory_space<hbm>>) dst(%dma_wait3A_172 : memref<80x32xf32, #tpu.memory_space<vmem>>)
      %add3A_175 = arith.constant 2 : i32
      %add3A_176 = arith.addi %mul3A_11, %add3A_175 : i32
      %run_scoped3A_177 = arith.constant 2 : i32
      "tpu.region"() ({
        %run_scoped3A_224 = tpu.sem_alloc : memref<!tpu.dma_semaphore, #tpu.memory_space<semaphore_mem>>
        %dma_start3A_225 = arith.constant 0 : i32
        %dma_start3A_226 = arith.constant 0 : i32
        %dma_start3A_227 = tpu.memref_slice %arg7[%run_scoped3A_177, %dma_start3A_225, %dma_start3A_226] : memref<5x80x32xf32, #tpu.memory_space<vmem>> -> memref<1x80x32xf32, #tpu.memory_space<vmem>>
        %dma_start3A_228 = tpu.memref_squeeze %dma_start3A_227 : memref<1x80x32xf32, #tpu.memory_space<vmem>> -> memref<80x32xf32, #tpu.memory_space<vmem>>
        %dma_start3A_229 = arith.constant 0 : i32
        %dma_start3A_230 = tpu.memref_slice %arg6[%add3A_176, %dma_start3A_229] : memref<65x80xi32, #tpu.memory_space<vmem>> -> memref<1x80xi32, #tpu.memory_space<vmem>>
        %dma_start3A_231 = tpu.memref_squeeze %dma_start3A_230 : memref<1x80xi32, #tpu.memory_space<vmem>> -> memref<80xi32, #tpu.memory_space<vmem>>
        %dma_start3A_232 = arith.constant 0 : i32
        %dma_start3A_233 = arith.constant 0 : i32
        %dma_start3A_234 = tpu.memref_slice %arg8[%dma_start3A_232, %dma_start3A_233] : memref<20480x32xf32, #tpu.memory_space<vmem_shared>> -> memref<20480x32xf32, #tpu.memory_space<vmem_shared>>
        tpu.enqueue_indirect_dma source(%dma_start3A_228 : memref<80x32xf32, #tpu.memory_space<vmem>>) target(%dma_start3A_234 : memref<20480x32xf32, #tpu.memory_space<vmem_shared>>) offsets(%dma_start3A_231 : memref<80xi32, #tpu.memory_space<vmem>>) semaphore(%run_scoped3A_224 : memref<!tpu.dma_semaphore, #tpu.memory_space<semaphore_mem>>) {add = true}
        %dma_wait3A_235 = arith.constant 0 : i32
        %dma_wait3A_236 = arith.constant 0 : i32
        %dma_wait3A_237 = tpu.memref_slice %arg7[%run_scoped3A_177, %dma_wait3A_235, %dma_wait3A_236] : memref<5x80x32xf32, #tpu.memory_space<vmem>> -> memref<1x80x32xf32, #tpu.memory_space<vmem>>
        %dma_wait3A_238 = tpu.memref_squeeze %dma_wait3A_237 : memref<1x80x32xf32, #tpu.memory_space<vmem>> -> memref<80x32xf32, #tpu.memory_space<vmem>>
        %dma_wait3A_239 = arith.constant 0 : i32
        %dma_wait3A_240 = tpu.memref_slice %arg6[%add3A_176, %dma_wait3A_239] : memref<65x80xi32, #tpu.memory_space<vmem>> -> memref<1x80xi32, #tpu.memory_space<vmem>>
        %dma_wait3A_241 = tpu.memref_squeeze %dma_wait3A_240 : memref<1x80xi32, #tpu.memory_space<vmem>> -> memref<80xi32, #tpu.memory_space<vmem>>
        %dma_wait3A_242 = arith.constant 0 : i32
        %dma_wait3A_243 = arith.constant 0 : i32
        %dma_wait3A_244 = tpu.memref_slice %arg8[%dma_wait3A_242, %dma_wait3A_243] : memref<20480x32xf32, #tpu.memory_space<vmem_shared>> -> memref<20480x32xf32, #tpu.memory_space<vmem_shared>>
        tpu.wait_indirect_dma semaphore(%run_scoped3A_224 : memref<!tpu.dma_semaphore, #tpu.memory_space<semaphore_mem>>) src(%dma_wait3A_238 : memref<80x32xf32, #tpu.memory_space<vmem>>) dst(%dma_wait3A_244 : memref<20480x32xf32, #tpu.memory_space<vmem_shared>>)
        tpu.yield
      }) : () -> ()
      %mul3A_178 = arith.constant 5200 : i32
      %mul3A_179 = arith.muli %add3A, %mul3A_178 : i32
      %add3A_180 = arith.constant 3 : i32
      %add3A_181 = arith.addi %mul3A_11, %add3A_180 : i32
      %mul3A_182 = arith.constant 80 : i32
      %mul3A_183 = arith.muli %add3A_181, %mul3A_182 : i32
      %add3A_184 = arith.addi %mul3A_179, %mul3A_183 : i32
      %dma_wait3A_185 = arith.constant 3 : i32
      %dma_wait3A_186 = arith.constant 0 : i32
      %dma_wait3A_187 = arith.constant 0 : i32
      %dma_wait3A_188 = tpu.memref_slice %arg7[%dma_wait3A_185, %dma_wait3A_186, %dma_wait3A_187] : memref<5x80x32xf32, #tpu.memory_space<vmem>> -> memref<1x80x32xf32, #tpu.memory_space<vmem>>
      %dma_wait3A_189 = tpu.memref_squeeze %dma_wait3A_188 : memref<1x80x32xf32, #tpu.memory_space<vmem>> -> memref<80x32xf32, #tpu.memory_space<vmem>>
      %dma_wait3A_190 = arith.constant 0 : i32
      %dma_wait3A_191 = tpu.memref_slice %arg2[%add3A_184, %dma_wait3A_190] : memref<166400x128xf32, #tpu.memory_space<hbm>> -> memref<80x32xf32, #tpu.memory_space<hbm>>
      %dma_wait3A_192 = arith.constant 0 : i32
      %dma_wait3A_193 = arith.constant 0 : i32
      %dma_wait3A_194 = tpu.memref_slice %arg7[%dma_wait3A_185, %dma_wait3A_192, %dma_wait3A_193] : memref<5x80x32xf32, #tpu.memory_space<vmem>> -> memref<1x80x32xf32, #tpu.memory_space<vmem>>
      %dma_wait3A_195 = tpu.memref_squeeze %dma_wait3A_194 : memref<1x80x32xf32, #tpu.memory_space<vmem>> -> memref<80x32xf32, #tpu.memory_space<vmem>>
      %dma_wait3A_196 = arith.constant 0 : i32
      %dma_wait3A_197 = tpu.memref_slice %arg2[%add3A_184, %dma_wait3A_196] : memref<166400x128xf32, #tpu.memory_space<hbm>> -> memref<80x32xf32, #tpu.memory_space<hbm>>
      tpu.wait_dma2 semaphore(%arg9 : memref<!tpu.dma_semaphore, #tpu.memory_space<semaphore_mem>>) src(%dma_wait3A_197 : memref<80x32xf32, #tpu.memory_space<hbm>>) dst(%dma_wait3A_195 : memref<80x32xf32, #tpu.memory_space<vmem>>)
      %add3A_198 = arith.constant 3 : i32
      %add3A_199 = arith.addi %mul3A_11, %add3A_198 : i32
      %run_scoped3A_200 = arith.constant 3 : i32
      "tpu.region"() ({
        %run_scoped3A_224 = tpu.sem_alloc : memref<!tpu.dma_semaphore, #tpu.memory_space<semaphore_mem>>
        %dma_start3A_225 = arith.constant 0 : i32
        %dma_start3A_226 = arith.constant 0 : i32
        %dma_start3A_227 = tpu.memref_slice %arg7[%run_scoped3A_200, %dma_start3A_225, %dma_start3A_226] : memref<5x80x32xf32, #tpu.memory_space<vmem>> -> memref<1x80x32xf32, #tpu.memory_space<vmem>>
        %dma_start3A_228 = tpu.memref_squeeze %dma_start3A_227 : memref<1x80x32xf32, #tpu.memory_space<vmem>> -> memref<80x32xf32, #tpu.memory_space<vmem>>
        %dma_start3A_229 = arith.constant 0 : i32
        %dma_start3A_230 = tpu.memref_slice %arg6[%add3A_199, %dma_start3A_229] : memref<65x80xi32, #tpu.memory_space<vmem>> -> memref<1x80xi32, #tpu.memory_space<vmem>>
        %dma_start3A_231 = tpu.memref_squeeze %dma_start3A_230 : memref<1x80xi32, #tpu.memory_space<vmem>> -> memref<80xi32, #tpu.memory_space<vmem>>
        %dma_start3A_232 = arith.constant 0 : i32
        %dma_start3A_233 = arith.constant 0 : i32
        %dma_start3A_234 = tpu.memref_slice %arg8[%dma_start3A_232, %dma_start3A_233] : memref<20480x32xf32, #tpu.memory_space<vmem_shared>> -> memref<20480x32xf32, #tpu.memory_space<vmem_shared>>
        tpu.enqueue_indirect_dma source(%dma_start3A_228 : memref<80x32xf32, #tpu.memory_space<vmem>>) target(%dma_start3A_234 : memref<20480x32xf32, #tpu.memory_space<vmem_shared>>) offsets(%dma_start3A_231 : memref<80xi32, #tpu.memory_space<vmem>>) semaphore(%run_scoped3A_224 : memref<!tpu.dma_semaphore, #tpu.memory_space<semaphore_mem>>) {add = true}
        %dma_wait3A_235 = arith.constant 0 : i32
        %dma_wait3A_236 = arith.constant 0 : i32
        %dma_wait3A_237 = tpu.memref_slice %arg7[%run_scoped3A_200, %dma_wait3A_235, %dma_wait3A_236] : memref<5x80x32xf32, #tpu.memory_space<vmem>> -> memref<1x80x32xf32, #tpu.memory_space<vmem>>
        %dma_wait3A_238 = tpu.memref_squeeze %dma_wait3A_237 : memref<1x80x32xf32, #tpu.memory_space<vmem>> -> memref<80x32xf32, #tpu.memory_space<vmem>>
        %dma_wait3A_239 = arith.constant 0 : i32
        %dma_wait3A_240 = tpu.memref_slice %arg6[%add3A_199, %dma_wait3A_239] : memref<65x80xi32, #tpu.memory_space<vmem>> -> memref<1x80xi32, #tpu.memory_space<vmem>>
        %dma_wait3A_241 = tpu.memref_squeeze %dma_wait3A_240 : memref<1x80xi32, #tpu.memory_space<vmem>> -> memref<80xi32, #tpu.memory_space<vmem>>
        %dma_wait3A_242 = arith.constant 0 : i32
        %dma_wait3A_243 = arith.constant 0 : i32
        %dma_wait3A_244 = tpu.memref_slice %arg8[%dma_wait3A_242, %dma_wait3A_243] : memref<20480x32xf32, #tpu.memory_space<vmem_shared>> -> memref<20480x32xf32, #tpu.memory_space<vmem_shared>>
        tpu.wait_indirect_dma semaphore(%run_scoped3A_224 : memref<!tpu.dma_semaphore, #tpu.memory_space<semaphore_mem>>) src(%dma_wait3A_238 : memref<80x32xf32, #tpu.memory_space<vmem>>) dst(%dma_wait3A_244 : memref<20480x32xf32, #tpu.memory_space<vmem_shared>>)
        tpu.yield
      }) : () -> ()
      %mul3A_201 = arith.constant 5200 : i32
      %mul3A_202 = arith.muli %add3A, %mul3A_201 : i32
      %add3A_203 = arith.constant 4 : i32
      %add3A_204 = arith.addi %mul3A_11, %add3A_203 : i32
      %mul3A_205 = arith.constant 80 : i32
      %mul3A_206 = arith.muli %add3A_204, %mul3A_205 : i32
      %add3A_207 = arith.addi %mul3A_202, %mul3A_206 : i32
      %dma_wait3A_208 = arith.constant 4 : i32
      %dma_wait3A_209 = arith.constant 0 : i32
      %dma_wait3A_210 = arith.constant 0 : i32
      %dma_wait3A_211 = tpu.memref_slice %arg7[%dma_wait3A_208, %dma_wait3A_209, %dma_wait3A_210] : memref<5x80x32xf32, #tpu.memory_space<vmem>> -> memref<1x80x32xf32, #tpu.memory_space<vmem>>
      %dma_wait3A_212 = tpu.memref_squeeze %dma_wait3A_211 : memref<1x80x32xf32, #tpu.memory_space<vmem>> -> memref<80x32xf32, #tpu.memory_space<vmem>>
      %dma_wait3A_213 = arith.constant 0 : i32
      %dma_wait3A_214 = tpu.memref_slice %arg2[%add3A_207, %dma_wait3A_213] : memref<166400x128xf32, #tpu.memory_space<hbm>> -> memref<80x32xf32, #tpu.memory_space<hbm>>
      %dma_wait3A_215 = arith.constant 0 : i32
      %dma_wait3A_216 = arith.constant 0 : i32
      %dma_wait3A_217 = tpu.memref_slice %arg7[%dma_wait3A_208, %dma_wait3A_215, %dma_wait3A_216] : memref<5x80x32xf32, #tpu.memory_space<vmem>> -> memref<1x80x32xf32, #tpu.memory_space<vmem>>
      %dma_wait3A_218 = tpu.memref_squeeze %dma_wait3A_217 : memref<1x80x32xf32, #tpu.memory_space<vmem>> -> memref<80x32xf32, #tpu.memory_space<vmem>>
      %dma_wait3A_219 = arith.constant 0 : i32
      %dma_wait3A_220 = tpu.memref_slice %arg2[%add3A_207, %dma_wait3A_219] : memref<166400x128xf32, #tpu.memory_space<hbm>> -> memref<80x32xf32, #tpu.memory_space<hbm>>
      tpu.wait_dma2 semaphore(%arg9 : memref<!tpu.dma_semaphore, #tpu.memory_space<semaphore_mem>>) src(%dma_wait3A_220 : memref<80x32xf32, #tpu.memory_space<hbm>>) dst(%dma_wait3A_218 : memref<80x32xf32, #tpu.memory_space<vmem>>)
      %add3A_221 = arith.constant 4 : i32
      %add3A_222 = arith.addi %mul3A_11, %add3A_221 : i32
      %run_scoped3A_223 = arith.constant 4 : i32
      "tpu.region"() ({
        %run_scoped3A_224 = tpu.sem_alloc : memref<!tpu.dma_semaphore, #tpu.memory_space<semaphore_mem>>
        %dma_start3A_225 = arith.constant 0 : i32
        %dma_start3A_226 = arith.constant 0 : i32
        %dma_start3A_227 = tpu.memref_slice %arg7[%run_scoped3A_223, %dma_start3A_225, %dma_start3A_226] : memref<5x80x32xf32, #tpu.memory_space<vmem>> -> memref<1x80x32xf32, #tpu.memory_space<vmem>>
        %dma_start3A_228 = tpu.memref_squeeze %dma_start3A_227 : memref<1x80x32xf32, #tpu.memory_space<vmem>> -> memref<80x32xf32, #tpu.memory_space<vmem>>
        %dma_start3A_229 = arith.constant 0 : i32
        %dma_start3A_230 = tpu.memref_slice %arg6[%add3A_222, %dma_start3A_229] : memref<65x80xi32, #tpu.memory_space<vmem>> -> memref<1x80xi32, #tpu.memory_space<vmem>>
        %dma_start3A_231 = tpu.memref_squeeze %dma_start3A_230 : memref<1x80xi32, #tpu.memory_space<vmem>> -> memref<80xi32, #tpu.memory_space<vmem>>
        %dma_start3A_232 = arith.constant 0 : i32
        %dma_start3A_233 = arith.constant 0 : i32
        %dma_start3A_234 = tpu.memref_slice %arg8[%dma_start3A_232, %dma_start3A_233] : memref<20480x32xf32, #tpu.memory_space<vmem_shared>> -> memref<20480x32xf32, #tpu.memory_space<vmem_shared>>
        tpu.enqueue_indirect_dma source(%dma_start3A_228 : memref<80x32xf32, #tpu.memory_space<vmem>>) target(%dma_start3A_234 : memref<20480x32xf32, #tpu.memory_space<vmem_shared>>) offsets(%dma_start3A_231 : memref<80xi32, #tpu.memory_space<vmem>>) semaphore(%run_scoped3A_224 : memref<!tpu.dma_semaphore, #tpu.memory_space<semaphore_mem>>) {add = true}
        %dma_wait3A_235 = arith.constant 0 : i32
        %dma_wait3A_236 = arith.constant 0 : i32
        %dma_wait3A_237 = tpu.memref_slice %arg7[%run_scoped3A_223, %dma_wait3A_235, %dma_wait3A_236] : memref<5x80x32xf32, #tpu.memory_space<vmem>> -> memref<1x80x32xf32, #tpu.memory_space<vmem>>
        %dma_wait3A_238 = tpu.memref_squeeze %dma_wait3A_237 : memref<1x80x32xf32, #tpu.memory_space<vmem>> -> memref<80x32xf32, #tpu.memory_space<vmem>>
        %dma_wait3A_239 = arith.constant 0 : i32
        %dma_wait3A_240 = tpu.memref_slice %arg6[%add3A_222, %dma_wait3A_239] : memref<65x80xi32, #tpu.memory_space<vmem>> -> memref<1x80xi32, #tpu.memory_space<vmem>>
        %dma_wait3A_241 = tpu.memref_squeeze %dma_wait3A_240 : memref<1x80xi32, #tpu.memory_space<vmem>> -> memref<80xi32, #tpu.memory_space<vmem>>
        %dma_wait3A_242 = arith.constant 0 : i32
        %dma_wait3A_243 = arith.constant 0 : i32
        %dma_wait3A_244 = tpu.memref_slice %arg8[%dma_wait3A_242, %dma_wait3A_243] : memref<20480x32xf32, #tpu.memory_space<vmem_shared>> -> memref<20480x32xf32, #tpu.memory_space<vmem_shared>>
        tpu.wait_indirect_dma semaphore(%run_scoped3A_224 : memref<!tpu.dma_semaphore, #tpu.memory_space<semaphore_mem>>) src(%dma_wait3A_238 : memref<80x32xf32, #tpu.memory_space<vmem>>) dst(%dma_wait3A_244 : memref<20480x32xf32, #tpu.memory_space<vmem_shared>>)
        tpu.yield
      }) : () -> ()
    }
    %scan3A_7 = arith.constant 13 : i32
    %barrier3A_8 = arith.constant 0 : index
    tpu.barrier barrier_id(%barrier3A_8)
    "tpu.region"() ({
      %run_scoped3A = tpu.sem_alloc : memref<!tpu.dma_semaphore, #tpu.memory_space<semaphore_mem>>
      %dma_start3A = arith.constant 0 : i32
      %dma_start3A_9 = tpu.memref_slice %arg5[%arg0, %mul3A_2, %dma_start3A] : memref<2x20480x128xf32, #tpu.memory_space<hbm>> -> memref<1x1280x32xf32, #tpu.memory_space<hbm>>
      %dma_start3A_10 = tpu.memref_squeeze %dma_start3A_9 : memref<1x1280x32xf32, #tpu.memory_space<hbm>> -> memref<1280x32xf32, #tpu.memory_space<hbm>>
      %dma_start3A_11 = arith.constant 0 : i32
      %dma_start3A_12 = tpu.memref_slice %arg8[%mul3A_2, %dma_start3A_11] : memref<20480x32xf32, #tpu.memory_space<vmem_shared>> -> memref<1280x32xf32, #tpu.memory_space<vmem_shared>>
      tpu.enqueue_dma source(%dma_start3A_12 : memref<1280x32xf32, #tpu.memory_space<vmem_shared>>) target(%dma_start3A_10 : memref<1280x32xf32, #tpu.memory_space<hbm>>) target_semaphore(%run_scoped3A : memref<!tpu.dma_semaphore, #tpu.memory_space<semaphore_mem>>)
      %dma_wait3A = arith.constant 0 : i32
      %dma_wait3A_13 = tpu.memref_slice %arg5[%arg0, %mul3A_2, %dma_wait3A] : memref<2x20480x128xf32, #tpu.memory_space<hbm>> -> memref<1x1280x32xf32, #tpu.memory_space<hbm>>
      %dma_wait3A_14 = tpu.memref_squeeze %dma_wait3A_13 : memref<1x1280x32xf32, #tpu.memory_space<hbm>> -> memref<1280x32xf32, #tpu.memory_space<hbm>>
      %dma_wait3A_15 = arith.constant 0 : i32
      %dma_wait3A_16 = tpu.memref_slice %arg8[%mul3A_2, %dma_wait3A_15] : memref<20480x32xf32, #tpu.memory_space<vmem_shared>> -> memref<1280x32xf32, #tpu.memory_space<vmem_shared>>
      tpu.wait_dma2 semaphore(%run_scoped3A : memref<!tpu.dma_semaphore, #tpu.memory_space<semaphore_mem>>) src(%dma_wait3A_16 : memref<1280x32xf32, #tpu.memory_space<vmem_shared>>) dst(%dma_wait3A_14 : memref<1280x32xf32, #tpu.memory_space<hbm>>)
      tpu.yield
    }) : () -> ()
    return
  }
}

#map = affine_map<(d0, d1) -> (0, 0)>
#map1 = affine_map<(d0, d1) -> (0, 0, 0)>
module attributes {stable_mosaic.version = 14 : i64} {
  func.func @_sc_scatter(%arg0: i32, %arg1: i32, %arg2: memref<153600x128xf32, #tpu.memory_space<hbm>>, %arg3: memref<32x60x80xi32, #tpu.memory_space<hbm>>, %arg4: memref<2x20480x128xf32, #tpu.memory_space<hbm>>, %arg5: memref<2x20480x128xf32, #tpu.memory_space<hbm>>, %arg6: memref<60x80xi32, #tpu.memory_space<vmem>>, %arg7: memref<5x80x32xf32, #tpu.memory_space<vmem>>, %arg8: memref<20480x32xf32, #tpu.memory_space<vmem_shared>>, %arg9: memref<!tpu.dma_semaphore, #tpu.memory_space<semaphore_mem>>) attributes {dimension_semantics = [#tpu.dimension_semantics<core_parallel>, #tpu.dimension_semantics<subcore_parallel>], iteration_bounds = array<i64: 2, 16>, scalar_prefetch = 0 : i64, scratch_operands = 4 : i64, tpu.core_type = #tpu.core_type<sc_vector_subcore>, window_params = [{transform_indices = #map}, {transform_indices = #map1}, {transform_indices = #map1}, {transform_indices = #map1}]} {
    %mul3A = arith.constant 2 : i32
    %mul3A_0 = arith.muli %arg1, %mul3A : i32
    %add3A = arith.addi %mul3A_0, %arg0 : i32
    %mul3A_1 = arith.constant 1280 : i32
    %mul3A_2 = arith.muli %arg1, %mul3A_1 : i32
    "tpu.region"() ({
      %run_scoped3A = tpu.sem_alloc : memref<!tpu.dma_semaphore, #tpu.memory_space<semaphore_mem>>
      %dma_start3A = arith.constant 0 : i32
      %dma_start3A_9 = tpu.memref_slice %arg8[%mul3A_2, %dma_start3A] : memref<20480x32xf32, #tpu.memory_space<vmem_shared>> -> memref<1280x32xf32, #tpu.memory_space<vmem_shared>>
      %dma_start3A_10 = arith.constant 0 : i32
      %dma_start3A_11 = tpu.memref_slice %arg4[%arg0, %mul3A_2, %dma_start3A_10] : memref<2x20480x128xf32, #tpu.memory_space<hbm>> -> memref<1x1280x32xf32, #tpu.memory_space<hbm>>
      %dma_start3A_12 = tpu.memref_squeeze %dma_start3A_11 : memref<1x1280x32xf32, #tpu.memory_space<hbm>> -> memref<1280x32xf32, #tpu.memory_space<hbm>>
      tpu.enqueue_dma source(%dma_start3A_12 : memref<1280x32xf32, #tpu.memory_space<hbm>>) target(%dma_start3A_9 : memref<1280x32xf32, #tpu.memory_space<vmem_shared>>) target_semaphore(%run_scoped3A : memref<!tpu.dma_semaphore, #tpu.memory_space<semaphore_mem>>)
      %dma_wait3A = arith.constant 0 : i32
      %dma_wait3A_13 = tpu.memref_slice %arg8[%mul3A_2, %dma_wait3A] : memref<20480x32xf32, #tpu.memory_space<vmem_shared>> -> memref<1280x32xf32, #tpu.memory_space<vmem_shared>>
      %dma_wait3A_14 = arith.constant 0 : i32
      %dma_wait3A_15 = tpu.memref_slice %arg4[%arg0, %mul3A_2, %dma_wait3A_14] : memref<2x20480x128xf32, #tpu.memory_space<hbm>> -> memref<1x1280x32xf32, #tpu.memory_space<hbm>>
      %dma_wait3A_16 = tpu.memref_squeeze %dma_wait3A_15 : memref<1x1280x32xf32, #tpu.memory_space<hbm>> -> memref<1280x32xf32, #tpu.memory_space<hbm>>
      tpu.wait_dma2 semaphore(%run_scoped3A : memref<!tpu.dma_semaphore, #tpu.memory_space<semaphore_mem>>) src(%dma_wait3A_16 : memref<1280x32xf32, #tpu.memory_space<hbm>>) dst(%dma_wait3A_13 : memref<1280x32xf32, #tpu.memory_space<vmem_shared>>)
      tpu.yield
    }) : () -> ()
    "tpu.region"() ({
      %run_scoped3A = tpu.sem_alloc : memref<!tpu.dma_semaphore, #tpu.memory_space<semaphore_mem>>
      %dma_start3A = arith.constant 0 : i32
      %dma_start3A_9 = arith.constant 0 : i32
      %dma_start3A_10 = tpu.memref_slice %arg3[%add3A, %dma_start3A, %dma_start3A_9] : memref<32x60x80xi32, #tpu.memory_space<hbm>> -> memref<1x60x80xi32, #tpu.memory_space<hbm>>
      %dma_start3A_11 = tpu.memref_squeeze %dma_start3A_10 : memref<1x60x80xi32, #tpu.memory_space<hbm>> -> memref<60x80xi32, #tpu.memory_space<hbm>>
      %dma_start3A_12 = arith.constant 0 : i32
      %dma_start3A_13 = arith.constant 0 : i32
      %dma_start3A_14 = tpu.memref_slice %arg3[%add3A, %dma_start3A_12, %dma_start3A_13] : memref<32x60x80xi32, #tpu.memory_space<hbm>> -> memref<1x60x80xi32, #tpu.memory_space<hbm>>
      %dma_start3A_15 = tpu.memref_squeeze %dma_start3A_14 : memref<1x60x80xi32, #tpu.memory_space<hbm>> -> memref<60x80xi32, #tpu.memory_space<hbm>>
      tpu.enqueue_dma source(%dma_start3A_15 : memref<60x80xi32, #tpu.memory_space<hbm>>) target(%arg6 : memref<60x80xi32, #tpu.memory_space<vmem>>) target_semaphore(%run_scoped3A : memref<!tpu.dma_semaphore, #tpu.memory_space<semaphore_mem>>)
      %dma_wait3A = arith.constant 0 : i32
      %dma_wait3A_16 = arith.constant 0 : i32
      %dma_wait3A_17 = tpu.memref_slice %arg3[%add3A, %dma_wait3A, %dma_wait3A_16] : memref<32x60x80xi32, #tpu.memory_space<hbm>> -> memref<1x60x80xi32, #tpu.memory_space<hbm>>
      %dma_wait3A_18 = tpu.memref_squeeze %dma_wait3A_17 : memref<1x60x80xi32, #tpu.memory_space<hbm>> -> memref<60x80xi32, #tpu.memory_space<hbm>>
      %dma_wait3A_19 = arith.constant 0 : i32
      %dma_wait3A_20 = arith.constant 0 : i32
      %dma_wait3A_21 = tpu.memref_slice %arg3[%add3A, %dma_wait3A_19, %dma_wait3A_20] : memref<32x60x80xi32, #tpu.memory_space<hbm>> -> memref<1x60x80xi32, #tpu.memory_space<hbm>>
      %dma_wait3A_22 = tpu.memref_squeeze %dma_wait3A_21 : memref<1x60x80xi32, #tpu.memory_space<hbm>> -> memref<60x80xi32, #tpu.memory_space<hbm>>
      tpu.wait_dma2 semaphore(%run_scoped3A : memref<!tpu.dma_semaphore, #tpu.memory_space<semaphore_mem>>) src(%dma_wait3A_22 : memref<60x80xi32, #tpu.memory_space<hbm>>) dst(%arg6 : memref<60x80xi32, #tpu.memory_space<vmem>>)
      tpu.yield
    }) : () -> ()
    %barrier3A = arith.constant 0 : index
    tpu.barrier barrier_id(%barrier3A)
    %scan3A = arith.constant 0 : i32
    %scan3A_3 = arith.constant 0 : i32
    %scan3A_4 = arith.constant 12 : i32
    %scan3A_5 = arith.addi %scan3A_3, %scan3A_4 : i32
    %scan3A_6 = arith.constant 1 : i32
    scf.for %scan3A_9 = %scan3A_3 to %scan3A_5 step %scan3A_6  : i32 {
      %mul3A_10 = arith.constant 5 : i32
      %mul3A_11 = arith.muli %scan3A_9, %mul3A_10 : i32
      %mul3A_12 = arith.constant 4800 : i32
      %mul3A_13 = arith.muli %add3A, %mul3A_12 : i32
      %add3A_14 = arith.constant 0 : i32
      %add3A_15 = arith.addi %mul3A_11, %add3A_14 : i32
      %mul3A_16 = arith.constant 80 : i32
      %mul3A_17 = arith.muli %add3A_15, %mul3A_16 : i32
      %add3A_18 = arith.addi %mul3A_13, %mul3A_17 : i32
      %dma_start3A = arith.constant 0 : i32
      %dma_start3A_19 = arith.constant 0 : i32
      %dma_start3A_20 = arith.constant 0 : i32
      %dma_start3A_21 = tpu.memref_slice %arg7[%dma_start3A, %dma_start3A_19, %dma_start3A_20] : memref<5x80x32xf32, #tpu.memory_space<vmem>> -> memref<1x80x32xf32, #tpu.memory_space<vmem>>
      %dma_start3A_22 = tpu.memref_squeeze %dma_start3A_21 : memref<1x80x32xf32, #tpu.memory_space<vmem>> -> memref<80x32xf32, #tpu.memory_space<vmem>>
      %dma_start3A_23 = arith.constant 0 : i32
      %dma_start3A_24 = tpu.memref_slice %arg2[%add3A_18, %dma_start3A_23] : memref<153600x128xf32, #tpu.memory_space<hbm>> -> memref<80x32xf32, #tpu.memory_space<hbm>>
      %dma_start3A_25 = arith.constant 0 : i32
      %dma_start3A_26 = arith.constant 0 : i32
      %dma_start3A_27 = tpu.memref_slice %arg7[%dma_start3A, %dma_start3A_25, %dma_start3A_26] : memref<5x80x32xf32, #tpu.memory_space<vmem>> -> memref<1x80x32xf32, #tpu.memory_space<vmem>>
      %dma_start3A_28 = tpu.memref_squeeze %dma_start3A_27 : memref<1x80x32xf32, #tpu.memory_space<vmem>> -> memref<80x32xf32, #tpu.memory_space<vmem>>
      %dma_start3A_29 = arith.constant 0 : i32
      %dma_start3A_30 = tpu.memref_slice %arg2[%add3A_18, %dma_start3A_29] : memref<153600x128xf32, #tpu.memory_space<hbm>> -> memref<80x32xf32, #tpu.memory_space<hbm>>
      tpu.enqueue_dma source(%dma_start3A_30 : memref<80x32xf32, #tpu.memory_space<hbm>>) target(%dma_start3A_28 : memref<80x32xf32, #tpu.memory_space<vmem>>) target_semaphore(%arg9 : memref<!tpu.dma_semaphore, #tpu.memory_space<semaphore_mem>>)
      %mul3A_31 = arith.constant 4800 : i32
      %mul3A_32 = arith.muli %add3A, %mul3A_31 : i32
      %add3A_33 = arith.constant 1 : i32
      %add3A_34 = arith.addi %mul3A_11, %add3A_33 : i32
      %mul3A_35 = arith.constant 80 : i32
      %mul3A_36 = arith.muli %add3A_34, %mul3A_35 : i32
      %add3A_37 = arith.addi %mul3A_32, %mul3A_36 : i32
      %dma_start3A_38 = arith.constant 1 : i32
      %dma_start3A_39 = arith.constant 0 : i32
      %dma_start3A_40 = arith.constant 0 : i32
      %dma_start3A_41 = tpu.memref_slice %arg7[%dma_start3A_38, %dma_start3A_39, %dma_start3A_40] : memref<5x80x32xf32, #tpu.memory_space<vmem>> -> memref<1x80x32xf32, #tpu.memory_space<vmem>>
      %dma_start3A_42 = tpu.memref_squeeze %dma_start3A_41 : memref<1x80x32xf32, #tpu.memory_space<vmem>> -> memref<80x32xf32, #tpu.memory_space<vmem>>
      %dma_start3A_43 = arith.constant 0 : i32
      %dma_start3A_44 = tpu.memref_slice %arg2[%add3A_37, %dma_start3A_43] : memref<153600x128xf32, #tpu.memory_space<hbm>> -> memref<80x32xf32, #tpu.memory_space<hbm>>
      %dma_start3A_45 = arith.constant 0 : i32
      %dma_start3A_46 = arith.constant 0 : i32
      %dma_start3A_47 = tpu.memref_slice %arg7[%dma_start3A_38, %dma_start3A_45, %dma_start3A_46] : memref<5x80x32xf32, #tpu.memory_space<vmem>> -> memref<1x80x32xf32, #tpu.memory_space<vmem>>
      %dma_start3A_48 = tpu.memref_squeeze %dma_start3A_47 : memref<1x80x32xf32, #tpu.memory_space<vmem>> -> memref<80x32xf32, #tpu.memory_space<vmem>>
      %dma_start3A_49 = arith.constant 0 : i32
      %dma_start3A_50 = tpu.memref_slice %arg2[%add3A_37, %dma_start3A_49] : memref<153600x128xf32, #tpu.memory_space<hbm>> -> memref<80x32xf32, #tpu.memory_space<hbm>>
      tpu.enqueue_dma source(%dma_start3A_50 : memref<80x32xf32, #tpu.memory_space<hbm>>) target(%dma_start3A_48 : memref<80x32xf32, #tpu.memory_space<vmem>>) target_semaphore(%arg9 : memref<!tpu.dma_semaphore, #tpu.memory_space<semaphore_mem>>)
      %mul3A_51 = arith.constant 4800 : i32
      %mul3A_52 = arith.muli %add3A, %mul3A_51 : i32
      %add3A_53 = arith.constant 2 : i32
      %add3A_54 = arith.addi %mul3A_11, %add3A_53 : i32
      %mul3A_55 = arith.constant 80 : i32
      %mul3A_56 = arith.muli %add3A_54, %mul3A_55 : i32
      %add3A_57 = arith.addi %mul3A_52, %mul3A_56 : i32
      %dma_start3A_58 = arith.constant 2 : i32
      %dma_start3A_59 = arith.constant 0 : i32
      %dma_start3A_60 = arith.constant 0 : i32
      %dma_start3A_61 = tpu.memref_slice %arg7[%dma_start3A_58, %dma_start3A_59, %dma_start3A_60] : memref<5x80x32xf32, #tpu.memory_space<vmem>> -> memref<1x80x32xf32, #tpu.memory_space<vmem>>
      %dma_start3A_62 = tpu.memref_squeeze %dma_start3A_61 : memref<1x80x32xf32, #tpu.memory_space<vmem>> -> memref<80x32xf32, #tpu.memory_space<vmem>>
      %dma_start3A_63 = arith.constant 0 : i32
      %dma_start3A_64 = tpu.memref_slice %arg2[%add3A_57, %dma_start3A_63] : memref<153600x128xf32, #tpu.memory_space<hbm>> -> memref<80x32xf32, #tpu.memory_space<hbm>>
      %dma_start3A_65 = arith.constant 0 : i32
      %dma_start3A_66 = arith.constant 0 : i32
      %dma_start3A_67 = tpu.memref_slice %arg7[%dma_start3A_58, %dma_start3A_65, %dma_start3A_66] : memref<5x80x32xf32, #tpu.memory_space<vmem>> -> memref<1x80x32xf32, #tpu.memory_space<vmem>>
      %dma_start3A_68 = tpu.memref_squeeze %dma_start3A_67 : memref<1x80x32xf32, #tpu.memory_space<vmem>> -> memref<80x32xf32, #tpu.memory_space<vmem>>
      %dma_start3A_69 = arith.constant 0 : i32
      %dma_start3A_70 = tpu.memref_slice %arg2[%add3A_57, %dma_start3A_69] : memref<153600x128xf32, #tpu.memory_space<hbm>> -> memref<80x32xf32, #tpu.memory_space<hbm>>
      tpu.enqueue_dma source(%dma_start3A_70 : memref<80x32xf32, #tpu.memory_space<hbm>>) target(%dma_start3A_68 : memref<80x32xf32, #tpu.memory_space<vmem>>) target_semaphore(%arg9 : memref<!tpu.dma_semaphore, #tpu.memory_space<semaphore_mem>>)
      %mul3A_71 = arith.constant 4800 : i32
      %mul3A_72 = arith.muli %add3A, %mul3A_71 : i32
      %add3A_73 = arith.constant 3 : i32
      %add3A_74 = arith.addi %mul3A_11, %add3A_73 : i32
      %mul3A_75 = arith.constant 80 : i32
      %mul3A_76 = arith.muli %add3A_74, %mul3A_75 : i32
      %add3A_77 = arith.addi %mul3A_72, %mul3A_76 : i32
      %dma_start3A_78 = arith.constant 3 : i32
      %dma_start3A_79 = arith.constant 0 : i32
      %dma_start3A_80 = arith.constant 0 : i32
      %dma_start3A_81 = tpu.memref_slice %arg7[%dma_start3A_78, %dma_start3A_79, %dma_start3A_80] : memref<5x80x32xf32, #tpu.memory_space<vmem>> -> memref<1x80x32xf32, #tpu.memory_space<vmem>>
      %dma_start3A_82 = tpu.memref_squeeze %dma_start3A_81 : memref<1x80x32xf32, #tpu.memory_space<vmem>> -> memref<80x32xf32, #tpu.memory_space<vmem>>
      %dma_start3A_83 = arith.constant 0 : i32
      %dma_start3A_84 = tpu.memref_slice %arg2[%add3A_77, %dma_start3A_83] : memref<153600x128xf32, #tpu.memory_space<hbm>> -> memref<80x32xf32, #tpu.memory_space<hbm>>
      %dma_start3A_85 = arith.constant 0 : i32
      %dma_start3A_86 = arith.constant 0 : i32
      %dma_start3A_87 = tpu.memref_slice %arg7[%dma_start3A_78, %dma_start3A_85, %dma_start3A_86] : memref<5x80x32xf32, #tpu.memory_space<vmem>> -> memref<1x80x32xf32, #tpu.memory_space<vmem>>
      %dma_start3A_88 = tpu.memref_squeeze %dma_start3A_87 : memref<1x80x32xf32, #tpu.memory_space<vmem>> -> memref<80x32xf32, #tpu.memory_space<vmem>>
      %dma_start3A_89 = arith.constant 0 : i32
      %dma_start3A_90 = tpu.memref_slice %arg2[%add3A_77, %dma_start3A_89] : memref<153600x128xf32, #tpu.memory_space<hbm>> -> memref<80x32xf32, #tpu.memory_space<hbm>>
      tpu.enqueue_dma source(%dma_start3A_90 : memref<80x32xf32, #tpu.memory_space<hbm>>) target(%dma_start3A_88 : memref<80x32xf32, #tpu.memory_space<vmem>>) target_semaphore(%arg9 : memref<!tpu.dma_semaphore, #tpu.memory_space<semaphore_mem>>)
      %mul3A_91 = arith.constant 4800 : i32
      %mul3A_92 = arith.muli %add3A, %mul3A_91 : i32
      %add3A_93 = arith.constant 4 : i32
      %add3A_94 = arith.addi %mul3A_11, %add3A_93 : i32
      %mul3A_95 = arith.constant 80 : i32
      %mul3A_96 = arith.muli %add3A_94, %mul3A_95 : i32
      %add3A_97 = arith.addi %mul3A_92, %mul3A_96 : i32
      %dma_start3A_98 = arith.constant 4 : i32
      %dma_start3A_99 = arith.constant 0 : i32
      %dma_start3A_100 = arith.constant 0 : i32
      %dma_start3A_101 = tpu.memref_slice %arg7[%dma_start3A_98, %dma_start3A_99, %dma_start3A_100] : memref<5x80x32xf32, #tpu.memory_space<vmem>> -> memref<1x80x32xf32, #tpu.memory_space<vmem>>
      %dma_start3A_102 = tpu.memref_squeeze %dma_start3A_101 : memref<1x80x32xf32, #tpu.memory_space<vmem>> -> memref<80x32xf32, #tpu.memory_space<vmem>>
      %dma_start3A_103 = arith.constant 0 : i32
      %dma_start3A_104 = tpu.memref_slice %arg2[%add3A_97, %dma_start3A_103] : memref<153600x128xf32, #tpu.memory_space<hbm>> -> memref<80x32xf32, #tpu.memory_space<hbm>>
      %dma_start3A_105 = arith.constant 0 : i32
      %dma_start3A_106 = arith.constant 0 : i32
      %dma_start3A_107 = tpu.memref_slice %arg7[%dma_start3A_98, %dma_start3A_105, %dma_start3A_106] : memref<5x80x32xf32, #tpu.memory_space<vmem>> -> memref<1x80x32xf32, #tpu.memory_space<vmem>>
      %dma_start3A_108 = tpu.memref_squeeze %dma_start3A_107 : memref<1x80x32xf32, #tpu.memory_space<vmem>> -> memref<80x32xf32, #tpu.memory_space<vmem>>
      %dma_start3A_109 = arith.constant 0 : i32
      %dma_start3A_110 = tpu.memref_slice %arg2[%add3A_97, %dma_start3A_109] : memref<153600x128xf32, #tpu.memory_space<hbm>> -> memref<80x32xf32, #tpu.memory_space<hbm>>
      tpu.enqueue_dma source(%dma_start3A_110 : memref<80x32xf32, #tpu.memory_space<hbm>>) target(%dma_start3A_108 : memref<80x32xf32, #tpu.memory_space<vmem>>) target_semaphore(%arg9 : memref<!tpu.dma_semaphore, #tpu.memory_space<semaphore_mem>>)
      %mul3A_111 = arith.constant 4800 : i32
      %mul3A_112 = arith.muli %add3A, %mul3A_111 : i32
      %add3A_113 = arith.constant 0 : i32
      %add3A_114 = arith.addi %mul3A_11, %add3A_113 : i32
      %mul3A_115 = arith.constant 80 : i32
      %mul3A_116 = arith.muli %add3A_114, %mul3A_115 : i32
      %add3A_117 = arith.addi %mul3A_112, %mul3A_116 : i32
      %dma_wait3A = arith.constant 0 : i32
      %dma_wait3A_118 = arith.constant 0 : i32
      %dma_wait3A_119 = arith.constant 0 : i32
      %dma_wait3A_120 = tpu.memref_slice %arg7[%dma_wait3A, %dma_wait3A_118, %dma_wait3A_119] : memref<5x80x32xf32, #tpu.memory_space<vmem>> -> memref<1x80x32xf32, #tpu.memory_space<vmem>>
      %dma_wait3A_121 = tpu.memref_squeeze %dma_wait3A_120 : memref<1x80x32xf32, #tpu.memory_space<vmem>> -> memref<80x32xf32, #tpu.memory_space<vmem>>
      %dma_wait3A_122 = arith.constant 0 : i32
      %dma_wait3A_123 = tpu.memref_slice %arg2[%add3A_117, %dma_wait3A_122] : memref<153600x128xf32, #tpu.memory_space<hbm>> -> memref<80x32xf32, #tpu.memory_space<hbm>>
      %dma_wait3A_124 = arith.constant 0 : i32
      %dma_wait3A_125 = arith.constant 0 : i32
      %dma_wait3A_126 = tpu.memref_slice %arg7[%dma_wait3A, %dma_wait3A_124, %dma_wait3A_125] : memref<5x80x32xf32, #tpu.memory_space<vmem>> -> memref<1x80x32xf32, #tpu.memory_space<vmem>>
      %dma_wait3A_127 = tpu.memref_squeeze %dma_wait3A_126 : memref<1x80x32xf32, #tpu.memory_space<vmem>> -> memref<80x32xf32, #tpu.memory_space<vmem>>
      %dma_wait3A_128 = arith.constant 0 : i32
      %dma_wait3A_129 = tpu.memref_slice %arg2[%add3A_117, %dma_wait3A_128] : memref<153600x128xf32, #tpu.memory_space<hbm>> -> memref<80x32xf32, #tpu.memory_space<hbm>>
      tpu.wait_dma2 semaphore(%arg9 : memref<!tpu.dma_semaphore, #tpu.memory_space<semaphore_mem>>) src(%dma_wait3A_129 : memref<80x32xf32, #tpu.memory_space<hbm>>) dst(%dma_wait3A_127 : memref<80x32xf32, #tpu.memory_space<vmem>>)
      %add3A_130 = arith.constant 0 : i32
      %add3A_131 = arith.addi %mul3A_11, %add3A_130 : i32
      %run_scoped3A = arith.constant 0 : i32
      "tpu.region"() ({
        %run_scoped3A_224 = tpu.sem_alloc : memref<!tpu.dma_semaphore, #tpu.memory_space<semaphore_mem>>
        %dma_start3A_225 = arith.constant 0 : i32
        %dma_start3A_226 = arith.constant 0 : i32
        %dma_start3A_227 = tpu.memref_slice %arg7[%run_scoped3A, %dma_start3A_225, %dma_start3A_226] : memref<5x80x32xf32, #tpu.memory_space<vmem>> -> memref<1x80x32xf32, #tpu.memory_space<vmem>>
        %dma_start3A_228 = tpu.memref_squeeze %dma_start3A_227 : memref<1x80x32xf32, #tpu.memory_space<vmem>> -> memref<80x32xf32, #tpu.memory_space<vmem>>
        %dma_start3A_229 = arith.constant 0 : i32
        %dma_start3A_230 = tpu.memref_slice %arg6[%add3A_131, %dma_start3A_229] : memref<60x80xi32, #tpu.memory_space<vmem>> -> memref<1x80xi32, #tpu.memory_space<vmem>>
        %dma_start3A_231 = tpu.memref_squeeze %dma_start3A_230 : memref<1x80xi32, #tpu.memory_space<vmem>> -> memref<80xi32, #tpu.memory_space<vmem>>
        %dma_start3A_232 = arith.constant 0 : i32
        %dma_start3A_233 = arith.constant 0 : i32
        %dma_start3A_234 = tpu.memref_slice %arg8[%dma_start3A_232, %dma_start3A_233] : memref<20480x32xf32, #tpu.memory_space<vmem_shared>> -> memref<20480x32xf32, #tpu.memory_space<vmem_shared>>
        tpu.enqueue_indirect_dma source(%dma_start3A_228 : memref<80x32xf32, #tpu.memory_space<vmem>>) target(%dma_start3A_234 : memref<20480x32xf32, #tpu.memory_space<vmem_shared>>) offsets(%dma_start3A_231 : memref<80xi32, #tpu.memory_space<vmem>>) semaphore(%run_scoped3A_224 : memref<!tpu.dma_semaphore, #tpu.memory_space<semaphore_mem>>) {add = true}
        %dma_wait3A_235 = arith.constant 0 : i32
        %dma_wait3A_236 = arith.constant 0 : i32
        %dma_wait3A_237 = tpu.memref_slice %arg7[%run_scoped3A, %dma_wait3A_235, %dma_wait3A_236] : memref<5x80x32xf32, #tpu.memory_space<vmem>> -> memref<1x80x32xf32, #tpu.memory_space<vmem>>
        %dma_wait3A_238 = tpu.memref_squeeze %dma_wait3A_237 : memref<1x80x32xf32, #tpu.memory_space<vmem>> -> memref<80x32xf32, #tpu.memory_space<vmem>>
        %dma_wait3A_239 = arith.constant 0 : i32
        %dma_wait3A_240 = tpu.memref_slice %arg6[%add3A_131, %dma_wait3A_239] : memref<60x80xi32, #tpu.memory_space<vmem>> -> memref<1x80xi32, #tpu.memory_space<vmem>>
        %dma_wait3A_241 = tpu.memref_squeeze %dma_wait3A_240 : memref<1x80xi32, #tpu.memory_space<vmem>> -> memref<80xi32, #tpu.memory_space<vmem>>
        %dma_wait3A_242 = arith.constant 0 : i32
        %dma_wait3A_243 = arith.constant 0 : i32
        %dma_wait3A_244 = tpu.memref_slice %arg8[%dma_wait3A_242, %dma_wait3A_243] : memref<20480x32xf32, #tpu.memory_space<vmem_shared>> -> memref<20480x32xf32, #tpu.memory_space<vmem_shared>>
        tpu.wait_indirect_dma semaphore(%run_scoped3A_224 : memref<!tpu.dma_semaphore, #tpu.memory_space<semaphore_mem>>) src(%dma_wait3A_238 : memref<80x32xf32, #tpu.memory_space<vmem>>) dst(%dma_wait3A_244 : memref<20480x32xf32, #tpu.memory_space<vmem_shared>>)
        tpu.yield
      }) : () -> ()
      %mul3A_132 = arith.constant 4800 : i32
      %mul3A_133 = arith.muli %add3A, %mul3A_132 : i32
      %add3A_134 = arith.constant 1 : i32
      %add3A_135 = arith.addi %mul3A_11, %add3A_134 : i32
      %mul3A_136 = arith.constant 80 : i32
      %mul3A_137 = arith.muli %add3A_135, %mul3A_136 : i32
      %add3A_138 = arith.addi %mul3A_133, %mul3A_137 : i32
      %dma_wait3A_139 = arith.constant 1 : i32
      %dma_wait3A_140 = arith.constant 0 : i32
      %dma_wait3A_141 = arith.constant 0 : i32
      %dma_wait3A_142 = tpu.memref_slice %arg7[%dma_wait3A_139, %dma_wait3A_140, %dma_wait3A_141] : memref<5x80x32xf32, #tpu.memory_space<vmem>> -> memref<1x80x32xf32, #tpu.memory_space<vmem>>
      %dma_wait3A_143 = tpu.memref_squeeze %dma_wait3A_142 : memref<1x80x32xf32, #tpu.memory_space<vmem>> -> memref<80x32xf32, #tpu.memory_space<vmem>>
      %dma_wait3A_144 = arith.constant 0 : i32
      %dma_wait3A_145 = tpu.memref_slice %arg2[%add3A_138, %dma_wait3A_144] : memref<153600x128xf32, #tpu.memory_space<hbm>> -> memref<80x32xf32, #tpu.memory_space<hbm>>
      %dma_wait3A_146 = arith.constant 0 : i32
      %dma_wait3A_147 = arith.constant 0 : i32
      %dma_wait3A_148 = tpu.memref_slice %arg7[%dma_wait3A_139, %dma_wait3A_146, %dma_wait3A_147] : memref<5x80x32xf32, #tpu.memory_space<vmem>> -> memref<1x80x32xf32, #tpu.memory_space<vmem>>
      %dma_wait3A_149 = tpu.memref_squeeze %dma_wait3A_148 : memref<1x80x32xf32, #tpu.memory_space<vmem>> -> memref<80x32xf32, #tpu.memory_space<vmem>>
      %dma_wait3A_150 = arith.constant 0 : i32
      %dma_wait3A_151 = tpu.memref_slice %arg2[%add3A_138, %dma_wait3A_150] : memref<153600x128xf32, #tpu.memory_space<hbm>> -> memref<80x32xf32, #tpu.memory_space<hbm>>
      tpu.wait_dma2 semaphore(%arg9 : memref<!tpu.dma_semaphore, #tpu.memory_space<semaphore_mem>>) src(%dma_wait3A_151 : memref<80x32xf32, #tpu.memory_space<hbm>>) dst(%dma_wait3A_149 : memref<80x32xf32, #tpu.memory_space<vmem>>)
      %add3A_152 = arith.constant 1 : i32
      %add3A_153 = arith.addi %mul3A_11, %add3A_152 : i32
      %run_scoped3A_154 = arith.constant 1 : i32
      "tpu.region"() ({
        %run_scoped3A_224 = tpu.sem_alloc : memref<!tpu.dma_semaphore, #tpu.memory_space<semaphore_mem>>
        %dma_start3A_225 = arith.constant 0 : i32
        %dma_start3A_226 = arith.constant 0 : i32
        %dma_start3A_227 = tpu.memref_slice %arg7[%run_scoped3A_154, %dma_start3A_225, %dma_start3A_226] : memref<5x80x32xf32, #tpu.memory_space<vmem>> -> memref<1x80x32xf32, #tpu.memory_space<vmem>>
        %dma_start3A_228 = tpu.memref_squeeze %dma_start3A_227 : memref<1x80x32xf32, #tpu.memory_space<vmem>> -> memref<80x32xf32, #tpu.memory_space<vmem>>
        %dma_start3A_229 = arith.constant 0 : i32
        %dma_start3A_230 = tpu.memref_slice %arg6[%add3A_153, %dma_start3A_229] : memref<60x80xi32, #tpu.memory_space<vmem>> -> memref<1x80xi32, #tpu.memory_space<vmem>>
        %dma_start3A_231 = tpu.memref_squeeze %dma_start3A_230 : memref<1x80xi32, #tpu.memory_space<vmem>> -> memref<80xi32, #tpu.memory_space<vmem>>
        %dma_start3A_232 = arith.constant 0 : i32
        %dma_start3A_233 = arith.constant 0 : i32
        %dma_start3A_234 = tpu.memref_slice %arg8[%dma_start3A_232, %dma_start3A_233] : memref<20480x32xf32, #tpu.memory_space<vmem_shared>> -> memref<20480x32xf32, #tpu.memory_space<vmem_shared>>
        tpu.enqueue_indirect_dma source(%dma_start3A_228 : memref<80x32xf32, #tpu.memory_space<vmem>>) target(%dma_start3A_234 : memref<20480x32xf32, #tpu.memory_space<vmem_shared>>) offsets(%dma_start3A_231 : memref<80xi32, #tpu.memory_space<vmem>>) semaphore(%run_scoped3A_224 : memref<!tpu.dma_semaphore, #tpu.memory_space<semaphore_mem>>) {add = true}
        %dma_wait3A_235 = arith.constant 0 : i32
        %dma_wait3A_236 = arith.constant 0 : i32
        %dma_wait3A_237 = tpu.memref_slice %arg7[%run_scoped3A_154, %dma_wait3A_235, %dma_wait3A_236] : memref<5x80x32xf32, #tpu.memory_space<vmem>> -> memref<1x80x32xf32, #tpu.memory_space<vmem>>
        %dma_wait3A_238 = tpu.memref_squeeze %dma_wait3A_237 : memref<1x80x32xf32, #tpu.memory_space<vmem>> -> memref<80x32xf32, #tpu.memory_space<vmem>>
        %dma_wait3A_239 = arith.constant 0 : i32
        %dma_wait3A_240 = tpu.memref_slice %arg6[%add3A_153, %dma_wait3A_239] : memref<60x80xi32, #tpu.memory_space<vmem>> -> memref<1x80xi32, #tpu.memory_space<vmem>>
        %dma_wait3A_241 = tpu.memref_squeeze %dma_wait3A_240 : memref<1x80xi32, #tpu.memory_space<vmem>> -> memref<80xi32, #tpu.memory_space<vmem>>
        %dma_wait3A_242 = arith.constant 0 : i32
        %dma_wait3A_243 = arith.constant 0 : i32
        %dma_wait3A_244 = tpu.memref_slice %arg8[%dma_wait3A_242, %dma_wait3A_243] : memref<20480x32xf32, #tpu.memory_space<vmem_shared>> -> memref<20480x32xf32, #tpu.memory_space<vmem_shared>>
        tpu.wait_indirect_dma semaphore(%run_scoped3A_224 : memref<!tpu.dma_semaphore, #tpu.memory_space<semaphore_mem>>) src(%dma_wait3A_238 : memref<80x32xf32, #tpu.memory_space<vmem>>) dst(%dma_wait3A_244 : memref<20480x32xf32, #tpu.memory_space<vmem_shared>>)
        tpu.yield
      }) : () -> ()
      %mul3A_155 = arith.constant 4800 : i32
      %mul3A_156 = arith.muli %add3A, %mul3A_155 : i32
      %add3A_157 = arith.constant 2 : i32
      %add3A_158 = arith.addi %mul3A_11, %add3A_157 : i32
      %mul3A_159 = arith.constant 80 : i32
      %mul3A_160 = arith.muli %add3A_158, %mul3A_159 : i32
      %add3A_161 = arith.addi %mul3A_156, %mul3A_160 : i32
      %dma_wait3A_162 = arith.constant 2 : i32
      %dma_wait3A_163 = arith.constant 0 : i32
      %dma_wait3A_164 = arith.constant 0 : i32
      %dma_wait3A_165 = tpu.memref_slice %arg7[%dma_wait3A_162, %dma_wait3A_163, %dma_wait3A_164] : memref<5x80x32xf32, #tpu.memory_space<vmem>> -> memref<1x80x32xf32, #tpu.memory_space<vmem>>
      %dma_wait3A_166 = tpu.memref_squeeze %dma_wait3A_165 : memref<1x80x32xf32, #tpu.memory_space<vmem>> -> memref<80x32xf32, #tpu.memory_space<vmem>>
      %dma_wait3A_167 = arith.constant 0 : i32
      %dma_wait3A_168 = tpu.memref_slice %arg2[%add3A_161, %dma_wait3A_167] : memref<153600x128xf32, #tpu.memory_space<hbm>> -> memref<80x32xf32, #tpu.memory_space<hbm>>
      %dma_wait3A_169 = arith.constant 0 : i32
      %dma_wait3A_170 = arith.constant 0 : i32
      %dma_wait3A_171 = tpu.memref_slice %arg7[%dma_wait3A_162, %dma_wait3A_169, %dma_wait3A_170] : memref<5x80x32xf32, #tpu.memory_space<vmem>> -> memref<1x80x32xf32, #tpu.memory_space<vmem>>
      %dma_wait3A_172 = tpu.memref_squeeze %dma_wait3A_171 : memref<1x80x32xf32, #tpu.memory_space<vmem>> -> memref<80x32xf32, #tpu.memory_space<vmem>>
      %dma_wait3A_173 = arith.constant 0 : i32
      %dma_wait3A_174 = tpu.memref_slice %arg2[%add3A_161, %dma_wait3A_173] : memref<153600x128xf32, #tpu.memory_space<hbm>> -> memref<80x32xf32, #tpu.memory_space<hbm>>
      tpu.wait_dma2 semaphore(%arg9 : memref<!tpu.dma_semaphore, #tpu.memory_space<semaphore_mem>>) src(%dma_wait3A_174 : memref<80x32xf32, #tpu.memory_space<hbm>>) dst(%dma_wait3A_172 : memref<80x32xf32, #tpu.memory_space<vmem>>)
      %add3A_175 = arith.constant 2 : i32
      %add3A_176 = arith.addi %mul3A_11, %add3A_175 : i32
      %run_scoped3A_177 = arith.constant 2 : i32
      "tpu.region"() ({
        %run_scoped3A_224 = tpu.sem_alloc : memref<!tpu.dma_semaphore, #tpu.memory_space<semaphore_mem>>
        %dma_start3A_225 = arith.constant 0 : i32
        %dma_start3A_226 = arith.constant 0 : i32
        %dma_start3A_227 = tpu.memref_slice %arg7[%run_scoped3A_177, %dma_start3A_225, %dma_start3A_226] : memref<5x80x32xf32, #tpu.memory_space<vmem>> -> memref<1x80x32xf32, #tpu.memory_space<vmem>>
        %dma_start3A_228 = tpu.memref_squeeze %dma_start3A_227 : memref<1x80x32xf32, #tpu.memory_space<vmem>> -> memref<80x32xf32, #tpu.memory_space<vmem>>
        %dma_start3A_229 = arith.constant 0 : i32
        %dma_start3A_230 = tpu.memref_slice %arg6[%add3A_176, %dma_start3A_229] : memref<60x80xi32, #tpu.memory_space<vmem>> -> memref<1x80xi32, #tpu.memory_space<vmem>>
        %dma_start3A_231 = tpu.memref_squeeze %dma_start3A_230 : memref<1x80xi32, #tpu.memory_space<vmem>> -> memref<80xi32, #tpu.memory_space<vmem>>
        %dma_start3A_232 = arith.constant 0 : i32
        %dma_start3A_233 = arith.constant 0 : i32
        %dma_start3A_234 = tpu.memref_slice %arg8[%dma_start3A_232, %dma_start3A_233] : memref<20480x32xf32, #tpu.memory_space<vmem_shared>> -> memref<20480x32xf32, #tpu.memory_space<vmem_shared>>
        tpu.enqueue_indirect_dma source(%dma_start3A_228 : memref<80x32xf32, #tpu.memory_space<vmem>>) target(%dma_start3A_234 : memref<20480x32xf32, #tpu.memory_space<vmem_shared>>) offsets(%dma_start3A_231 : memref<80xi32, #tpu.memory_space<vmem>>) semaphore(%run_scoped3A_224 : memref<!tpu.dma_semaphore, #tpu.memory_space<semaphore_mem>>) {add = true}
        %dma_wait3A_235 = arith.constant 0 : i32
        %dma_wait3A_236 = arith.constant 0 : i32
        %dma_wait3A_237 = tpu.memref_slice %arg7[%run_scoped3A_177, %dma_wait3A_235, %dma_wait3A_236] : memref<5x80x32xf32, #tpu.memory_space<vmem>> -> memref<1x80x32xf32, #tpu.memory_space<vmem>>
        %dma_wait3A_238 = tpu.memref_squeeze %dma_wait3A_237 : memref<1x80x32xf32, #tpu.memory_space<vmem>> -> memref<80x32xf32, #tpu.memory_space<vmem>>
        %dma_wait3A_239 = arith.constant 0 : i32
        %dma_wait3A_240 = tpu.memref_slice %arg6[%add3A_176, %dma_wait3A_239] : memref<60x80xi32, #tpu.memory_space<vmem>> -> memref<1x80xi32, #tpu.memory_space<vmem>>
        %dma_wait3A_241 = tpu.memref_squeeze %dma_wait3A_240 : memref<1x80xi32, #tpu.memory_space<vmem>> -> memref<80xi32, #tpu.memory_space<vmem>>
        %dma_wait3A_242 = arith.constant 0 : i32
        %dma_wait3A_243 = arith.constant 0 : i32
        %dma_wait3A_244 = tpu.memref_slice %arg8[%dma_wait3A_242, %dma_wait3A_243] : memref<20480x32xf32, #tpu.memory_space<vmem_shared>> -> memref<20480x32xf32, #tpu.memory_space<vmem_shared>>
        tpu.wait_indirect_dma semaphore(%run_scoped3A_224 : memref<!tpu.dma_semaphore, #tpu.memory_space<semaphore_mem>>) src(%dma_wait3A_238 : memref<80x32xf32, #tpu.memory_space<vmem>>) dst(%dma_wait3A_244 : memref<20480x32xf32, #tpu.memory_space<vmem_shared>>)
        tpu.yield
      }) : () -> ()
      %mul3A_178 = arith.constant 4800 : i32
      %mul3A_179 = arith.muli %add3A, %mul3A_178 : i32
      %add3A_180 = arith.constant 3 : i32
      %add3A_181 = arith.addi %mul3A_11, %add3A_180 : i32
      %mul3A_182 = arith.constant 80 : i32
      %mul3A_183 = arith.muli %add3A_181, %mul3A_182 : i32
      %add3A_184 = arith.addi %mul3A_179, %mul3A_183 : i32
      %dma_wait3A_185 = arith.constant 3 : i32
      %dma_wait3A_186 = arith.constant 0 : i32
      %dma_wait3A_187 = arith.constant 0 : i32
      %dma_wait3A_188 = tpu.memref_slice %arg7[%dma_wait3A_185, %dma_wait3A_186, %dma_wait3A_187] : memref<5x80x32xf32, #tpu.memory_space<vmem>> -> memref<1x80x32xf32, #tpu.memory_space<vmem>>
      %dma_wait3A_189 = tpu.memref_squeeze %dma_wait3A_188 : memref<1x80x32xf32, #tpu.memory_space<vmem>> -> memref<80x32xf32, #tpu.memory_space<vmem>>
      %dma_wait3A_190 = arith.constant 0 : i32
      %dma_wait3A_191 = tpu.memref_slice %arg2[%add3A_184, %dma_wait3A_190] : memref<153600x128xf32, #tpu.memory_space<hbm>> -> memref<80x32xf32, #tpu.memory_space<hbm>>
      %dma_wait3A_192 = arith.constant 0 : i32
      %dma_wait3A_193 = arith.constant 0 : i32
      %dma_wait3A_194 = tpu.memref_slice %arg7[%dma_wait3A_185, %dma_wait3A_192, %dma_wait3A_193] : memref<5x80x32xf32, #tpu.memory_space<vmem>> -> memref<1x80x32xf32, #tpu.memory_space<vmem>>
      %dma_wait3A_195 = tpu.memref_squeeze %dma_wait3A_194 : memref<1x80x32xf32, #tpu.memory_space<vmem>> -> memref<80x32xf32, #tpu.memory_space<vmem>>
      %dma_wait3A_196 = arith.constant 0 : i32
      %dma_wait3A_197 = tpu.memref_slice %arg2[%add3A_184, %dma_wait3A_196] : memref<153600x128xf32, #tpu.memory_space<hbm>> -> memref<80x32xf32, #tpu.memory_space<hbm>>
      tpu.wait_dma2 semaphore(%arg9 : memref<!tpu.dma_semaphore, #tpu.memory_space<semaphore_mem>>) src(%dma_wait3A_197 : memref<80x32xf32, #tpu.memory_space<hbm>>) dst(%dma_wait3A_195 : memref<80x32xf32, #tpu.memory_space<vmem>>)
      %add3A_198 = arith.constant 3 : i32
      %add3A_199 = arith.addi %mul3A_11, %add3A_198 : i32
      %run_scoped3A_200 = arith.constant 3 : i32
      "tpu.region"() ({
        %run_scoped3A_224 = tpu.sem_alloc : memref<!tpu.dma_semaphore, #tpu.memory_space<semaphore_mem>>
        %dma_start3A_225 = arith.constant 0 : i32
        %dma_start3A_226 = arith.constant 0 : i32
        %dma_start3A_227 = tpu.memref_slice %arg7[%run_scoped3A_200, %dma_start3A_225, %dma_start3A_226] : memref<5x80x32xf32, #tpu.memory_space<vmem>> -> memref<1x80x32xf32, #tpu.memory_space<vmem>>
        %dma_start3A_228 = tpu.memref_squeeze %dma_start3A_227 : memref<1x80x32xf32, #tpu.memory_space<vmem>> -> memref<80x32xf32, #tpu.memory_space<vmem>>
        %dma_start3A_229 = arith.constant 0 : i32
        %dma_start3A_230 = tpu.memref_slice %arg6[%add3A_199, %dma_start3A_229] : memref<60x80xi32, #tpu.memory_space<vmem>> -> memref<1x80xi32, #tpu.memory_space<vmem>>
        %dma_start3A_231 = tpu.memref_squeeze %dma_start3A_230 : memref<1x80xi32, #tpu.memory_space<vmem>> -> memref<80xi32, #tpu.memory_space<vmem>>
        %dma_start3A_232 = arith.constant 0 : i32
        %dma_start3A_233 = arith.constant 0 : i32
        %dma_start3A_234 = tpu.memref_slice %arg8[%dma_start3A_232, %dma_start3A_233] : memref<20480x32xf32, #tpu.memory_space<vmem_shared>> -> memref<20480x32xf32, #tpu.memory_space<vmem_shared>>
        tpu.enqueue_indirect_dma source(%dma_start3A_228 : memref<80x32xf32, #tpu.memory_space<vmem>>) target(%dma_start3A_234 : memref<20480x32xf32, #tpu.memory_space<vmem_shared>>) offsets(%dma_start3A_231 : memref<80xi32, #tpu.memory_space<vmem>>) semaphore(%run_scoped3A_224 : memref<!tpu.dma_semaphore, #tpu.memory_space<semaphore_mem>>) {add = true}
        %dma_wait3A_235 = arith.constant 0 : i32
        %dma_wait3A_236 = arith.constant 0 : i32
        %dma_wait3A_237 = tpu.memref_slice %arg7[%run_scoped3A_200, %dma_wait3A_235, %dma_wait3A_236] : memref<5x80x32xf32, #tpu.memory_space<vmem>> -> memref<1x80x32xf32, #tpu.memory_space<vmem>>
        %dma_wait3A_238 = tpu.memref_squeeze %dma_wait3A_237 : memref<1x80x32xf32, #tpu.memory_space<vmem>> -> memref<80x32xf32, #tpu.memory_space<vmem>>
        %dma_wait3A_239 = arith.constant 0 : i32
        %dma_wait3A_240 = tpu.memref_slice %arg6[%add3A_199, %dma_wait3A_239] : memref<60x80xi32, #tpu.memory_space<vmem>> -> memref<1x80xi32, #tpu.memory_space<vmem>>
        %dma_wait3A_241 = tpu.memref_squeeze %dma_wait3A_240 : memref<1x80xi32, #tpu.memory_space<vmem>> -> memref<80xi32, #tpu.memory_space<vmem>>
        %dma_wait3A_242 = arith.constant 0 : i32
        %dma_wait3A_243 = arith.constant 0 : i32
        %dma_wait3A_244 = tpu.memref_slice %arg8[%dma_wait3A_242, %dma_wait3A_243] : memref<20480x32xf32, #tpu.memory_space<vmem_shared>> -> memref<20480x32xf32, #tpu.memory_space<vmem_shared>>
        tpu.wait_indirect_dma semaphore(%run_scoped3A_224 : memref<!tpu.dma_semaphore, #tpu.memory_space<semaphore_mem>>) src(%dma_wait3A_238 : memref<80x32xf32, #tpu.memory_space<vmem>>) dst(%dma_wait3A_244 : memref<20480x32xf32, #tpu.memory_space<vmem_shared>>)
        tpu.yield
      }) : () -> ()
      %mul3A_201 = arith.constant 4800 : i32
      %mul3A_202 = arith.muli %add3A, %mul3A_201 : i32
      %add3A_203 = arith.constant 4 : i32
      %add3A_204 = arith.addi %mul3A_11, %add3A_203 : i32
      %mul3A_205 = arith.constant 80 : i32
      %mul3A_206 = arith.muli %add3A_204, %mul3A_205 : i32
      %add3A_207 = arith.addi %mul3A_202, %mul3A_206 : i32
      %dma_wait3A_208 = arith.constant 4 : i32
      %dma_wait3A_209 = arith.constant 0 : i32
      %dma_wait3A_210 = arith.constant 0 : i32
      %dma_wait3A_211 = tpu.memref_slice %arg7[%dma_wait3A_208, %dma_wait3A_209, %dma_wait3A_210] : memref<5x80x32xf32, #tpu.memory_space<vmem>> -> memref<1x80x32xf32, #tpu.memory_space<vmem>>
      %dma_wait3A_212 = tpu.memref_squeeze %dma_wait3A_211 : memref<1x80x32xf32, #tpu.memory_space<vmem>> -> memref<80x32xf32, #tpu.memory_space<vmem>>
      %dma_wait3A_213 = arith.constant 0 : i32
      %dma_wait3A_214 = tpu.memref_slice %arg2[%add3A_207, %dma_wait3A_213] : memref<153600x128xf32, #tpu.memory_space<hbm>> -> memref<80x32xf32, #tpu.memory_space<hbm>>
      %dma_wait3A_215 = arith.constant 0 : i32
      %dma_wait3A_216 = arith.constant 0 : i32
      %dma_wait3A_217 = tpu.memref_slice %arg7[%dma_wait3A_208, %dma_wait3A_215, %dma_wait3A_216] : memref<5x80x32xf32, #tpu.memory_space<vmem>> -> memref<1x80x32xf32, #tpu.memory_space<vmem>>
      %dma_wait3A_218 = tpu.memref_squeeze %dma_wait3A_217 : memref<1x80x32xf32, #tpu.memory_space<vmem>> -> memref<80x32xf32, #tpu.memory_space<vmem>>
      %dma_wait3A_219 = arith.constant 0 : i32
      %dma_wait3A_220 = tpu.memref_slice %arg2[%add3A_207, %dma_wait3A_219] : memref<153600x128xf32, #tpu.memory_space<hbm>> -> memref<80x32xf32, #tpu.memory_space<hbm>>
      tpu.wait_dma2 semaphore(%arg9 : memref<!tpu.dma_semaphore, #tpu.memory_space<semaphore_mem>>) src(%dma_wait3A_220 : memref<80x32xf32, #tpu.memory_space<hbm>>) dst(%dma_wait3A_218 : memref<80x32xf32, #tpu.memory_space<vmem>>)
      %add3A_221 = arith.constant 4 : i32
      %add3A_222 = arith.addi %mul3A_11, %add3A_221 : i32
      %run_scoped3A_223 = arith.constant 4 : i32
      "tpu.region"() ({
        %run_scoped3A_224 = tpu.sem_alloc : memref<!tpu.dma_semaphore, #tpu.memory_space<semaphore_mem>>
        %dma_start3A_225 = arith.constant 0 : i32
        %dma_start3A_226 = arith.constant 0 : i32
        %dma_start3A_227 = tpu.memref_slice %arg7[%run_scoped3A_223, %dma_start3A_225, %dma_start3A_226] : memref<5x80x32xf32, #tpu.memory_space<vmem>> -> memref<1x80x32xf32, #tpu.memory_space<vmem>>
        %dma_start3A_228 = tpu.memref_squeeze %dma_start3A_227 : memref<1x80x32xf32, #tpu.memory_space<vmem>> -> memref<80x32xf32, #tpu.memory_space<vmem>>
        %dma_start3A_229 = arith.constant 0 : i32
        %dma_start3A_230 = tpu.memref_slice %arg6[%add3A_222, %dma_start3A_229] : memref<60x80xi32, #tpu.memory_space<vmem>> -> memref<1x80xi32, #tpu.memory_space<vmem>>
        %dma_start3A_231 = tpu.memref_squeeze %dma_start3A_230 : memref<1x80xi32, #tpu.memory_space<vmem>> -> memref<80xi32, #tpu.memory_space<vmem>>
        %dma_start3A_232 = arith.constant 0 : i32
        %dma_start3A_233 = arith.constant 0 : i32
        %dma_start3A_234 = tpu.memref_slice %arg8[%dma_start3A_232, %dma_start3A_233] : memref<20480x32xf32, #tpu.memory_space<vmem_shared>> -> memref<20480x32xf32, #tpu.memory_space<vmem_shared>>
        tpu.enqueue_indirect_dma source(%dma_start3A_228 : memref<80x32xf32, #tpu.memory_space<vmem>>) target(%dma_start3A_234 : memref<20480x32xf32, #tpu.memory_space<vmem_shared>>) offsets(%dma_start3A_231 : memref<80xi32, #tpu.memory_space<vmem>>) semaphore(%run_scoped3A_224 : memref<!tpu.dma_semaphore, #tpu.memory_space<semaphore_mem>>) {add = true}
        %dma_wait3A_235 = arith.constant 0 : i32
        %dma_wait3A_236 = arith.constant 0 : i32
        %dma_wait3A_237 = tpu.memref_slice %arg7[%run_scoped3A_223, %dma_wait3A_235, %dma_wait3A_236] : memref<5x80x32xf32, #tpu.memory_space<vmem>> -> memref<1x80x32xf32, #tpu.memory_space<vmem>>
        %dma_wait3A_238 = tpu.memref_squeeze %dma_wait3A_237 : memref<1x80x32xf32, #tpu.memory_space<vmem>> -> memref<80x32xf32, #tpu.memory_space<vmem>>
        %dma_wait3A_239 = arith.constant 0 : i32
        %dma_wait3A_240 = tpu.memref_slice %arg6[%add3A_222, %dma_wait3A_239] : memref<60x80xi32, #tpu.memory_space<vmem>> -> memref<1x80xi32, #tpu.memory_space<vmem>>
        %dma_wait3A_241 = tpu.memref_squeeze %dma_wait3A_240 : memref<1x80xi32, #tpu.memory_space<vmem>> -> memref<80xi32, #tpu.memory_space<vmem>>
        %dma_wait3A_242 = arith.constant 0 : i32
        %dma_wait3A_243 = arith.constant 0 : i32
        %dma_wait3A_244 = tpu.memref_slice %arg8[%dma_wait3A_242, %dma_wait3A_243] : memref<20480x32xf32, #tpu.memory_space<vmem_shared>> -> memref<20480x32xf32, #tpu.memory_space<vmem_shared>>
        tpu.wait_indirect_dma semaphore(%run_scoped3A_224 : memref<!tpu.dma_semaphore, #tpu.memory_space<semaphore_mem>>) src(%dma_wait3A_238 : memref<80x32xf32, #tpu.memory_space<vmem>>) dst(%dma_wait3A_244 : memref<20480x32xf32, #tpu.memory_space<vmem_shared>>)
        tpu.yield
      }) : () -> ()
    }
    %scan3A_7 = arith.constant 12 : i32
    %barrier3A_8 = arith.constant 0 : index
    tpu.barrier barrier_id(%barrier3A_8)
    "tpu.region"() ({
      %run_scoped3A = tpu.sem_alloc : memref<!tpu.dma_semaphore, #tpu.memory_space<semaphore_mem>>
      %dma_start3A = arith.constant 0 : i32
      %dma_start3A_9 = tpu.memref_slice %arg5[%arg0, %mul3A_2, %dma_start3A] : memref<2x20480x128xf32, #tpu.memory_space<hbm>> -> memref<1x1280x32xf32, #tpu.memory_space<hbm>>
      %dma_start3A_10 = tpu.memref_squeeze %dma_start3A_9 : memref<1x1280x32xf32, #tpu.memory_space<hbm>> -> memref<1280x32xf32, #tpu.memory_space<hbm>>
      %dma_start3A_11 = arith.constant 0 : i32
      %dma_start3A_12 = tpu.memref_slice %arg8[%mul3A_2, %dma_start3A_11] : memref<20480x32xf32, #tpu.memory_space<vmem_shared>> -> memref<1280x32xf32, #tpu.memory_space<vmem_shared>>
      tpu.enqueue_dma source(%dma_start3A_12 : memref<1280x32xf32, #tpu.memory_space<vmem_shared>>) target(%dma_start3A_10 : memref<1280x32xf32, #tpu.memory_space<hbm>>) target_semaphore(%run_scoped3A : memref<!tpu.dma_semaphore, #tpu.memory_space<semaphore_mem>>)
      %dma_wait3A = arith.constant 0 : i32
      %dma_wait3A_13 = tpu.memref_slice %arg5[%arg0, %mul3A_2, %dma_wait3A] : memref<2x20480x128xf32, #tpu.memory_space<hbm>> -> memref<1x1280x32xf32, #tpu.memory_space<hbm>>
      %dma_wait3A_14 = tpu.memref_squeeze %dma_wait3A_13 : memref<1x1280x32xf32, #tpu.memory_space<hbm>> -> memref<1280x32xf32, #tpu.memory_space<hbm>>
      %dma_wait3A_15 = arith.constant 0 : i32
      %dma_wait3A_16 = tpu.memref_slice %arg8[%mul3A_2, %dma_wait3A_15] : memref<20480x32xf32, #tpu.memory_space<vmem_shared>> -> memref<1280x32xf32, #tpu.memory_space<vmem_shared>>
      tpu.wait_dma2 semaphore(%run_scoped3A : memref<!tpu.dma_semaphore, #tpu.memory_space<semaphore_mem>>) src(%dma_wait3A_16 : memref<1280x32xf32, #tpu.memory_space<vmem_shared>>) dst(%dma_wait3A_14 : memref<1280x32xf32, #tpu.memory_space<hbm>>)
      tpu.yield
    }) : () -> ()
    return
  }
}

module attributes {stable_mosaic.version = 14 : i64} {
  func.func @edge_mlp_h0(%arg0: i32, %arg1: memref<4x1280xf32, #tpu.memory_space<vmem>>, %arg2: memref<1280x128xf32, #tpu.memory_space<vmem>>, %arg3: memref<4x16xf32, #tpu.memory_space<vmem>>, %arg4: memref<1x16xf32, #tpu.memory_space<vmem>>, %arg5: memref<4x128xf32, #tpu.memory_space<vmem>>, %arg6: memref<16x128xf32, #tpu.memory_space<vmem>>, %arg7: memref<1x128xf32, #tpu.memory_space<vmem>>, %arg8: memref<1x128xf32, #tpu.memory_space<vmem>>, %arg9: memref<1x128xf32, #tpu.memory_space<vmem>>, %arg10: memref<128x256xf32, #tpu.memory_space<vmem>>, %arg11: memref<1x256xf32, #tpu.memory_space<vmem>>, %arg12: memref<16x256xf32, #tpu.memory_space<vmem>>, %arg13: memref<256x16xf32, #tpu.memory_space<vmem>>, %arg14: memref<128x128xf32, #tpu.memory_space<vmem>>, %arg15: memref<256x16xf32, #tpu.memory_space<vmem>>, %arg16: memref<1280x128xf32, #tpu.memory_space<vmem>>) attributes {dimension_semantics = [#tpu.dimension_semantics<arbitrary>], iteration_bounds = array<i64: 130>, scalar_prefetch = 0 : i64, scratch_operands = 0 : i64, tpu.core_type = #tpu.core_type<tc>, window_params = [{transform_indices = @transform_0, window_bounds = array<i64: 4, 1280>}, {transform_indices = @transform_1, window_bounds = array<i64: 1280, 128>}, {pipeline_mode = #tpu.pipeline_mode<synchronous>, transform_indices = @transform_2, window_bounds = array<i64: 4, 16>}, {pipeline_mode = #tpu.pipeline_mode<synchronous>, transform_indices = @transform_3, window_bounds = array<i64: 1, 16>}, {pipeline_mode = #tpu.pipeline_mode<synchronous>, transform_indices = @transform_4, window_bounds = array<i64: 4, 128>}, {pipeline_mode = #tpu.pipeline_mode<synchronous>, transform_indices = @transform_5, window_bounds = array<i64: 16, 128>}, {pipeline_mode = #tpu.pipeline_mode<synchronous>, transform_indices = @transform_6, window_bounds = array<i64: 1, 128>}, {pipeline_mode = #tpu.pipeline_mode<synchronous>, transform_indices = @transform_7, window_bounds = array<i64: 1, 128>}, {pipeline_mode = #tpu.pipeline_mode<synchronous>, transform_indices = @transform_8, window_bounds = array<i64: 1, 128>}, {pipeline_mode = #tpu.pipeline_mode<synchronous>, transform_indices = @transform_9, window_bounds = array<i64: 128, 256>}, {pipeline_mode = #tpu.pipeline_mode<synchronous>, transform_indices = @transform_10, window_bounds = array<i64: 1, 256>}, {pipeline_mode = #tpu.pipeline_mode<synchronous>, transform_indices = @transform_11, window_bounds = array<i64: 16, 256>}, {pipeline_mode = #tpu.pipeline_mode<synchronous>, transform_indices = @transform_12, window_bounds = array<i64: 256, 16>}, {pipeline_mode = #tpu.pipeline_mode<synchronous>, transform_indices = @transform_13, window_bounds = array<i64: 128, 128>}, {pipeline_mode = #tpu.pipeline_mode<synchronous>, transform_indices = @transform_14, window_bounds = array<i64: 256, 16>}, {transform_indices = @transform_15, window_bounds = array<i64: 1280, 128>}]} {
    %get3A = arith.constant 0 : index
    %get3A_0 = arith.constant 0 : index
    %get3A_1 = vector.load %arg1[%get3A, %get3A_0] : memref<4x1280xf32, #tpu.memory_space<vmem>>, vector<4x1280xf32>
    %transpose3A = tpu.transpose %get3A_1, [1, 0] : vector<4x1280xf32> -> vector<1280x4xf32>
    %get3A_2 = arith.constant 0 : index
    %get3A_3 = arith.constant 0 : index
    %get3A_4 = vector.load %arg3[%get3A_2, %get3A_3] : memref<4x16xf32, #tpu.memory_space<vmem>>, vector<4x16xf32>
    %dot_general3A = arith.constant dense<0.000000e+00> : vector<1280x16xf32>
    %dot_general3A_5 = tpu.matmul %transpose3A, %get3A_4, %dot_general3A {dimension_numbers = #tpu.dot_dimension_numbers<[1], [0], [0], [1], [0, 0, 1, 1], [], []>, transpose_lhs_hint = false} : vector<1280x4xf32>, vector<4x16xf32>, vector<1280x16xf32> -> vector<1280x16xf32>
    %get3A_6 = arith.constant 0 : index
    %get3A_7 = arith.constant 0 : index
    %get3A_8 = vector.load %arg4[%get3A_6, %get3A_7] : memref<1x16xf32, #tpu.memory_space<vmem>>, vector<1x16xf32>
    %add3A = vector.broadcast %get3A_8 : vector<1x16xf32> to vector<1280x16xf32>
    %add3A_9 = arith.addf %dot_general3A_5, %add3A : vector<1280x16xf32>
    %mul3A = arith.constant 5.000000e-01 : f32
    %mul3A_10 = vector.broadcast %mul3A : f32 to vector<1280x16xf32>
    %mul3A_11 = arith.mulf %mul3A_10, %add3A_9 : vector<1280x16xf32>
    %mul3A_12 = arith.constant 0.707106769 : f32
    %mul3A_13 = vector.broadcast %mul3A_12 : f32 to vector<1280x16xf32>
    %mul3A_14 = arith.mulf %add3A_9, %mul3A_13 : vector<1280x16xf32>
    %erf3A = math.erf %mul3A_14 : vector<1280x16xf32>
    %add3A_15 = arith.constant 1.000000e+00 : f32
    %add3A_16 = vector.broadcast %add3A_15 : f32 to vector<1280x16xf32>
    %add3A_17 = arith.addf %add3A_16, %erf3A : vector<1280x16xf32>
    %mul3A_18 = arith.mulf %mul3A_11, %add3A_17 : vector<1280x16xf32>
    %get3A_19 = arith.constant 0 : index
    %get3A_20 = arith.constant 0 : index
    %get3A_21 = vector.load %arg5[%get3A_19, %get3A_20] : memref<4x128xf32, #tpu.memory_space<vmem>>, vector<4x128xf32>
    %dot_general3A_22 = arith.constant dense<0.000000e+00> : vector<1280x128xf32>
    %dot_general3A_23 = tpu.matmul %transpose3A, %get3A_21, %dot_general3A_22 {dimension_numbers = #tpu.dot_dimension_numbers<[1], [0], [0], [1], [0, 0, 1, 1], [], []>, transpose_lhs_hint = false} : vector<1280x4xf32>, vector<4x128xf32>, vector<1280x128xf32> -> vector<1280x128xf32>
    %get3A_24 = arith.constant 0 : index
    %get3A_25 = arith.constant 0 : index
    %get3A_26 = vector.load %arg6[%get3A_24, %get3A_25] : memref<16x128xf32, #tpu.memory_space<vmem>>, vector<16x128xf32>
    %dot_general3A_27 = arith.constant dense<0.000000e+00> : vector<1280x128xf32>
    %dot_general3A_28 = tpu.matmul %mul3A_18, %get3A_26, %dot_general3A_27 {dimension_numbers = #tpu.dot_dimension_numbers<[1], [0], [0], [1], [0, 0, 1, 1], [], []>, transpose_lhs_hint = false} : vector<1280x16xf32>, vector<16x128xf32>, vector<1280x128xf32> -> vector<1280x128xf32>
    %add3A_29 = arith.addf %dot_general3A_23, %dot_general3A_28 : vector<1280x128xf32>
    %get3A_30 = arith.constant 0 : index
    %get3A_31 = arith.constant 0 : index
    %get3A_32 = vector.load %arg7[%get3A_30, %get3A_31] : memref<1x128xf32, #tpu.memory_space<vmem>>, vector<1x128xf32>
    %add3A_33 = vector.broadcast %get3A_32 : vector<1x128xf32> to vector<1280x128xf32>
    %add3A_34 = arith.addf %add3A_29, %add3A_33 : vector<1280x128xf32>
    %get3A_35 = arith.constant 0 : index
    %get3A_36 = arith.constant 0 : index
    %get3A_37 = vector.load %arg14[%get3A_35, %get3A_36] : memref<128x128xf32, #tpu.memory_space<vmem>>, vector<128x128xf32>
    %dot_general3A_38 = arith.constant dense<0.000000e+00> : vector<1280x128xf32>
    %dot_general3A_39 = tpu.matmul %add3A_34, %get3A_37, %dot_general3A_38 {dimension_numbers = #tpu.dot_dimension_numbers<[1], [0], [0], [1], [0, 0, 1, 1], [], []>, transpose_lhs_hint = false} : vector<1280x128xf32>, vector<128x128xf32>, vector<1280x128xf32> -> vector<1280x128xf32>
    %sub3A = arith.subf %add3A_34, %dot_general3A_39 : vector<1280x128xf32>
    %mul3A_40 = arith.mulf %sub3A, %sub3A : vector<1280x128xf32>
    %get3A_41 = arith.constant 0 : index
    %get3A_42 = arith.constant 0 : index
    %get3A_43 = vector.load %arg14[%get3A_41, %get3A_42] : memref<128x128xf32, #tpu.memory_space<vmem>>, vector<128x128xf32>
    %dot_general3A_44 = arith.constant dense<0.000000e+00> : vector<1280x128xf32>
    %dot_general3A_45 = tpu.matmul %mul3A_40, %get3A_43, %dot_general3A_44 {dimension_numbers = #tpu.dot_dimension_numbers<[1], [0], [0], [1], [0, 0, 1, 1], [], []>, transpose_lhs_hint = false} : vector<1280x128xf32>, vector<128x128xf32>, vector<1280x128xf32> -> vector<1280x128xf32>
    %add3A_46 = arith.constant 9.99999974E-6 : f32
    %add3A_47 = vector.broadcast %add3A_46 : f32 to vector<1280x128xf32>
    %add3A_48 = arith.addf %dot_general3A_45, %add3A_47 : vector<1280x128xf32>
    %rsqrt3A = math.rsqrt %add3A_48 : vector<1280x128xf32>
    %mul3A_49 = arith.mulf %sub3A, %rsqrt3A : vector<1280x128xf32>
    %get3A_50 = arith.constant 0 : index
    %get3A_51 = arith.constant 0 : index
    %get3A_52 = vector.load %arg8[%get3A_50, %get3A_51] : memref<1x128xf32, #tpu.memory_space<vmem>>, vector<1x128xf32>
    %mul3A_53 = vector.broadcast %get3A_52 : vector<1x128xf32> to vector<1280x128xf32>
    %mul3A_54 = arith.mulf %mul3A_49, %mul3A_53 : vector<1280x128xf32>
    %get3A_55 = arith.constant 0 : index
    %get3A_56 = arith.constant 0 : index
    %get3A_57 = vector.load %arg9[%get3A_55, %get3A_56] : memref<1x128xf32, #tpu.memory_space<vmem>>, vector<1x128xf32>
    %add3A_58 = vector.broadcast %get3A_57 : vector<1x128xf32> to vector<1280x128xf32>
    %add3A_59 = arith.addf %mul3A_54, %add3A_58 : vector<1280x128xf32>
    %mul3A_60 = arith.constant 5.000000e-01 : f32
    %mul3A_61 = vector.broadcast %mul3A_60 : f32 to vector<1280x128xf32>
    %mul3A_62 = arith.mulf %mul3A_61, %add3A_59 : vector<1280x128xf32>
    %mul3A_63 = arith.constant 0.707106769 : f32
    %mul3A_64 = vector.broadcast %mul3A_63 : f32 to vector<1280x128xf32>
    %mul3A_65 = arith.mulf %add3A_59, %mul3A_64 : vector<1280x128xf32>
    %erf3A_66 = math.erf %mul3A_65 : vector<1280x128xf32>
    %add3A_67 = arith.constant 1.000000e+00 : f32
    %add3A_68 = vector.broadcast %add3A_67 : f32 to vector<1280x128xf32>
    %add3A_69 = arith.addf %add3A_68, %erf3A_66 : vector<1280x128xf32>
    %mul3A_70 = arith.mulf %mul3A_62, %add3A_69 : vector<1280x128xf32>
    %get3A_71 = arith.constant 0 : index
    %get3A_72 = arith.constant 0 : index
    %get3A_73 = vector.load %arg10[%get3A_71, %get3A_72] : memref<128x256xf32, #tpu.memory_space<vmem>>, vector<128x256xf32>
    %dot_general3A_74 = arith.constant dense<0.000000e+00> : vector<1280x256xf32>
    %dot_general3A_75 = tpu.matmul %mul3A_70, %get3A_73, %dot_general3A_74 {dimension_numbers = #tpu.dot_dimension_numbers<[1], [0], [0], [1], [0, 0, 1, 1], [], []>, transpose_lhs_hint = false} : vector<1280x128xf32>, vector<128x256xf32>, vector<1280x256xf32> -> vector<1280x256xf32>
    %get3A_76 = arith.constant 0 : index
    %get3A_77 = arith.constant 0 : index
    %get3A_78 = vector.load %arg11[%get3A_76, %get3A_77] : memref<1x256xf32, #tpu.memory_space<vmem>>, vector<1x256xf32>
    %add3A_79 = vector.broadcast %get3A_78 : vector<1x256xf32> to vector<1280x256xf32>
    %add3A_80 = arith.addf %dot_general3A_75, %add3A_79 : vector<1280x256xf32>
    %mul3A_81 = arith.mulf %add3A_80, %add3A_80 : vector<1280x256xf32>
    %get3A_82 = arith.constant 0 : index
    %get3A_83 = arith.constant 0 : index
    %get3A_84 = vector.load %arg15[%get3A_82, %get3A_83] : memref<256x16xf32, #tpu.memory_space<vmem>>, vector<256x16xf32>
    %dot_general3A_85 = arith.constant dense<0.000000e+00> : vector<1280x16xf32>
    %dot_general3A_86 = tpu.matmul %mul3A_81, %get3A_84, %dot_general3A_85 {dimension_numbers = #tpu.dot_dimension_numbers<[1], [0], [0], [1], [0, 0, 1, 1], [], []>, transpose_lhs_hint = false} : vector<1280x256xf32>, vector<256x16xf32>, vector<1280x16xf32> -> vector<1280x16xf32>
    %max3A = arith.constant 9.99999996E-13 : f32
    %max3A_87 = vector.broadcast %max3A : f32 to vector<1280x16xf32>
    %max3A_88 = arith.maximumf %dot_general3A_86, %max3A_87 : vector<1280x16xf32>
    %rsqrt3A_89 = math.rsqrt %max3A_88 : vector<1280x16xf32>
    %get3A_90 = arith.constant 0 : index
    %get3A_91 = arith.constant 0 : index
    %get3A_92 = vector.load %arg2[%get3A_90, %get3A_91] : memref<1280x128xf32, #tpu.memory_space<vmem>>, vector<1280x16xf32>
    %get3A_93 = arith.constant 0 : index
    %get3A_94 = arith.constant 0 : index
    %get3A_95 = vector.load %arg12[%get3A_93, %get3A_94] : memref<16x256xf32, #tpu.memory_space<vmem>>, vector<16x256xf32>
    %dot_general3A_96 = arith.constant dense<0.000000e+00> : vector<1280x256xf32>
    %dot_general3A_97 = tpu.matmul %get3A_92, %get3A_95, %dot_general3A_96 {dimension_numbers = #tpu.dot_dimension_numbers<[1], [0], [0], [1], [0, 0, 1, 1], [], []>, transpose_lhs_hint = false} : vector<1280x16xf32>, vector<16x256xf32>, vector<1280x256xf32> -> vector<1280x256xf32>
    %mul3A_98 = arith.mulf %add3A_80, %dot_general3A_97 : vector<1280x256xf32>
    %get3A_99 = arith.constant 0 : index
    %get3A_100 = arith.constant 0 : index
    %get3A_101 = vector.load %arg13[%get3A_99, %get3A_100] : memref<256x16xf32, #tpu.memory_space<vmem>>, vector<256x16xf32>
    %dot_general3A_102 = arith.constant dense<0.000000e+00> : vector<1280x16xf32>
    %dot_general3A_103 = tpu.matmul %mul3A_98, %get3A_101, %dot_general3A_102 {dimension_numbers = #tpu.dot_dimension_numbers<[1], [0], [0], [1], [0, 0, 1, 1], [], []>, transpose_lhs_hint = false} : vector<1280x256xf32>, vector<256x16xf32>, vector<1280x16xf32> -> vector<1280x16xf32>
    %mul3A_104 = arith.mulf %dot_general3A_103, %rsqrt3A_89 : vector<1280x16xf32>
    %swap3A = arith.constant 0 : index
    %swap3A_105 = arith.constant 0 : index
    %swap3A_106 = vector.load %arg16[%swap3A, %swap3A_105] : memref<1280x128xf32, #tpu.memory_space<vmem>>, vector<1280x16xf32>
    tpu.vector_store %arg16[%swap3A, %swap3A_105], %mul3A_104 {strides = array<i32>} : memref<1280x128xf32, #tpu.memory_space<vmem>>, vector<1280x16xf32>,
    %broadcast_in_dim3A = arith.constant 1.000000e+00 : f32
    %broadcast_in_dim3A_107 = vector.broadcast %broadcast_in_dim3A : f32 to vector<1280x16xf32>
    %swap3A_108 = arith.constant 0 : index
    %swap3A_109 = arith.constant 16 : index
    %swap3A_110 = vector.load %arg16[%swap3A_108, %swap3A_109] : memref<1280x128xf32, #tpu.memory_space<vmem>>, vector<1280x16xf32>
    tpu.vector_store %arg16[%swap3A_108, %swap3A_109], %broadcast_in_dim3A_107 {strides = array<i32>} : memref<1280x128xf32, #tpu.memory_space<vmem>>, vector<1280x16xf32>,
    return
  }
  func.func @transform_0(%arg0: i32) -> (i32, i32) {
    %add3A = arith.constant 0 : i32
    %add3A_0 = arith.addi %arg0, %add3A : i32
    %c0_i32 = arith.constant 0 : i32
    %c0_i32_1 = arith.constant 0 : i32
    return %c0_i32, %add3A_0 : i32, i32
  }
  func.func @transform_1(%arg0: i32) -> (i32, i32) {
    %c0_i32 = arith.constant 0 : i32
    %c0_i32_0 = arith.constant 0 : i32
    return %arg0, %c0_i32 : i32, i32
  }
  func.func @transform_2(%arg0: i32) -> (i32, i32) {
    %c0_i32 = arith.constant 0 : i32
    %c0_i32_0 = arith.constant 0 : i32
    %c0_i32_1 = arith.constant 0 : i32
    return %c0_i32, %c0_i32_0 : i32, i32
  }
  func.func @transform_3(%arg0: i32) -> (i32, i32) {
    %c0_i32 = arith.constant 0 : i32
    %c0_i32_0 = arith.constant 0 : i32
    %c0_i32_1 = arith.constant 0 : i32
    return %c0_i32, %c0_i32_0 : i32, i32
  }
  func.func @transform_4(%arg0: i32) -> (i32, i32) {
    %c0_i32 = arith.constant 0 : i32
    %c0_i32_0 = arith.constant 0 : i32
    %c0_i32_1 = arith.constant 0 : i32
    return %c0_i32, %c0_i32_0 : i32, i32
  }
  func.func @transform_5(%arg0: i32) -> (i32, i32) {
    %c0_i32 = arith.constant 0 : i32
    %c0_i32_0 = arith.constant 0 : i32
    %c0_i32_1 = arith.constant 0 : i32
    return %c0_i32, %c0_i32_0 : i32, i32
  }
  func.func @transform_6(%arg0: i32) -> (i32, i32) {
    %c0_i32 = arith.constant 0 : i32
    %c0_i32_0 = arith.constant 0 : i32
    %c0_i32_1 = arith.constant 0 : i32
    return %c0_i32, %c0_i32_0 : i32, i32
  }
  func.func @transform_7(%arg0: i32) -> (i32, i32) {
    %c0_i32 = arith.constant 0 : i32
    %c0_i32_0 = arith.constant 0 : i32
    %c0_i32_1 = arith.constant 0 : i32
    return %c0_i32, %c0_i32_0 : i32, i32
  }
  func.func @transform_8(%arg0: i32) -> (i32, i32) {
    %c0_i32 = arith.constant 0 : i32
    %c0_i32_0 = arith.constant 0 : i32
    %c0_i32_1 = arith.constant 0 : i32
    return %c0_i32, %c0_i32_0 : i32, i32
  }
  func.func @transform_9(%arg0: i32) -> (i32, i32) {
    %c0_i32 = arith.constant 0 : i32
    %c0_i32_0 = arith.constant 0 : i32
    %c0_i32_1 = arith.constant 0 : i32
    return %c0_i32, %c0_i32_0 : i32, i32
  }
  func.func @transform_10(%arg0: i32) -> (i32, i32) {
    %c0_i32 = arith.constant 0 : i32
    %c0_i32_0 = arith.constant 0 : i32
    %c0_i32_1 = arith.constant 0 : i32
    return %c0_i32, %c0_i32_0 : i32, i32
  }
  func.func @transform_11(%arg0: i32) -> (i32, i32) {
    %c0_i32 = arith.constant 0 : i32
    %c0_i32_0 = arith.constant 0 : i32
    %c0_i32_1 = arith.constant 0 : i32
    return %c0_i32, %c0_i32_0 : i32, i32
  }
  func.func @transform_12(%arg0: i32) -> (i32, i32) {
    %c0_i32 = arith.constant 0 : i32
    %c0_i32_0 = arith.constant 0 : i32
    %c0_i32_1 = arith.constant 0 : i32
    return %c0_i32, %c0_i32_0 : i32, i32
  }
  func.func @transform_13(%arg0: i32) -> (i32, i32) {
    %c0_i32 = arith.constant 0 : i32
    %c0_i32_0 = arith.constant 0 : i32
    %c0_i32_1 = arith.constant 0 : i32
    return %c0_i32, %c0_i32_0 : i32, i32
  }
  func.func @transform_14(%arg0: i32) -> (i32, i32) {
    %c0_i32 = arith.constant 0 : i32
    %c0_i32_0 = arith.constant 0 : i32
    %c0_i32_1 = arith.constant 0 : i32
    return %c0_i32, %c0_i32_0 : i32, i32
  }
  func.func @transform_15(%arg0: i32) -> (i32, i32) {
    %c0_i32 = arith.constant 0 : i32
    %c0_i32_0 = arith.constant 0 : i32
    return %arg0, %c0_i32 : i32, i32
  }
}

module attributes {stable_mosaic.version = 14 : i64} {
  func.func @edge_mlp_h1(%arg0: i32, %arg1: memref<4x1280xf32, #tpu.memory_space<vmem>>, %arg2: memref<1280x128xf32, #tpu.memory_space<vmem>>, %arg3: memref<4x16xf32, #tpu.memory_space<vmem>>, %arg4: memref<1x16xf32, #tpu.memory_space<vmem>>, %arg5: memref<4x128xf32, #tpu.memory_space<vmem>>, %arg6: memref<16x128xf32, #tpu.memory_space<vmem>>, %arg7: memref<1x128xf32, #tpu.memory_space<vmem>>, %arg8: memref<1x128xf32, #tpu.memory_space<vmem>>, %arg9: memref<1x128xf32, #tpu.memory_space<vmem>>, %arg10: memref<128x256xf32, #tpu.memory_space<vmem>>, %arg11: memref<1x256xf32, #tpu.memory_space<vmem>>, %arg12: memref<16x256xf32, #tpu.memory_space<vmem>>, %arg13: memref<256x16xf32, #tpu.memory_space<vmem>>, %arg14: memref<128x128xf32, #tpu.memory_space<vmem>>, %arg15: memref<256x16xf32, #tpu.memory_space<vmem>>, %arg16: memref<1280x128xf32, #tpu.memory_space<vmem>>) attributes {dimension_semantics = [#tpu.dimension_semantics<arbitrary>], iteration_bounds = array<i64: 120>, scalar_prefetch = 0 : i64, scratch_operands = 0 : i64, tpu.core_type = #tpu.core_type<tc>, window_params = [{transform_indices = @transform_0, window_bounds = array<i64: 4, 1280>}, {transform_indices = @transform_1, window_bounds = array<i64: 1280, 128>}, {pipeline_mode = #tpu.pipeline_mode<synchronous>, transform_indices = @transform_2, window_bounds = array<i64: 4, 16>}, {pipeline_mode = #tpu.pipeline_mode<synchronous>, transform_indices = @transform_3, window_bounds = array<i64: 1, 16>}, {pipeline_mode = #tpu.pipeline_mode<synchronous>, transform_indices = @transform_4, window_bounds = array<i64: 4, 128>}, {pipeline_mode = #tpu.pipeline_mode<synchronous>, transform_indices = @transform_5, window_bounds = array<i64: 16, 128>}, {pipeline_mode = #tpu.pipeline_mode<synchronous>, transform_indices = @transform_6, window_bounds = array<i64: 1, 128>}, {pipeline_mode = #tpu.pipeline_mode<synchronous>, transform_indices = @transform_7, window_bounds = array<i64: 1, 128>}, {pipeline_mode = #tpu.pipeline_mode<synchronous>, transform_indices = @transform_8, window_bounds = array<i64: 1, 128>}, {pipeline_mode = #tpu.pipeline_mode<synchronous>, transform_indices = @transform_9, window_bounds = array<i64: 128, 256>}, {pipeline_mode = #tpu.pipeline_mode<synchronous>, transform_indices = @transform_10, window_bounds = array<i64: 1, 256>}, {pipeline_mode = #tpu.pipeline_mode<synchronous>, transform_indices = @transform_11, window_bounds = array<i64: 16, 256>}, {pipeline_mode = #tpu.pipeline_mode<synchronous>, transform_indices = @transform_12, window_bounds = array<i64: 256, 16>}, {pipeline_mode = #tpu.pipeline_mode<synchronous>, transform_indices = @transform_13, window_bounds = array<i64: 128, 128>}, {pipeline_mode = #tpu.pipeline_mode<synchronous>, transform_indices = @transform_14, window_bounds = array<i64: 256, 16>}, {transform_indices = @transform_15, window_bounds = array<i64: 1280, 128>}]} {
    %get3A = arith.constant 0 : index
    %get3A_0 = arith.constant 0 : index
    %get3A_1 = vector.load %arg1[%get3A, %get3A_0] : memref<4x1280xf32, #tpu.memory_space<vmem>>, vector<4x1280xf32>
    %transpose3A = tpu.transpose %get3A_1, [1, 0] : vector<4x1280xf32> -> vector<1280x4xf32>
    %get3A_2 = arith.constant 0 : index
    %get3A_3 = arith.constant 0 : index
    %get3A_4 = vector.load %arg3[%get3A_2, %get3A_3] : memref<4x16xf32, #tpu.memory_space<vmem>>, vector<4x16xf32>
    %dot_general3A = arith.constant dense<0.000000e+00> : vector<1280x16xf32>
    %dot_general3A_5 = tpu.matmul %transpose3A, %get3A_4, %dot_general3A {dimension_numbers = #tpu.dot_dimension_numbers<[1], [0], [0], [1], [0, 0, 1, 1], [], []>, transpose_lhs_hint = false} : vector<1280x4xf32>, vector<4x16xf32>, vector<1280x16xf32> -> vector<1280x16xf32>
    %get3A_6 = arith.constant 0 : index
    %get3A_7 = arith.constant 0 : index
    %get3A_8 = vector.load %arg4[%get3A_6, %get3A_7] : memref<1x16xf32, #tpu.memory_space<vmem>>, vector<1x16xf32>
    %add3A = vector.broadcast %get3A_8 : vector<1x16xf32> to vector<1280x16xf32>
    %add3A_9 = arith.addf %dot_general3A_5, %add3A : vector<1280x16xf32>
    %mul3A = arith.constant 5.000000e-01 : f32
    %mul3A_10 = vector.broadcast %mul3A : f32 to vector<1280x16xf32>
    %mul3A_11 = arith.mulf %mul3A_10, %add3A_9 : vector<1280x16xf32>
    %mul3A_12 = arith.constant 0.707106769 : f32
    %mul3A_13 = vector.broadcast %mul3A_12 : f32 to vector<1280x16xf32>
    %mul3A_14 = arith.mulf %add3A_9, %mul3A_13 : vector<1280x16xf32>
    %erf3A = math.erf %mul3A_14 : vector<1280x16xf32>
    %add3A_15 = arith.constant 1.000000e+00 : f32
    %add3A_16 = vector.broadcast %add3A_15 : f32 to vector<1280x16xf32>
    %add3A_17 = arith.addf %add3A_16, %erf3A : vector<1280x16xf32>
    %mul3A_18 = arith.mulf %mul3A_11, %add3A_17 : vector<1280x16xf32>
    %get3A_19 = arith.constant 0 : index
    %get3A_20 = arith.constant 0 : index
    %get3A_21 = vector.load %arg5[%get3A_19, %get3A_20] : memref<4x128xf32, #tpu.memory_space<vmem>>, vector<4x128xf32>
    %dot_general3A_22 = arith.constant dense<0.000000e+00> : vector<1280x128xf32>
    %dot_general3A_23 = tpu.matmul %transpose3A, %get3A_21, %dot_general3A_22 {dimension_numbers = #tpu.dot_dimension_numbers<[1], [0], [0], [1], [0, 0, 1, 1], [], []>, transpose_lhs_hint = false} : vector<1280x4xf32>, vector<4x128xf32>, vector<1280x128xf32> -> vector<1280x128xf32>
    %get3A_24 = arith.constant 0 : index
    %get3A_25 = arith.constant 0 : index
    %get3A_26 = vector.load %arg6[%get3A_24, %get3A_25] : memref<16x128xf32, #tpu.memory_space<vmem>>, vector<16x128xf32>
    %dot_general3A_27 = arith.constant dense<0.000000e+00> : vector<1280x128xf32>
    %dot_general3A_28 = tpu.matmul %mul3A_18, %get3A_26, %dot_general3A_27 {dimension_numbers = #tpu.dot_dimension_numbers<[1], [0], [0], [1], [0, 0, 1, 1], [], []>, transpose_lhs_hint = false} : vector<1280x16xf32>, vector<16x128xf32>, vector<1280x128xf32> -> vector<1280x128xf32>
    %add3A_29 = arith.addf %dot_general3A_23, %dot_general3A_28 : vector<1280x128xf32>
    %get3A_30 = arith.constant 0 : index
    %get3A_31 = arith.constant 0 : index
    %get3A_32 = vector.load %arg7[%get3A_30, %get3A_31] : memref<1x128xf32, #tpu.memory_space<vmem>>, vector<1x128xf32>
    %add3A_33 = vector.broadcast %get3A_32 : vector<1x128xf32> to vector<1280x128xf32>
    %add3A_34 = arith.addf %add3A_29, %add3A_33 : vector<1280x128xf32>
    %get3A_35 = arith.constant 0 : index
    %get3A_36 = arith.constant 0 : index
    %get3A_37 = vector.load %arg14[%get3A_35, %get3A_36] : memref<128x128xf32, #tpu.memory_space<vmem>>, vector<128x128xf32>
    %dot_general3A_38 = arith.constant dense<0.000000e+00> : vector<1280x128xf32>
    %dot_general3A_39 = tpu.matmul %add3A_34, %get3A_37, %dot_general3A_38 {dimension_numbers = #tpu.dot_dimension_numbers<[1], [0], [0], [1], [0, 0, 1, 1], [], []>, transpose_lhs_hint = false} : vector<1280x128xf32>, vector<128x128xf32>, vector<1280x128xf32> -> vector<1280x128xf32>
    %sub3A = arith.subf %add3A_34, %dot_general3A_39 : vector<1280x128xf32>
    %mul3A_40 = arith.mulf %sub3A, %sub3A : vector<1280x128xf32>
    %get3A_41 = arith.constant 0 : index
    %get3A_42 = arith.constant 0 : index
    %get3A_43 = vector.load %arg14[%get3A_41, %get3A_42] : memref<128x128xf32, #tpu.memory_space<vmem>>, vector<128x128xf32>
    %dot_general3A_44 = arith.constant dense<0.000000e+00> : vector<1280x128xf32>
    %dot_general3A_45 = tpu.matmul %mul3A_40, %get3A_43, %dot_general3A_44 {dimension_numbers = #tpu.dot_dimension_numbers<[1], [0], [0], [1], [0, 0, 1, 1], [], []>, transpose_lhs_hint = false} : vector<1280x128xf32>, vector<128x128xf32>, vector<1280x128xf32> -> vector<1280x128xf32>
    %add3A_46 = arith.constant 9.99999974E-6 : f32
    %add3A_47 = vector.broadcast %add3A_46 : f32 to vector<1280x128xf32>
    %add3A_48 = arith.addf %dot_general3A_45, %add3A_47 : vector<1280x128xf32>
    %rsqrt3A = math.rsqrt %add3A_48 : vector<1280x128xf32>
    %mul3A_49 = arith.mulf %sub3A, %rsqrt3A : vector<1280x128xf32>
    %get3A_50 = arith.constant 0 : index
    %get3A_51 = arith.constant 0 : index
    %get3A_52 = vector.load %arg8[%get3A_50, %get3A_51] : memref<1x128xf32, #tpu.memory_space<vmem>>, vector<1x128xf32>
    %mul3A_53 = vector.broadcast %get3A_52 : vector<1x128xf32> to vector<1280x128xf32>
    %mul3A_54 = arith.mulf %mul3A_49, %mul3A_53 : vector<1280x128xf32>
    %get3A_55 = arith.constant 0 : index
    %get3A_56 = arith.constant 0 : index
    %get3A_57 = vector.load %arg9[%get3A_55, %get3A_56] : memref<1x128xf32, #tpu.memory_space<vmem>>, vector<1x128xf32>
    %add3A_58 = vector.broadcast %get3A_57 : vector<1x128xf32> to vector<1280x128xf32>
    %add3A_59 = arith.addf %mul3A_54, %add3A_58 : vector<1280x128xf32>
    %mul3A_60 = arith.constant 5.000000e-01 : f32
    %mul3A_61 = vector.broadcast %mul3A_60 : f32 to vector<1280x128xf32>
    %mul3A_62 = arith.mulf %mul3A_61, %add3A_59 : vector<1280x128xf32>
    %mul3A_63 = arith.constant 0.707106769 : f32
    %mul3A_64 = vector.broadcast %mul3A_63 : f32 to vector<1280x128xf32>
    %mul3A_65 = arith.mulf %add3A_59, %mul3A_64 : vector<1280x128xf32>
    %erf3A_66 = math.erf %mul3A_65 : vector<1280x128xf32>
    %add3A_67 = arith.constant 1.000000e+00 : f32
    %add3A_68 = vector.broadcast %add3A_67 : f32 to vector<1280x128xf32>
    %add3A_69 = arith.addf %add3A_68, %erf3A_66 : vector<1280x128xf32>
    %mul3A_70 = arith.mulf %mul3A_62, %add3A_69 : vector<1280x128xf32>
    %get3A_71 = arith.constant 0 : index
    %get3A_72 = arith.constant 0 : index
    %get3A_73 = vector.load %arg10[%get3A_71, %get3A_72] : memref<128x256xf32, #tpu.memory_space<vmem>>, vector<128x256xf32>
    %dot_general3A_74 = arith.constant dense<0.000000e+00> : vector<1280x256xf32>
    %dot_general3A_75 = tpu.matmul %mul3A_70, %get3A_73, %dot_general3A_74 {dimension_numbers = #tpu.dot_dimension_numbers<[1], [0], [0], [1], [0, 0, 1, 1], [], []>, transpose_lhs_hint = false} : vector<1280x128xf32>, vector<128x256xf32>, vector<1280x256xf32> -> vector<1280x256xf32>
    %get3A_76 = arith.constant 0 : index
    %get3A_77 = arith.constant 0 : index
    %get3A_78 = vector.load %arg11[%get3A_76, %get3A_77] : memref<1x256xf32, #tpu.memory_space<vmem>>, vector<1x256xf32>
    %add3A_79 = vector.broadcast %get3A_78 : vector<1x256xf32> to vector<1280x256xf32>
    %add3A_80 = arith.addf %dot_general3A_75, %add3A_79 : vector<1280x256xf32>
    %mul3A_81 = arith.mulf %add3A_80, %add3A_80 : vector<1280x256xf32>
    %get3A_82 = arith.constant 0 : index
    %get3A_83 = arith.constant 0 : index
    %get3A_84 = vector.load %arg15[%get3A_82, %get3A_83] : memref<256x16xf32, #tpu.memory_space<vmem>>, vector<256x16xf32>
    %dot_general3A_85 = arith.constant dense<0.000000e+00> : vector<1280x16xf32>
    %dot_general3A_86 = tpu.matmul %mul3A_81, %get3A_84, %dot_general3A_85 {dimension_numbers = #tpu.dot_dimension_numbers<[1], [0], [0], [1], [0, 0, 1, 1], [], []>, transpose_lhs_hint = false} : vector<1280x256xf32>, vector<256x16xf32>, vector<1280x16xf32> -> vector<1280x16xf32>
    %max3A = arith.constant 9.99999996E-13 : f32
    %max3A_87 = vector.broadcast %max3A : f32 to vector<1280x16xf32>
    %max3A_88 = arith.maximumf %dot_general3A_86, %max3A_87 : vector<1280x16xf32>
    %rsqrt3A_89 = math.rsqrt %max3A_88 : vector<1280x16xf32>
    %get3A_90 = arith.constant 0 : index
    %get3A_91 = arith.constant 0 : index
    %get3A_92 = vector.load %arg2[%get3A_90, %get3A_91] : memref<1280x128xf32, #tpu.memory_space<vmem>>, vector<1280x16xf32>
    %get3A_93 = arith.constant 0 : index
    %get3A_94 = arith.constant 0 : index
    %get3A_95 = vector.load %arg12[%get3A_93, %get3A_94] : memref<16x256xf32, #tpu.memory_space<vmem>>, vector<16x256xf32>
    %dot_general3A_96 = arith.constant dense<0.000000e+00> : vector<1280x256xf32>
    %dot_general3A_97 = tpu.matmul %get3A_92, %get3A_95, %dot_general3A_96 {dimension_numbers = #tpu.dot_dimension_numbers<[1], [0], [0], [1], [0, 0, 1, 1], [], []>, transpose_lhs_hint = false} : vector<1280x16xf32>, vector<16x256xf32>, vector<1280x256xf32> -> vector<1280x256xf32>
    %mul3A_98 = arith.mulf %add3A_80, %dot_general3A_97 : vector<1280x256xf32>
    %get3A_99 = arith.constant 0 : index
    %get3A_100 = arith.constant 0 : index
    %get3A_101 = vector.load %arg13[%get3A_99, %get3A_100] : memref<256x16xf32, #tpu.memory_space<vmem>>, vector<256x16xf32>
    %dot_general3A_102 = arith.constant dense<0.000000e+00> : vector<1280x16xf32>
    %dot_general3A_103 = tpu.matmul %mul3A_98, %get3A_101, %dot_general3A_102 {dimension_numbers = #tpu.dot_dimension_numbers<[1], [0], [0], [1], [0, 0, 1, 1], [], []>, transpose_lhs_hint = false} : vector<1280x256xf32>, vector<256x16xf32>, vector<1280x16xf32> -> vector<1280x16xf32>
    %mul3A_104 = arith.mulf %dot_general3A_103, %rsqrt3A_89 : vector<1280x16xf32>
    %swap3A = arith.constant 0 : index
    %swap3A_105 = arith.constant 0 : index
    %swap3A_106 = vector.load %arg16[%swap3A, %swap3A_105] : memref<1280x128xf32, #tpu.memory_space<vmem>>, vector<1280x16xf32>
    tpu.vector_store %arg16[%swap3A, %swap3A_105], %mul3A_104 {strides = array<i32>} : memref<1280x128xf32, #tpu.memory_space<vmem>>, vector<1280x16xf32>,
    %broadcast_in_dim3A = arith.constant 1.000000e+00 : f32
    %broadcast_in_dim3A_107 = vector.broadcast %broadcast_in_dim3A : f32 to vector<1280x16xf32>
    %swap3A_108 = arith.constant 0 : index
    %swap3A_109 = arith.constant 16 : index
    %swap3A_110 = vector.load %arg16[%swap3A_108, %swap3A_109] : memref<1280x128xf32, #tpu.memory_space<vmem>>, vector<1280x16xf32>
    tpu.vector_store %arg16[%swap3A_108, %swap3A_109], %broadcast_in_dim3A_107 {strides = array<i32>} : memref<1280x128xf32, #tpu.memory_space<vmem>>, vector<1280x16xf32>,
    return
  }
  func.func @transform_0(%arg0: i32) -> (i32, i32) {
    %add3A = arith.constant 130 : i32
    %add3A_0 = arith.addi %arg0, %add3A : i32
    %c0_i32 = arith.constant 0 : i32
    %c0_i32_1 = arith.constant 0 : i32
    return %c0_i32, %add3A_0 : i32, i32
  }
  func.func @transform_1(%arg0: i32) -> (i32, i32) {
    %c0_i32 = arith.constant 0 : i32
    %c0_i32_0 = arith.constant 0 : i32
    return %arg0, %c0_i32 : i32, i32
  }
  func.func @transform_2(%arg0: i32) -> (i32, i32) {
    %c0_i32 = arith.constant 0 : i32
    %c0_i32_0 = arith.constant 0 : i32
    %c0_i32_1 = arith.constant 0 : i32
    return %c0_i32, %c0_i32_0 : i32, i32
  }
  func.func @transform_3(%arg0: i32) -> (i32, i32) {
    %c0_i32 = arith.constant 0 : i32
    %c0_i32_0 = arith.constant 0 : i32
    %c0_i32_1 = arith.constant 0 : i32
    return %c0_i32, %c0_i32_0 : i32, i32
  }
  func.func @transform_4(%arg0: i32) -> (i32, i32) {
    %c0_i32 = arith.constant 0 : i32
    %c0_i32_0 = arith.constant 0 : i32
    %c0_i32_1 = arith.constant 0 : i32
    return %c0_i32, %c0_i32_0 : i32, i32
  }
  func.func @transform_5(%arg0: i32) -> (i32, i32) {
    %c0_i32 = arith.constant 0 : i32
    %c0_i32_0 = arith.constant 0 : i32
    %c0_i32_1 = arith.constant 0 : i32
    return %c0_i32, %c0_i32_0 : i32, i32
  }
  func.func @transform_6(%arg0: i32) -> (i32, i32) {
    %c0_i32 = arith.constant 0 : i32
    %c0_i32_0 = arith.constant 0 : i32
    %c0_i32_1 = arith.constant 0 : i32
    return %c0_i32, %c0_i32_0 : i32, i32
  }
  func.func @transform_7(%arg0: i32) -> (i32, i32) {
    %c0_i32 = arith.constant 0 : i32
    %c0_i32_0 = arith.constant 0 : i32
    %c0_i32_1 = arith.constant 0 : i32
    return %c0_i32, %c0_i32_0 : i32, i32
  }
  func.func @transform_8(%arg0: i32) -> (i32, i32) {
    %c0_i32 = arith.constant 0 : i32
    %c0_i32_0 = arith.constant 0 : i32
    %c0_i32_1 = arith.constant 0 : i32
    return %c0_i32, %c0_i32_0 : i32, i32
  }
  func.func @transform_9(%arg0: i32) -> (i32, i32) {
    %c0_i32 = arith.constant 0 : i32
    %c0_i32_0 = arith.constant 0 : i32
    %c0_i32_1 = arith.constant 0 : i32
    return %c0_i32, %c0_i32_0 : i32, i32
  }
  func.func @transform_10(%arg0: i32) -> (i32, i32) {
    %c0_i32 = arith.constant 0 : i32
    %c0_i32_0 = arith.constant 0 : i32
    %c0_i32_1 = arith.constant 0 : i32
    return %c0_i32, %c0_i32_0 : i32, i32
  }
  func.func @transform_11(%arg0: i32) -> (i32, i32) {
    %c0_i32 = arith.constant 0 : i32
    %c0_i32_0 = arith.constant 0 : i32
    %c0_i32_1 = arith.constant 0 : i32
    return %c0_i32, %c0_i32_0 : i32, i32
  }
  func.func @transform_12(%arg0: i32) -> (i32, i32) {
    %c0_i32 = arith.constant 0 : i32
    %c0_i32_0 = arith.constant 0 : i32
    %c0_i32_1 = arith.constant 0 : i32
    return %c0_i32, %c0_i32_0 : i32, i32
  }
  func.func @transform_13(%arg0: i32) -> (i32, i32) {
    %c0_i32 = arith.constant 0 : i32
    %c0_i32_0 = arith.constant 0 : i32
    %c0_i32_1 = arith.constant 0 : i32
    return %c0_i32, %c0_i32_0 : i32, i32
  }
  func.func @transform_14(%arg0: i32) -> (i32, i32) {
    %c0_i32 = arith.constant 0 : i32
    %c0_i32_0 = arith.constant 0 : i32
    %c0_i32_1 = arith.constant 0 : i32
    return %c0_i32, %c0_i32_0 : i32, i32
  }
  func.func @transform_15(%arg0: i32) -> (i32, i32) {
    %c0_i32 = arith.constant 0 : i32
    %c0_i32_0 = arith.constant 0 : i32
    return %arg0, %c0_i32 : i32, i32
  }
}

module attributes {stable_mosaic.version = 14 : i64} {
  func.func @_final_body(%arg0: i32, %arg1: memref<2x2000x128xf32, #tpu.memory_space<vmem>>, %arg2: memref<2000x16xf32, #tpu.memory_space<vmem>>, %arg3: memref<16x16xf32, #tpu.memory_space<vmem>>, %arg4: memref<1x16xf32, #tpu.memory_space<vmem>>, %arg5: memref<2000x16xf32, #tpu.memory_space<vmem>>) attributes {dimension_semantics = [#tpu.dimension_semantics<arbitrary>], iteration_bounds = array<i64: 10>, scalar_prefetch = 0 : i64, scratch_operands = 0 : i64, tpu.core_type = #tpu.core_type<tc>, window_params = [{transform_indices = @transform_0, window_bounds = array<i64: 2, 2000, 128>}, {transform_indices = @transform_1, window_bounds = array<i64: 2000, 16>}, {pipeline_mode = #tpu.pipeline_mode<synchronous>, transform_indices = @transform_2, window_bounds = array<i64: 16, 16>}, {pipeline_mode = #tpu.pipeline_mode<synchronous>, transform_indices = @transform_3, window_bounds = array<i64: 1, 16>}, {transform_indices = @transform_4, window_bounds = array<i64: 2000, 16>}]} {
    %get3A = arith.constant 0 : index
    %get3A_0 = arith.constant 0 : index
    %get3A_1 = arith.constant 0 : index
    %get3A_2 = vector.load %arg1[%get3A, %get3A_0, %get3A_1] : memref<2x2000x128xf32, #tpu.memory_space<vmem>>, vector<1x2000x16xf32>
    %get3A_3 = vector.shape_cast %get3A_2 : vector<1x2000x16xf32> to vector<2000x16xf32>
    %get3A_4 = arith.constant 1 : index
    %get3A_5 = arith.constant 0 : index
    %get3A_6 = arith.constant 0 : index
    %get3A_7 = vector.load %arg1[%get3A_4, %get3A_5, %get3A_6] : memref<2x2000x128xf32, #tpu.memory_space<vmem>>, vector<1x2000x16xf32>
    %get3A_8 = vector.shape_cast %get3A_7 : vector<1x2000x16xf32> to vector<2000x16xf32>
    %add3A = arith.addf %get3A_3, %get3A_8 : vector<2000x16xf32>
    %get3A_9 = arith.constant 0 : index
    %get3A_10 = arith.constant 0 : index
    %get3A_11 = arith.constant 16 : index
    %get3A_12 = vector.load %arg1[%get3A_9, %get3A_10, %get3A_11] : memref<2x2000x128xf32, #tpu.memory_space<vmem>>, vector<1x2000x16xf32>
    %get3A_13 = vector.shape_cast %get3A_12 : vector<1x2000x16xf32> to vector<2000x16xf32>
    %get3A_14 = arith.constant 1 : index
    %get3A_15 = arith.constant 0 : index
    %get3A_16 = arith.constant 16 : index
    %get3A_17 = vector.load %arg1[%get3A_14, %get3A_15, %get3A_16] : memref<2x2000x128xf32, #tpu.memory_space<vmem>>, vector<1x2000x16xf32>
    %get3A_18 = vector.shape_cast %get3A_17 : vector<1x2000x16xf32> to vector<2000x16xf32>
    %add3A_19 = arith.addf %get3A_13, %get3A_18 : vector<2000x16xf32>
    %gt3A = arith.constant 0.000000e+00 : f32
    %gt3A_20 = vector.broadcast %gt3A : f32 to vector<2000x16xf32>
    %gt3A_21 = arith.cmpf ogt, %add3A_19, %gt3A_20 : vector<2000x16xf32>
    %gt3A_22 = arith.constant 0.000000e+00 : f32
    %gt3A_23 = vector.broadcast %gt3A_22 : f32 to vector<2000x16xf32>
    %gt3A_24 = arith.cmpf ogt, %add3A_19, %gt3A_23 : vector<2000x16xf32>
    %jit3A = arith.constant 1.000000e+00 : f32
    %broadcast_in_dim3A = vector.broadcast %jit3A : f32 to vector<2000x16xf32>
    %select_n3A = arith.select %gt3A_24, %add3A_19, %broadcast_in_dim3A : vector<2000x16xi1>, vector<2000x16xf32>
    %div3A = arith.divf %add3A, %select_n3A : vector<2000x16xf32>
    %jit3A_25 = arith.constant 0.000000e+00 : f32
    %broadcast_in_dim3A_26 = vector.broadcast %jit3A_25 : f32 to vector<2000x16xf32>
    %select_n3A_27 = arith.select %gt3A_21, %div3A, %broadcast_in_dim3A_26 : vector<2000x16xi1>, vector<2000x16xf32>
    %get3A_28 = arith.constant 0 : index
    %get3A_29 = arith.constant 0 : index
    %get3A_30 = vector.load %arg2[%get3A_28, %get3A_29] : memref<2000x16xf32, #tpu.memory_space<vmem>>, vector<2000x16xf32>
    %get3A_31 = arith.constant 0 : index
    %get3A_32 = arith.constant 0 : index
    %get3A_33 = vector.load %arg3[%get3A_31, %get3A_32] : memref<16x16xf32, #tpu.memory_space<vmem>>, vector<16x16xf32>
    %dot_general3A = arith.constant dense<0.000000e+00> : vector<2000x16xf32>
    %dot_general3A_34 = tpu.matmul %get3A_30, %get3A_33, %dot_general3A {dimension_numbers = #tpu.dot_dimension_numbers<[1], [0], [0], [1], [0, 0, 1, 1], [], []>, transpose_lhs_hint = false} : vector<2000x16xf32>, vector<16x16xf32>, vector<2000x16xf32> -> vector<2000x16xf32>
    %get3A_35 = arith.constant 0 : index
    %get3A_36 = arith.constant 0 : index
    %get3A_37 = vector.load %arg4[%get3A_35, %get3A_36] : memref<1x16xf32, #tpu.memory_space<vmem>>, vector<1x16xf32>
    %add3A_38 = vector.broadcast %get3A_37 : vector<1x16xf32> to vector<2000x16xf32>
    %add3A_39 = arith.addf %dot_general3A_34, %add3A_38 : vector<2000x16xf32>
    %add3A_40 = arith.addf %select_n3A_27, %add3A_39 : vector<2000x16xf32>
    %mul3A = arith.constant 5.000000e-01 : f32
    %mul3A_41 = vector.broadcast %mul3A : f32 to vector<2000x16xf32>
    %mul3A_42 = arith.mulf %mul3A_41, %add3A_40 : vector<2000x16xf32>
    %mul3A_43 = arith.constant 0.707106769 : f32
    %mul3A_44 = vector.broadcast %mul3A_43 : f32 to vector<2000x16xf32>
    %mul3A_45 = arith.mulf %add3A_40, %mul3A_44 : vector<2000x16xf32>
    %erf3A = math.erf %mul3A_45 : vector<2000x16xf32>
    %add3A_46 = arith.constant 1.000000e+00 : f32
    %add3A_47 = vector.broadcast %add3A_46 : f32 to vector<2000x16xf32>
    %add3A_48 = arith.addf %add3A_47, %erf3A : vector<2000x16xf32>
    %mul3A_49 = arith.mulf %mul3A_42, %add3A_48 : vector<2000x16xf32>
    %swap3A = arith.constant 0 : index
    %swap3A_50 = arith.constant 0 : index
    %swap3A_51 = vector.load %arg5[%swap3A, %swap3A_50] : memref<2000x16xf32, #tpu.memory_space<vmem>>, vector<2000x16xf32>
    tpu.vector_store %arg5[%swap3A, %swap3A_50], %mul3A_49 {strides = array<i32>} : memref<2000x16xf32, #tpu.memory_space<vmem>>, vector<2000x16xf32>,
    return
  }
  func.func @transform_0(%arg0: i32) -> (i32, i32, i32) {
    %c0_i32 = arith.constant 0 : i32
    %c0_i32_0 = arith.constant 0 : i32
    %c0_i32_1 = arith.constant 0 : i32
    return %c0_i32, %arg0, %c0_i32_0 : i32, i32, i32
  }
  func.func @transform_1(%arg0: i32) -> (i32, i32) {
    %c0_i32 = arith.constant 0 : i32
    %c0_i32_0 = arith.constant 0 : i32
    return %arg0, %c0_i32 : i32, i32
  }
  func.func @transform_2(%arg0: i32) -> (i32, i32) {
    %c0_i32 = arith.constant 0 : i32
    %c0_i32_0 = arith.constant 0 : i32
    %c0_i32_1 = arith.constant 0 : i32
    return %c0_i32, %c0_i32_0 : i32, i32
  }
  func.func @transform_3(%arg0: i32) -> (i32, i32) {
    %c0_i32 = arith.constant 0 : i32
    %c0_i32_0 = arith.constant 0 : i32
    %c0_i32_1 = arith.constant 0 : i32
    return %c0_i32, %c0_i32_0 : i32, i32
  }
  func.func @transform_4(%arg0: i32) -> (i32, i32) {
    %c0_i32 = arith.constant 0 : i32
    %c0_i32_0 = arith.constant 0 : i32
    return %arg0, %c0_i32 : i32, i32
  }
}

</mosaic_0001>

<sc_bundles>
// kernel: kernel.10.cloned.1.call-start
scs
__scs_entry_jumppad:
0x0: {  	(pc) =	sbr.rel $0x88, $3  }
0x1: {  	(tag) =	ssettag $0x0;
	lr =	simm.s32 $0x1  }
0x2: {  	[smem:$0x3F94] =	sst lr;
	_ =	strace $0xD0000000  }
0x3: {  	_ = 	snop  }
0x4: {  	_ = 	snop  }
0x5: {  	_ = 	snop  }
0x6: {  	_ = 	snop  }
0x7: {  	_ = 	snop  }
__scs_overlays_trampoline_lowered:
0x8: {  	[smem:$0x3FA3] =	sst s0  }
0x9: {  	[smem:$0x3FA4] =	sst s1  }
0xa: {  	[smem:$0x3FA5] =	sst s2  }
0xb: {  	[smem:$0x3FA6] =	sst s3  }
0xc: {  	[smem:$0x3FA7] =	sst s4  }
0xd: {  	[smem:$0x3FA8] =	sst s5  }
0xe: {  	[smem:$0x3FA9] =	sst s6  }
0xf: {  	[smem:$0x3FAA] =	sst s7  }
0x10: {  	[smem:$0x3FAB] =	sst s8  }
0x11: {  	[smem:$0x3FAC] =	sst s9;
	s0 =	simm.s32 @!p0 $0x0  }
0x12: {  	s1 =	sld [smem:$0x3F92];
	s0 =	simm.s32 @p0 $0x1  }
0x13: {  	[smem:$0x3FAD] =	sst s0;
	s0 =	simm.s32 @!p1 $0x0  }
0x14: {  	s2 =	sld [smem:$0x3F91];
	s0 =	simm.s32 @p1 $0x1  }
0x15: {  	[smem:$0x3FAE] =	sst s0;
	s0 =	simm.s32 @!p2 $0x0  }
0x16: {  	s3 =	sld [smem:$0x3FDB];
	s0 =	simm.s32 @p2 $0x1  }
0x17: {  	s4 =	simm.s32 $0x1BF5;
	[smem:$0x3FB0] =	sst s0  }
0x18: {  	s0 =	sld [smem:$0x3F93];
	_ =	swait.ge [sflag:s4], $0x0  }
0x19: {  	s7 =	sld [smem:$0x3F94]  }
0x1a: {  	s8 =	sadd.s32 $0xFFFFE003, lr  }
0x1b: {  	s9 =	sadd.s32 $0xFFFFFEF7, lr;
	s5 =	simm.s32 $0xFFFFFFFF;
	p2 =	slt.u32 s8, $0xFFFFF086  }
0x1c: {  	p1 =	slt.u32 s9, $0xF7A;
	s5 =	simm.s32 @!p2 $0x0  }
0x1d: {  	s5 =	simm.s32 @p1 $0x1;
	p0 =	seq.s32 s7, s2  }
0x1e: {  	s7 =	smul.u32 @!p0 $0xF7A, s2;
	p2 =	seq.s32 @!p0 s5, $0x0  }
0x1f: {  	s9 =	smul.u32 $0xF7A, s1;
	s8 =	simm.s32 @!p0 $0x1BF5;
	p2 =	por !p2, p0  }
0x20: {  	[sflag:s8] =	ssyncset.s32 @!p0 $0xFFFFF086;
	s6 =	sadd.s32 @!p0 s3, s7;
	s7 =	simm.s32 @!p0 $0x108  }
0x21: {  	s3 =	sadd.s32 s3, s9;
	s6 =	sadd.s32 @!p0 $0x88, s6;
	s7 =	simm.s32 @p2 $0x1082  }
0x22: {  	[simem:s7], [sflag:s8] =	dma.local @!p0 [hbm:s6], $0xF7A  }
0x23: {  	s9 =	sor.u32 $0xD0000000, s2;
	s6 =	simm.s32 $0x108;
	_ =	swait.ge @!p0 [sflag:s8], $0x0  }
0x24: {  	s3 =	sadd.s32 $0x88, s3;
	s6 =	simm.s32 @!p1 $0x1082;
	[sflag:s4] =	ssyncset.s32 $0xFFFFF086  }
0x25: {  	[simem:s6], [sflag:s4] =	dma.local [hbm:s3], $0xF7A  }
0x26: {  	[smem:$0x3F94] =	sst s1;
	(tag) =	ssettag s2;
	_ =	strace s9  }
0x27: {  	s1 =	sld [smem:$0x3FA4]  }
0x28: {  	s2 =	sld [smem:$0x3FA5]  }
0x29: {  	s4 =	sld [smem:$0x3FA7]  }
0x2a: {  	p0 =	seq.s32 s5, $0x0;
	s5 =	sld [smem:$0x3FA8]  }
0x2b: {  	s6 =	sld [smem:$0x3FA9]  }
0x2c: {  	s7 =	sld [smem:$0x3FAA]  }
0x2d: {  	s3 =	simm.s32 $0x108;
	s8 =	sld [smem:$0x3FAB]  }
0x2e: {  	s3 =	simm.s32 @!p0 $0x1082;
	s9 =	sld [smem:$0x3FAC]  }
0x2f: {  	lr =	sadd.s32 s0, s3;
	s0 =	sld [smem:$0x3FA3]  }
0x30: {  	s3 =	sld [smem:$0x3FA6]  }
0x31: {  	[smem:$0x3FAF] =	sst s10  }
0x32: {  	s10 =	sld [smem:$0x3FAD];
	_ =	sdelay $0x3  }
0x33: {  	p0 =	seq.s32 s10, $0x1;
	s10 =	sld [smem:$0x3FAF];
	_ =	sdelay $0x3  }
0x34: {  	[smem:$0x3FAF] =	sst s10  }
0x35: {  	s10 =	sld [smem:$0x3FAE];
	_ =	sdelay $0x3  }
0x36: {  	p1 =	seq.s32 s10, $0x1;
	s10 =	sld [smem:$0x3FAF];
	_ =	sdelay $0x3  }
0x37: {  	[smem:$0x3FAF] =	sst s10  }
0x38: {  	s10 =	sld [smem:$0x3FB0]  }
0x39: {  	_ = 	snop;
	(pc) =	sbr.ind lr, $3  }
0x3a: {  	_ = 	snop  }
0x3b: {  	_ = 	snop  }
0x3c: {  	p2 =	seq.s32 s10, $0x1;
	s10 =	sld [smem:$0x3FAF]  }
0x3d: {  	_ =	shalt  }
0x3e: {  	_ =	shalt  }
0x3f: {  	_ =	shalt  }
0x40: {  	_ =	shalt  }
0x41: {  	_ =	shalt  }
0x42: {  	_ =	shalt  }
0x43: {  	_ =	shalt  }
0x44: {  	_ =	shalt  }
0x45: {  	_ =	shalt  }
0x46: {  	_ =	shalt  }
0x47: {  	_ =	shalt  }
0x48: {  	_ =	shalt  }
0x49: {  	_ =	shalt  }
0x4a: {  	_ =	shalt  }
0x4b: {  	_ =	shalt  }
0x4c: {  	_ =	shalt  }
0x4d: {  	_ =	shalt  }
0x4e: {  	_ =	shalt  }
0x4f: {  	_ =	shalt  }
0x50: {  	_ =	shalt  }
0x51: {  	_ =	shalt  }
0x52: {  	_ =	shalt  }
0x53: {  	_ =	shalt  }
0x54: {  	_ =	shalt  }
0x55: {  	_ =	shalt  }
0x56: {  	_ =	shalt  }
0x57: {  	_ =	shalt  }
0x58: {  	_ =	shalt  }
0x59: {  	_ =	shalt  }
0x5a: {  	_ =	shalt  }
0x5b: {  	_ =	shalt  }
0x5c: {  	_ =	shalt  }
0x5d: {  	_ =	shalt  }
0x5e: {  	_ =	shalt  }
0x5f: {  	_ =	shalt  }
0x60: {  	_ =	shalt  }
0x61: {  	_ =	shalt  }
0x62: {  	_ =	shalt  }
0x63: {  	_ =	shalt  }
0x64: {  	_ =	shalt  }
0x65: {  	_ =	shalt  }
0x66: {  	_ =	shalt  }
0x67: {  	_ =	shalt  }
0x68: {  	_ =	shalt  }
0x69: {  	_ =	shalt  }
0x6a: {  	_ =	shalt  }
0x6b: {  	_ =	shalt  }
0x6c: {  	_ =	shalt  }
0x6d: {  	_ =	shalt  }
0x6e: {  	_ =	shalt  }
0x6f: {  	_ =	shalt  }
0x70: {  	_ =	shalt  }
0x71: {  	_ =	shalt  }
0x72: {  	_ =	shalt  }
0x73: {  	_ =	shalt  }
0x74: {  	_ =	shalt  }
0x75: {  	_ =	shalt  }
0x76: {  	_ =	shalt  }
0x77: {  	_ =	shalt  }
0x78: {  	_ =	shalt  }
0x79: {  	_ =	shalt  }
0x7a: {  	_ =	shalt  }
0x7b: {  	_ =	shalt  }
0x7c: {  	_ =	shalt  }
0x7d: {  	_ =	shalt  }
0x7e: {  	_ =	shalt  }
0x7f: {  	_ =	shalt  }
0x80: {  	_ =	shalt  }
0x81: {  	_ =	shalt  }
0x82: {  	_ =	shalt  }
0x83: {  	_ =	shalt  }
0x84: {  	_ =	shalt  }
0x85: {  	_ =	shalt  }
0x86: {  	_ =	shalt  }
0x87: {  	_ =	shalt  }
.Lfunc_end0:
.L_simem_size_0:
called_computation.1_lowered:
.L_overlay_start_0:
0x88: {  	s2 =	sld [smem:$0x3FD9]  }
0x89: {  	s3 =	sld [smem:$0x3FFE];
	_ =	sdelay $0x1  }
0x8a: {  	s1 =	srdreg.scid  }
0x8b: {  	s0 =	sand.u32 $0x1, s1  }
0x8c: {  	s17 =	sshll.u32 s0, $0xA;
	s2 =	sadd.s32 s3, s2  }
0x8d: {  	s2 =	sadd.s32 s2, s17  }
0x8e: {  	[smem:$0x3FBB] =	sst s2  }
0x8f: {  	_ = 	snop  }
0x90: {  	s18 =	sld [smem:$0x3FD0];
	(tm) =	ssettm $0x1  }
0x91: {  	s19 =	sld [smem:$0x3FFB];
	_ =	sdelay $0x3  }
0x92: {  	_ =	strace s19  }
0x93: {  	s2 =	sld [smem:$0x3FFC];
	_ =	sdelay $0x3  }
0x94: {  	_ =	strace s2  }
0x95: {  	s2 =	sld [smem:$0x3FFD];
	_ =	sdelay $0x3  }
0x96: {  	_ =	strace s2  }
0x97: {  	_ =	strace $0x8FFFFFFF  }
0x98: {  	s20 =	sld [smem:$0x3FDB];
	_ =	sdelay $0x1  }
0x99: {  	s4 =	simm.s32 $_scs_section_size  }
0x9a: {  	s5 =	simm.s32 $_size__tile_overlayer_lowered;
	s6 =	simm.s32 $_tile_overlayer_lowered  }
0x9b: {  	s7 =	simm.s32 $0x1BFF;
	s21 =	sshll.u32 s6, $0x1;
	s4 =	sadd.s32 s4, s20  }
0x9c: {  	s22 =	simm.s32 $0x0;
	s5 =	sshll.u32 s5, $0x1;
	s6 =	sadd.s32 s21, s4  }
0x9d: {  	[timem:s22], [sflag:s7] =	dma.local [hbm:s6], s5  }
0x9e: {  	_ =	swait.ge [sflag:s7], s5  }
0x9f: {  	s5 =	ssub.s32 $0x0, s5;
	[sflag:s7] =	ssyncset.done $0x0  }
0xa0: {  	[sflag:s7] =	ssyncadd.s32 s5;
	_ =	sdelay $0x1  }
0xa1: {  	s23 =	simm.s32 $0x1B8B  }
0xa2: {  	_ =	swait.ge [sflag:s23], $0x1  }
0xa3: {  	[sflag:s23] =	ssyncset.done $0x0  }
0xa4: {  	[sflag:s23] =	ssyncadd.s32 $0xFFFFFFFF  }
0xa5: {  	s5 =	sld [smem:$0x0]  }
0xa6: {  	s6 =	sand.u32 $0xFFFFFFFE, s1  }
0xa7: {  	p0 =	sne.s32 s1, s6  }
0xa8: {  	s6 =	sshll.u32 @p0 s6, $0xE  }
0xa9: {  	s6 =	sadd.s32 @p0 $0x11B8D, s6;
	s7 =	sshll.u32 @p0 s5, $0x11  }
0xaa: {  	s6 =	sor.u32 @p0 s7, s6  }
0xab: {  	[sflag:s6] =	ssyncadd.remote.s32 @p0 $0x1;
	_ =	sdelay $0x1  }
0xac: {  	s6 =	simm.s32 @p0 $0x1B8D  }
0xad: {  	_ =	swait.eq @p0 [sflag:s6], $0x1  }
0xae: {  	[sflag:s6] =	ssyncadd.s32 @p0 $0xFFFFFFFF  }
0xaf: {  	s7 =	sshll.u32 @!p0 s1, $0xE  }
0xb0: {  	s7 =	sor.u32 @!p0 $0x4000, s7;
	s6 =	simm.s32 @!p0 $0x1B8D  }
0xb1: {  	s5 =	sshll.u32 @!p0 s5, $0x11;
	s7 =	sadd.s32 @!p0 $0x11B8D, s7;
	_ =	swait.eq @!p0 [sflag:s6], $0x1  }
0xb2: {  	s5 =	sor.u32 @!p0 s5, s7;
	[sflag:s6] =	ssyncadd.s32 @!p0 $0xFFFFFFFF  }
0xb3: {  	s25 =	simm.s32 $0x1B8E;
	s24 =	sld [smem:$0x3FFE];
	[sflag:s5] =	ssyncadd.remote.s32 @!p0 $0x1  }
0xb4: {  	s26 =	simm.s32 $execute0_lowered;
	[smem:$0x3FD2] =	sst s25  }
0xb5: {  	s6 =	sshll.u32 s26, $0x1;
	_ =	strace $0x80000049;
	[dreg:$0x1] =	wrdreg $0xFFFFFFFF  }
0xb6: {  	s28 =	simm.s32 $_size_execute0_lowered;
	s4 =	sadd.s32 s4, s6;
	[dreg:$0x0] =	wrdreg $0x0  }
0xb7: {  	s6 =	sshll.u32 s28, $0x1;
	[dreg:$0x2] =	wrdreg s4  }
0xb8: {  	[dreg:$0x3] =	wrdreg s6  }
0xb9: {  	[dreg:$0x4] =	wrdreg $0xC0  }
0xba: {  	_ =	task [dreg:s22], $0x5FFFF  }
0xbb: {  	[dreg:$0x1] =	wrdreg $0xFFFFFFFF  }
0xbc: {  	[dreg:$0x0] =	wrdreg $0x60  }
0xbd: {  	[dreg:$0x2] =	wrdreg s18  }
0xbe: {  	[dreg:$0x3] =	wrdreg s24  }
0xbf: {  	[dreg:$0x4] =	wrdreg $0x9  }
0xc0: {  	_ =	task.clear_ibuf [dreg:s22], $0x5FFFF;
	_ =	strace $0x90000049  }
0xc1: {  	s29 =	simm.s32 $0x9;
	_ =	strace $0x8000004B  }
0xc2: {  	_ =	swait.ge [sflag:s29], $0x1  }
0xc3: {  	[sflag:s29] =	ssyncadd.s32 $0xFFFFFFFF  }
0xc4: {  	_ =	strace $0x9000004B  }
0xc5: {  	_ =	sfence  }
0xc6: {  	s30 =	sld [smem:$0x0];
	_ =	sdelay $0x2  }
0xc7: {  	s31 =	sshll.u32 s1, $0xD;
	s1 =	sshrl.u32 s1, $0x2  }
0xc8: {  	s4 =	sand.u32 $0x4000, s31;
	s1 =	sadd.s32 s1, s30  }
0xc9: {  	s0 =	sor.u32 s4, s0;
	s1 =	sshll.u32 s1, $0x11  }
0xca: {  	s0 =	sor.u32 s1, s0  }
0xcb: {  	s0 =	sadd.s32 $0x8F2B, s0  }
0xcc: {  	[sflag:s0] =	ssyncadd.remote.s32 $0x1  }
0xcd: {  	_ =	sfence.sel $0xFFFF  }
0xce: {  	[dreg:$0x0] =	wrdreg $0xFFFFFFFF;
	(pc) =	sbr.abs _section_cstart, $3  }
0xcf: {  	[dreg:$0x1] =	wrdreg $0xFFFFFFFF  }
0xd0: {  	_ =	task.clear_ibuf [dreg:s22], $0x2FFFF;
	_ =	strace $0x9FFFFFFF  }
0xd1: {  	(tm) =	ssettm $0x7FFFFFFF  }
tec
execute0_lowered:
.L_overlay_start_1:
0x0: {  	(tag) =	ssettag $0x1  }
0x1: {  	s1 =	srdreg.scid  }
0x2: {  	s0 =	stileid.u32;
	s2 =	rddreg [dreg:$0x0]  }
0x3: {  	s5 =	rddreg [dreg:$0x1];
	s3 =	simm.s32 $0x0;
	s12 =	simm.s32 $0x50  }
0x4: {  	s13 =	simm.s32 $0x12C0;
	s14 =	simm.s32 $0x17C0;
	s15 =	simm.s32 $0x1CC0  }
0x5: {  	s16 =	simm.s32 $0x21C0;
	s17 =	simm.s32 $0x26C0;
	s18 =	simm.s32 $0x1  }
0x6: {  	s19 =	simm.s32 $0x10;
	s20 =	simm.s32 $0x80;
	s21 =	simm.s32 $0x2  }
0x7: {  	s4 =	sand.u32 $0x1, s1;
	s26 =	sshll.u32 s0, $0x1;
	s7 =	smul.u32 $0x2580, s0  }
0x8: {  	s1 =	rddreg [dreg:$0x2];
	s11 =	smul.u32 $0x25800, s0;
	s6 =	sor.u32 s4, s26  }
0x9: {  	s22 =	simm.s32 $0x0;
	[smem:$0x7FF] =	sst s3;
	s6 =	smul.u32 $0x12C0, s6  }
0xa: {  	_ =	strace $0x8000004A;
	s8 =	smul.u32 $0x12C0, s4;
	s9 =	ssub.s32 $0x2, s4  }
0xb: {  	s29 =	smul.u32 $0x12C00, s4;
	s10 =	sshrl.u32 s9, $0x1;
	s6 =	sshrl.u32 s6, $0x3  }
0xc: {  	s7 =	sadd.s32 s8, s7;
	s28 =	ssub.s32 s9, s10;
	s6 =	sadd.s32 s6, s5  }
0xd: {  	s7 =	sshll.u32 s7, $0x4;
	s5 =	sadd.s32 $0x2EE600, s5;
	s4 =	sadd.s32 $0x2E4E00, s6  }
0xe: {  	s30 =	sadd.s32 s11, s5;
	s31 =	sadd.s32 s5, s7;
	s5 =	smax.u32 s28, $0x1  }
0xf: {  	s11 =	simm.s32 $0x3;
	s6 =	sadd.s32 s29, s30;
	s7 =	sadd.s32 $0x1400, s31  }
0x10: {  	s8 =	sadd.s32 $0xF00, s31;
	s9 =	sadd.s32 $0xA00, s31;
	s10 =	sadd.s32 $0x500, s31  }
.LBB2_1:
0x11: {  	[tilespmem:s3], [sflag:$0x3] =	stream.linear.gather [hbm4b:s4+s3], $0x12C0, $0x38;
	[tilespmem:$0x2BC0] =	vst v63  }
0x12: {  	_ =	swait.ge [sflag:s11], $0x12C0  }
0x13: {  	[sflag:s11] =	ssyncset.done $0x0  }
0x14: {  	s23 =	simm.s32 $0x0;
	[sflag:s11] =	ssyncadd.s32 $0xFFFFED40  }
0x15: {  	[tilespmem:s13], [sflag:$0x1] =	stream.indirect.gather [hbm4b:s2+s12], $0x10, s23, s12, $0xb8;
	[tilespmem:$0x2BC0] =	vst v63  }
0x16: {  	s30 =	simm.s32 $0x50  }
0x17: {  	[tilespmem:s14], [sflag:$0x1] =	stream.indirect.gather [hbm4b:s2+s12], $0x10, s30, s12, $0xb8;
	[tilespmem:$0x2BC0] =	vst v63  }
0x18: {  	s31 =	simm.s32 $0xA0  }
0x19: {  	[tilespmem:s15], [sflag:$0x1] =	stream.indirect.gather [hbm4b:s2+s12], $0x10, s31, s12, $0xb8;
	[tilespmem:$0x2BC0] =	vst v63  }
0x1a: {  	s24 =	simm.s32 $0xF0  }
0x1b: {  	[tilespmem:s16], [sflag:$0x1] =	stream.indirect.gather [hbm4b:s2+s12], $0x10, s24, s12, $0xb8;
	[tilespmem:$0x2BC0] =	vst v63  }
0x1c: {  	s25 =	simm.s32 $0x140  }
0x1d: {  	[tilespmem:s17], [sflag:$0x1] =	stream.indirect.gather [hbm4b:s2+s12], $0x10, s25, s12, $0xb8;
	[tilespmem:$0x2BC0] =	vst v63  }
0x1e: {  	_ =	swait.ge [sflag:s18], $0x500  }
0x1f: {  	[sflag:s18] =	ssyncset.done $0x0  }
0x20: {  	s26 =	sadd.s32 $0x0, s6;
	[sflag:s18] =	ssyncadd.s32 $0xFFFFFB00  }
0x21: {  	[hbm4b:s26+s19] =	stream.strided.scatter [tilespmem:s13], [sflag:$0x2], $0x500, s20, s19, $0x38;
	[tilespmem:$0x2BC0] =	vst v63  }
0x22: {  	_ =	swait.ge [sflag:s18], $0x500  }
0x23: {  	[sflag:s18] =	ssyncset.done $0x0  }
0x24: {  	s28 =	sadd.s32 $0x0, s10;
	[sflag:s18] =	ssyncadd.s32 $0xFFFFFB00  }
0x25: {  	[hbm4b:s28+s19] =	stream.strided.scatter [tilespmem:s14], [sflag:$0x2], $0x500, s20, s19, $0x38;
	[tilespmem:$0x2BC0] =	vst v63  }
0x26: {  	_ =	swait.ge [sflag:s18], $0x500  }
0x27: {  	[sflag:s18] =	ssyncset.done $0x0  }
0x28: {  	s29 =	sadd.s32 $0x0, s9;
	[sflag:s18] =	ssyncadd.s32 $0xFFFFFB00  }
0x29: {  	[hbm4b:s29+s19] =	stream.strided.scatter [tilespmem:s15], [sflag:$0x2], $0x500, s20, s19, $0x38;
	[tilespmem:$0x2BC0] =	vst v63  }
0x2a: {  	_ =	swait.ge [sflag:s18], $0x500  }
0x2b: {  	[sflag:s18] =	ssyncset.done $0x0  }
0x2c: {  	s30 =	sadd.s32 $0x0, s8;
	[sflag:s18] =	ssyncadd.s32 $0xFFFFFB00  }
0x2d: {  	[hbm4b:s30+s19] =	stream.strided.scatter [tilespmem:s16], [sflag:$0x2], $0x500, s20, s19, $0x38;
	[tilespmem:$0x2BC0] =	vst v63  }
0x2e: {  	_ =	swait.ge [sflag:s18], $0x500  }
0x2f: {  	[sflag:s18] =	ssyncset.done $0x0  }
0x30: {  	s31 =	sadd.s32 $0x0, s7;
	[sflag:s18] =	ssyncadd.s32 $0xFFFFFB00  }
0x31: {  	[hbm4b:s31+s19] =	stream.strided.scatter [tilespmem:s17], [sflag:$0x2], $0x500, s20, s19, $0x38;
	[tilespmem:$0x2BC0] =	vst v63  }
0x32: {  	_ =	swait.ge [sflag:s21], $0x500  }
0x33: {  	[sflag:s21] =	ssyncset.done $0x0  }
0x34: {  	[sflag:s21] =	ssyncadd.s32 $0xFFFFFB00  }
0x35: {  	_ =	swait.ge [sflag:s21], $0x500  }
0x36: {  	[sflag:s21] =	ssyncset.done $0x0  }
0x37: {  	[sflag:s21] =	ssyncadd.s32 $0xFFFFFB00  }
0x38: {  	_ =	swait.ge [sflag:s21], $0x500  }
0x39: {  	[sflag:s21] =	ssyncset.done $0x0  }
0x3a: {  	[sflag:s21] =	ssyncadd.s32 $0xFFFFFB00  }
0x3b: {  	_ =	swait.ge [sflag:s21], $0x500  }
0x3c: {  	[sflag:s21] =	ssyncset.done $0x0  }
0x3d: {  	[sflag:s21] =	ssyncadd.s32 $0xFFFFFB00  }
0x3e: {  	s23 =	simm.s32 $0x1900;
	_ =	swait.ge [sflag:s21], $0x500  }
0x3f: {  	s24 =	simm.s32 $0x2D0;
	s25 =	simm.s32 $0x3200;
	[sflag:s21] =	ssyncset.done $0x0  }
.LBB2_2:
0x40: {  	p0 =	sne.s32 s25, $0x11300;
	s26 =	sadd.s32 $0xFFFFFEC0, s24;
	[sflag:s21] =	ssyncadd.s32 $0xFFFFFB00  }
0x41: {  	[tilespmem:s13], [sflag:$0x1] =	stream.indirect.gather [hbm4b:s2+s12], $0x10, s26, s12, $0xb8;
	[tilespmem:$0x2BC0] =	vst v63  }
0x42: {  	s28 =	smov.u32 s25;
	s25 =	sadd.s32 $0x1900, s25;
	s26 =	sadd.s32 $0xFFFFFF10, s24  }
0x43: {  	[tilespmem:s14], [sflag:$0x1] =	stream.indirect.gather [hbm4b:s2+s12], $0x10, s26, s12, $0xb8;
	[tilespmem:$0x2BC0] =	vst v63  }
0x44: {  	s26 =	sadd.s32 $0xFFFFFF60, s24  }
0x45: {  	[tilespmem:s15], [sflag:$0x1] =	stream.indirect.gather [hbm4b:s2+s12], $0x10, s26, s12, $0xb8;
	[tilespmem:$0x2BC0] =	vst v63  }
0x46: {  	s26 =	sadd.s32 $0xFFFFFFB0, s24  }
0x47: {  	[tilespmem:s16], [sflag:$0x1] =	stream.indirect.gather [hbm4b:s2+s12], $0x10, s26, s12, $0xb8;
	[tilespmem:$0x2BC0] =	vst v63  }
0x48: {  	_ = 	snop  }
0x49: {  	[tilespmem:s17], [sflag:$0x1] =	stream.indirect.gather [hbm4b:s2+s12], $0x10, s24, s12, $0xb8;
	[tilespmem:$0x2BC0] =	vst v63  }
0x4a: {  	_ =	swait.ge [sflag:s18], $0x500  }
0x4b: {  	[sflag:s18] =	ssyncset.done $0x0  }
0x4c: {  	s26 =	sadd.s32 s23, s6;
	[sflag:s18] =	ssyncadd.s32 $0xFFFFFB00  }
0x4d: {  	[hbm4b:s26+s19] =	stream.strided.scatter [tilespmem:s13], [sflag:$0x2], $0x500, s20, s19, $0x38;
	[tilespmem:$0x2BC0] =	vst v63  }
0x4e: {  	_ =	swait.ge [sflag:s18], $0x500  }
0x4f: {  	[sflag:s18] =	ssyncset.done $0x0  }
0x50: {  	s26 =	sadd.s32 s23, s10;
	[sflag:s18] =	ssyncadd.s32 $0xFFFFFB00  }
0x51: {  	[hbm4b:s26+s19] =	stream.strided.scatter [tilespmem:s14], [sflag:$0x2], $0x500, s20, s19, $0x38;
	[tilespmem:$0x2BC0] =	vst v63  }
0x52: {  	_ =	swait.ge [sflag:s18], $0x500  }
0x53: {  	[sflag:s18] =	ssyncset.done $0x0  }
0x54: {  	s26 =	sadd.s32 s23, s9;
	[sflag:s18] =	ssyncadd.s32 $0xFFFFFB00  }
0x55: {  	[hbm4b:s26+s19] =	stream.strided.scatter [tilespmem:s15], [sflag:$0x2], $0x500, s20, s19, $0x38;
	[tilespmem:$0x2BC0] =	vst v63  }
0x56: {  	_ =	swait.ge [sflag:s18], $0x500  }
0x57: {  	[sflag:s18] =	ssyncset.done $0x0  }
0x58: {  	s26 =	sadd.s32 s23, s8;
	[sflag:s18] =	ssyncadd.s32 $0xFFFFFB00  }
0x59: {  	[hbm4b:s26+s19] =	stream.strided.scatter [tilespmem:s16], [sflag:$0x2], $0x500, s20, s19, $0x38;
	[tilespmem:$0x2BC0] =	vst v63  }
0x5a: {  	_ =	swait.ge [sflag:s18], $0x500  }
0x5b: {  	[sflag:s18] =	ssyncset.done $0x0  }
0x5c: {  	s26 =	sadd.s32 s23, s7;
	s23 =	smov.u32 s28;
	[sflag:s18] =	ssyncadd.s32 $0xFFFFFB00  }
0x5d: {  	[hbm4b:s26+s19] =	stream.strided.scatter [tilespmem:s17], [sflag:$0x2], $0x500, s20, s19, $0x38;
	[tilespmem:$0x2BC0] =	vst v63  }
0x5e: {  	_ =	swait.ge [sflag:s21], $0x500  }
0x5f: {  	[sflag:s21] =	ssyncset.done $0x0  }
0x60: {  	[sflag:s21] =	ssyncadd.s32 $0xFFFFFB00  }
0x61: {  	_ =	swait.ge [sflag:s21], $0x500  }
0x62: {  	[sflag:s21] =	ssyncset.done $0x0  }
0x63: {  	[sflag:s21] =	ssyncadd.s32 $0xFFFFFB00  }
0x64: {  	_ =	swait.ge [sflag:s21], $0x500  }
0x65: {  	[sflag:s21] =	ssyncset.done $0x0  }
0x66: {  	[sflag:s21] =	ssyncadd.s32 $0xFFFFFB00  }
.Ltmp0:
0x67: {  	_ =	swait.ge [sflag:s21], $0x500;
	(pc) =	sbr.rel @p0 .LBB2_2-.Ltmp0, $4  }
0x68: {  	[sflag:s21] =	ssyncset.done $0x0  }
0x69: {  	[sflag:s21] =	ssyncadd.s32 $0xFFFFFB00  }
0x6a: {  	_ =	swait.ge [sflag:s21], $0x500  }
0x6b: {  	s24 =	sadd.s32 $0x190, s24;
	[sflag:s21] =	ssyncset.done $0x0  }
0x6c: {  	s25 =	sadd.s32 $0xFFFFFEC0, s24;
	[sflag:s21] =	ssyncadd.s32 $0xFFFFFB00  }
0x6d: {  	[tilespmem:s13], [sflag:$0x1] =	stream.indirect.gather [hbm4b:s2+s12], $0x10, s25, s12, $0xb8;
	[tilespmem:$0x2BC0] =	vst v63  }
0x6e: {  	s29 =	sadd.s32 $0xFFFFFF10, s24  }
0x6f: {  	[tilespmem:s14], [sflag:$0x1] =	stream.indirect.gather [hbm4b:s2+s12], $0x10, s29, s12, $0xb8;
	[tilespmem:$0x2BC0] =	vst v63  }
0x70: {  	s30 =	sadd.s32 $0xFFFFFF60, s24  }
0x71: {  	[tilespmem:s15], [sflag:$0x1] =	stream.indirect.gather [hbm4b:s2+s12], $0x10, s30, s12, $0xb8;
	[tilespmem:$0x2BC0] =	vst v63  }
0x72: {  	s31 =	sadd.s32 $0xFFFFFFB0, s24  }
0x73: {  	[tilespmem:s16], [sflag:$0x1] =	stream.indirect.gather [hbm4b:s2+s12], $0x10, s31, s12, $0xb8;
	[tilespmem:$0x2BC0] =	vst v63  }
0x74: {  	_ = 	snop  }
0x75: {  	[tilespmem:s17], [sflag:$0x1] =	stream.indirect.gather [hbm4b:s2+s12], $0x10, s24, s12, $0xb8;
	[tilespmem:$0x2BC0] =	vst v63  }
0x76: {  	_ =	swait.ge [sflag:s18], $0x500  }
0x77: {  	[sflag:s18] =	ssyncset.done $0x0  }
0x78: {  	s26 =	sadd.s32 s23, s6;
	[sflag:s18] =	ssyncadd.s32 $0xFFFFFB00  }
0x79: {  	[hbm4b:s26+s19] =	stream.strided.scatter [tilespmem:s13], [sflag:$0x2], $0x500, s20, s19, $0x38;
	[tilespmem:$0x2BC0] =	vst v63  }
0x7a: {  	_ =	swait.ge [sflag:s18], $0x500  }
0x7b: {  	[sflag:s18] =	ssyncset.done $0x0  }
0x7c: {  	s28 =	sadd.s32 s23, s10;
	[sflag:s18] =	ssyncadd.s32 $0xFFFFFB00  }
0x7d: {  	[hbm4b:s28+s19] =	stream.strided.scatter [tilespmem:s14], [sflag:$0x2], $0x500, s20, s19, $0x38;
	[tilespmem:$0x2BC0] =	vst v63  }
0x7e: {  	_ =	swait.ge [sflag:s18], $0x500  }
0x7f: {  	[sflag:s18] =	ssyncset.done $0x0  }
0x80: {  	s29 =	sadd.s32 s23, s9;
	[sflag:s18] =	ssyncadd.s32 $0xFFFFFB00  }
0x81: {  	[hbm4b:s29+s19] =	stream.strided.scatter [tilespmem:s15], [sflag:$0x2], $0x500, s20, s19, $0x38;
	[tilespmem:$0x2BC0] =	vst v63  }
0x82: {  	_ =	swait.ge [sflag:s18], $0x500  }
0x83: {  	[sflag:s18] =	ssyncset.done $0x0  }
0x84: {  	s30 =	sadd.s32 s23, s8;
	[sflag:s18] =	ssyncadd.s32 $0xFFFFFB00  }
0x85: {  	[hbm4b:s30+s19] =	stream.strided.scatter [tilespmem:s16], [sflag:$0x2], $0x500, s20, s19, $0x38;
	[tilespmem:$0x2BC0] =	vst v63  }
0x86: {  	_ =	swait.ge [sflag:s18], $0x500  }
0x87: {  	[sflag:s18] =	ssyncset.done $0x0  }
0x88: {  	s31 =	sadd.s32 s23, s7;
	[sflag:s18] =	ssyncadd.s32 $0xFFFFFB00  }
0x89: {  	[hbm4b:s31+s19] =	stream.strided.scatter [tilespmem:s17], [sflag:$0x2], $0x500, s20, s19, $0x38;
	[tilespmem:$0x2BC0] =	vst v63  }
0x8a: {  	_ =	swait.ge [sflag:s21], $0x500  }
0x8b: {  	[sflag:s21] =	ssyncset.done $0x0  }
0x8c: {  	[sflag:s21] =	ssyncadd.s32 $0xFFFFFB00  }
0x8d: {  	_ =	swait.ge [sflag:s21], $0x500  }
0x8e: {  	[sflag:s21] =	ssyncset.done $0x0  }
0x8f: {  	[sflag:s21] =	ssyncadd.s32 $0xFFFFFB00  }
0x90: {  	_ =	swait.ge [sflag:s21], $0x500  }
0x91: {  	[sflag:s21] =	ssyncset.done $0x0  }
0x92: {  	s22 =	sadd.s32 $0x1, s22;
	[sflag:s21] =	ssyncadd.s32 $0xFFFFFB00  }
0x93: {  	p0 =	sne.s32 s22, s5;
	_ =	swait.ge [sflag:s21], $0x500  }
.Ltmp1:
0x94: {  	[sflag:s21] =	ssyncset.done $0x0;
	(pc) =	sbr.rel @p0 .LBB2_1-.Ltmp1, $4  }
0x95: {  	[sflag:s21] =	ssyncadd.s32 $0xFFFFFB00  }
0x96: {  	_ =	swait.ge [sflag:s21], $0x500  }
0x97: {  	[sflag:s21] =	ssyncset.done $0x0  }
0x98: {  	[sflag:s21] =	ssyncadd.s32 $0xFFFFFB00  }
0x99: {  	_ =	sfence.sel $0x180000  }
0x9a: {  	[bflag:$0x0] =	sbarrier.arrive $0xFFFF  }
0x9b: {  	p0 =	sne.s32 s0, $0x0;
	_ =	strace $0x9000004A  }
0x9c: {  	s0 =	sadd.s32 @!p0 $0x100000, s1;
	[bflag:$0x2] =	sbarrier.arrive $0xFFFF  }
0x9d: {  	[sflag:s0] =	ssyncadd.tile.s32 @!p0 $0x1;
	_ =	shalt  }
.Lfunc_end2:
_tile_overlayer_lowered:
.L_overlay_start_2:
0x9e: {  	(tag) =	ssettag $0x2  }
0x9f: {  	s0 =	rddreg [dreg:$0x0];
	s2 =	stileid.u32  }
0xa0: {  	s1 =	rddreg [dreg:$0x1];
	p0 =	sne.s32 s2, $0x0  }
0xa1: {  	s3 =	rddreg [dreg:$0x2];
	[bflag:$0x3] =	sbarrier.arrive $0xFFFF;
	s2 =	simm.s32 @!p0 $0x1C03  }
0xa2: {  	[timem:s3], [sflag:s2] =	dma.local @!p0 [hbm:s0], s1  }
0xa3: {  	s0 =	simm.s32 @!p0 $0x3  }
0xa4: {  	_ =	swait.ge @!p0 [sflag:s0], s1  }
0xa5: {  	s1 =	ssub.s32 @!p0 $0x0, s1;
	[sflag:s0] =	ssyncset.done @!p0 $0x0  }
0xa6: {  	[sflag:s0] =	ssyncadd.s32 @!p0 s1  }
0xa7: {  	[bflag:$0x3] =	sbarrier.arrive $0xFFFF  }
0xa8: {  	_ =	shalt  }

// kernel: kernel.13.cloned.1.call-start
scs
__scs_entry_jumppad:
0x0: {  	(pc) =	sbr.rel $0x88, $3  }
0x1: {  	(tag) =	ssettag $0x0;
	lr =	simm.s32 $0x1  }
0x2: {  	[smem:$0x3F94] =	sst lr;
	_ =	strace $0xD0000000  }
0x3: {  	_ = 	snop  }
0x4: {  	_ = 	snop  }
0x5: {  	_ = 	snop  }
0x6: {  	_ = 	snop  }
0x7: {  	_ = 	snop  }
__scs_overlays_trampoline_lowered:
0x8: {  	[smem:$0x3FA3] =	sst s0  }
0x9: {  	[smem:$0x3FA4] =	sst s1  }
0xa: {  	[smem:$0x3FA5] =	sst s2  }
0xb: {  	[smem:$0x3FA6] =	sst s3  }
0xc: {  	[smem:$0x3FA7] =	sst s4  }
0xd: {  	[smem:$0x3FA8] =	sst s5  }
0xe: {  	[smem:$0x3FA9] =	sst s6  }
0xf: {  	[smem:$0x3FAA] =	sst s7  }
0x10: {  	[smem:$0x3FAB] =	sst s8  }
0x11: {  	[smem:$0x3FAC] =	sst s9;
	s0 =	simm.s32 @!p0 $0x0  }
0x12: {  	s1 =	sld [smem:$0x3F92];
	s0 =	simm.s32 @p0 $0x1  }
0x13: {  	[smem:$0x3FAD] =	sst s0;
	s0 =	simm.s32 @!p1 $0x0  }
0x14: {  	s2 =	sld [smem:$0x3F91];
	s0 =	simm.s32 @p1 $0x1  }
0x15: {  	[smem:$0x3FAE] =	sst s0;
	s0 =	simm.s32 @!p2 $0x0  }
0x16: {  	s3 =	sld [smem:$0x3FDB];
	s0 =	simm.s32 @p2 $0x1  }
0x17: {  	s4 =	simm.s32 $0x1BF5;
	[smem:$0x3FB0] =	sst s0  }
0x18: {  	s0 =	sld [smem:$0x3F93];
	_ =	swait.ge [sflag:s4], $0x0  }
0x19: {  	s7 =	sld [smem:$0x3F94]  }
0x1a: {  	s8 =	sadd.s32 $0xFFFFE003, lr  }
0x1b: {  	s9 =	sadd.s32 $0xFFFFFEF7, lr;
	s5 =	simm.s32 $0xFFFFFFFF;
	p2 =	slt.u32 s8, $0xFFFFF086  }
0x1c: {  	p1 =	slt.u32 s9, $0xF7A;
	s5 =	simm.s32 @!p2 $0x0  }
0x1d: {  	s5 =	simm.s32 @p1 $0x1;
	p0 =	seq.s32 s7, s2  }
0x1e: {  	s7 =	smul.u32 @!p0 $0xF7A, s2;
	p2 =	seq.s32 @!p0 s5, $0x0  }
0x1f: {  	s9 =	smul.u32 $0xF7A, s1;
	s8 =	simm.s32 @!p0 $0x1BF5;
	p2 =	por !p2, p0  }
0x20: {  	[sflag:s8] =	ssyncset.s32 @!p0 $0xFFFFF086;
	s6 =	sadd.s32 @!p0 s3, s7;
	s7 =	simm.s32 @!p0 $0x108  }
0x21: {  	s3 =	sadd.s32 s3, s9;
	s6 =	sadd.s32 @!p0 $0x88, s6;
	s7 =	simm.s32 @p2 $0x1082  }
0x22: {  	[simem:s7], [sflag:s8] =	dma.local @!p0 [hbm:s6], $0xF7A  }
0x23: {  	s9 =	sor.u32 $0xD0000000, s2;
	s6 =	simm.s32 $0x108;
	_ =	swait.ge @!p0 [sflag:s8], $0x0  }
0x24: {  	s3 =	sadd.s32 $0x88, s3;
	s6 =	simm.s32 @!p1 $0x1082;
	[sflag:s4] =	ssyncset.s32 $0xFFFFF086  }
0x25: {  	[simem:s6], [sflag:s4] =	dma.local [hbm:s3], $0xF7A  }
0x26: {  	[smem:$0x3F94] =	sst s1;
	(tag) =	ssettag s2;
	_ =	strace s9  }
0x27: {  	s1 =	sld [smem:$0x3FA4]  }
0x28: {  	s2 =	sld [smem:$0x3FA5]  }
0x29: {  	s4 =	sld [smem:$0x3FA7]  }
0x2a: {  	p0 =	seq.s32 s5, $0x0;
	s5 =	sld [smem:$0x3FA8]  }
0x2b: {  	s6 =	sld [smem:$0x3FA9]  }
0x2c: {  	s7 =	sld [smem:$0x3FAA]  }
0x2d: {  	s3 =	simm.s32 $0x108;
	s8 =	sld [smem:$0x3FAB]  }
0x2e: {  	s3 =	simm.s32 @!p0 $0x1082;
	s9 =	sld [smem:$0x3FAC]  }
0x2f: {  	lr =	sadd.s32 s0, s3;
	s0 =	sld [smem:$0x3FA3]  }
0x30: {  	s3 =	sld [smem:$0x3FA6]  }
0x31: {  	[smem:$0x3FAF] =	sst s10  }
0x32: {  	s10 =	sld [smem:$0x3FAD];
	_ =	sdelay $0x3  }
0x33: {  	p0 =	seq.s32 s10, $0x1;
	s10 =	sld [smem:$0x3FAF];
	_ =	sdelay $0x3  }
0x34: {  	[smem:$0x3FAF] =	sst s10  }
0x35: {  	s10 =	sld [smem:$0x3FAE];
	_ =	sdelay $0x3  }
0x36: {  	p1 =	seq.s32 s10, $0x1;
	s10 =	sld [smem:$0x3FAF];
	_ =	sdelay $0x3  }
0x37: {  	[smem:$0x3FAF] =	sst s10  }
0x38: {  	s10 =	sld [smem:$0x3FB0]  }
0x39: {  	_ = 	snop;
	(pc) =	sbr.ind lr, $3  }
0x3a: {  	_ = 	snop  }
0x3b: {  	_ = 	snop  }
0x3c: {  	p2 =	seq.s32 s10, $0x1;
	s10 =	sld [smem:$0x3FAF]  }
0x3d: {  	_ =	shalt  }
0x3e: {  	_ =	shalt  }
0x3f: {  	_ =	shalt  }
0x40: {  	_ =	shalt  }
0x41: {  	_ =	shalt  }
0x42: {  	_ =	shalt  }
0x43: {  	_ =	shalt  }
0x44: {  	_ =	shalt  }
0x45: {  	_ =	shalt  }
0x46: {  	_ =	shalt  }
0x47: {  	_ =	shalt  }
0x48: {  	_ =	shalt  }
0x49: {  	_ =	shalt  }
0x4a: {  	_ =	shalt  }
0x4b: {  	_ =	shalt  }
0x4c: {  	_ =	shalt  }
0x4d: {  	_ =	shalt  }
0x4e: {  	_ =	shalt  }
0x4f: {  	_ =	shalt  }
0x50: {  	_ =	shalt  }
0x51: {  	_ =	shalt  }
0x52: {  	_ =	shalt  }
0x53: {  	_ =	shalt  }
0x54: {  	_ =	shalt  }
0x55: {  	_ =	shalt  }
0x56: {  	_ =	shalt  }
0x57: {  	_ =	shalt  }
0x58: {  	_ =	shalt  }
0x59: {  	_ =	shalt  }
0x5a: {  	_ =	shalt  }
0x5b: {  	_ =	shalt  }
0x5c: {  	_ =	shalt  }
0x5d: {  	_ =	shalt  }
0x5e: {  	_ =	shalt  }
0x5f: {  	_ =	shalt  }
0x60: {  	_ =	shalt  }
0x61: {  	_ =	shalt  }
0x62: {  	_ =	shalt  }
0x63: {  	_ =	shalt  }
0x64: {  	_ =	shalt  }
0x65: {  	_ =	shalt  }
0x66: {  	_ =	shalt  }
0x67: {  	_ =	shalt  }
0x68: {  	_ =	shalt  }
0x69: {  	_ =	shalt  }
0x6a: {  	_ =	shalt  }
0x6b: {  	_ =	shalt  }
0x6c: {  	_ =	shalt  }
0x6d: {  	_ =	shalt  }
0x6e: {  	_ =	shalt  }
0x6f: {  	_ =	shalt  }
0x70: {  	_ =	shalt  }
0x71: {  	_ =	shalt  }
0x72: {  	_ =	shalt  }
0x73: {  	_ =	shalt  }
0x74: {  	_ =	shalt  }
0x75: {  	_ =	shalt  }
0x76: {  	_ =	shalt  }
0x77: {  	_ =	shalt  }
0x78: {  	_ =	shalt  }
0x79: {  	_ =	shalt  }
0x7a: {  	_ =	shalt  }
0x7b: {  	_ =	shalt  }
0x7c: {  	_ =	shalt  }
0x7d: {  	_ =	shalt  }
0x7e: {  	_ =	shalt  }
0x7f: {  	_ =	shalt  }
0x80: {  	_ =	shalt  }
0x81: {  	_ =	shalt  }
0x82: {  	_ =	shalt  }
0x83: {  	_ =	shalt  }
0x84: {  	_ =	shalt  }
0x85: {  	_ =	shalt  }
0x86: {  	_ =	shalt  }
0x87: {  	_ =	shalt  }
.Lfunc_end0:
.L_simem_size_0:
called_computation.2_lowered:
.L_overlay_start_0:
0x88: {  	s2 =	sld [smem:$0x3FD9]  }
0x89: {  	s3 =	sld [smem:$0x3FFE];
	_ =	sdelay $0x1  }
0x8a: {  	s1 =	srdreg.scid  }
0x8b: {  	s0 =	sand.u32 $0x1, s1  }
0x8c: {  	s17 =	sshll.u32 s0, $0xA;
	s2 =	sadd.s32 s3, s2  }
0x8d: {  	s2 =	sadd.s32 s2, s17  }
0x8e: {  	[smem:$0x3FBB] =	sst s2  }
0x8f: {  	_ = 	snop  }
0x90: {  	(tm) =	ssettm $0x1  }
0x91: {  	s18 =	sld [smem:$0x3FFB];
	_ =	sdelay $0x3  }
0x92: {  	_ =	strace s18  }
0x93: {  	s2 =	sld [smem:$0x3FFC];
	_ =	sdelay $0x3  }
0x94: {  	_ =	strace s2  }
0x95: {  	s2 =	sld [smem:$0x3FFD];
	_ =	sdelay $0x3  }
0x96: {  	_ =	strace s2  }
0x97: {  	_ =	strace $0x8FFFFFFF  }
0x98: {  	s19 =	sld [smem:$0x3FDB];
	_ =	sdelay $0x1  }
0x99: {  	s20 =	simm.s32 $_scs_section_size  }
0x9a: {  	s4 =	simm.s32 $_size__tile_overlayer_lowered;
	s5 =	simm.s32 $_tile_overlayer_lowered  }
0x9b: {  	s6 =	simm.s32 $0x1BFF;
	s21 =	sshll.u32 s5, $0x1;
	s3 =	sadd.s32 s20, s19  }
0x9c: {  	s22 =	simm.s32 $0x0;
	s4 =	sshll.u32 s4, $0x1;
	s5 =	sadd.s32 s21, s3  }
0x9d: {  	[timem:s22], [sflag:s6] =	dma.local [hbm:s5], s4  }
0x9e: {  	_ =	swait.ge [sflag:s6], s4  }
0x9f: {  	s4 =	ssub.s32 $0x0, s4;
	[sflag:s6] =	ssyncset.done $0x0  }
0xa0: {  	[sflag:s6] =	ssyncadd.s32 s4;
	_ =	sdelay $0x1  }
0xa1: {  	s23 =	simm.s32 $0x1B8B  }
0xa2: {  	_ =	swait.ge [sflag:s23], $0x1  }
0xa3: {  	[sflag:s23] =	ssyncset.done $0x0  }
0xa4: {  	[sflag:s23] =	ssyncadd.s32 $0xFFFFFFFF  }
0xa5: {  	s4 =	sld [smem:$0x0]  }
0xa6: {  	s5 =	sand.u32 $0xFFFFFFFE, s1  }
0xa7: {  	p0 =	sne.s32 s1, s5  }
0xa8: {  	s5 =	sshll.u32 @p0 s5, $0xE  }
0xa9: {  	s5 =	sadd.s32 @p0 $0x11B8D, s5;
	s6 =	sshll.u32 @p0 s4, $0x11  }
0xaa: {  	s5 =	sor.u32 @p0 s6, s5  }
0xab: {  	[sflag:s5] =	ssyncadd.remote.s32 @p0 $0x1;
	_ =	sdelay $0x1  }
0xac: {  	s5 =	simm.s32 @p0 $0x1B8D  }
0xad: {  	_ =	swait.eq @p0 [sflag:s5], $0x1  }
0xae: {  	[sflag:s5] =	ssyncadd.s32 @p0 $0xFFFFFFFF  }
0xaf: {  	s6 =	sshll.u32 @!p0 s1, $0xE  }
0xb0: {  	s6 =	sor.u32 @!p0 $0x4000, s6;
	s5 =	simm.s32 @!p0 $0x1B8D  }
0xb1: {  	s4 =	sshll.u32 @!p0 s4, $0x11;
	s6 =	sadd.s32 @!p0 $0x11B8D, s6;
	_ =	swait.eq @!p0 [sflag:s5], $0x1  }
0xb2: {  	s4 =	sor.u32 @!p0 s4, s6;
	[sflag:s5] =	ssyncadd.s32 @!p0 $0xFFFFFFFF  }
0xb3: {  	s25 =	simm.s32 $0x1B8E;
	s24 =	sld [smem:$0x3FFE];
	[sflag:s4] =	ssyncadd.remote.s32 @!p0 $0x1  }
0xb4: {  	s26 =	simm.s32 $execute0_lowered;
	[smem:$0x3FD2] =	sst s25  }
0xb5: {  	s5 =	sshll.u32 s26, $0x1;
	_ =	strace $0x8000004C;
	[dreg:$0x1] =	wrdreg $0xFFFFFFFF  }
0xb6: {  	s28 =	simm.s32 $_size_execute0_lowered;
	s3 =	sadd.s32 s3, s5;
	[dreg:$0x0] =	wrdreg $0x0  }
0xb7: {  	s5 =	sshll.u32 s28, $0x1;
	[dreg:$0x2] =	wrdreg s3  }
0xb8: {  	[dreg:$0x3] =	wrdreg s5  }
0xb9: {  	[dreg:$0x4] =	wrdreg $0xC0  }
0xba: {  	_ =	task [dreg:s22], $0x5FFFF  }
0xbb: {  	[dreg:$0x1] =	wrdreg $0xFFFFFFFF  }
0xbc: {  	[dreg:$0x0] =	wrdreg $0x60  }
0xbd: {  	[dreg:$0x2] =	wrdreg s24  }
0xbe: {  	[dreg:$0x3] =	wrdreg $0x46500  }
0xbf: {  	[dreg:$0x4] =	wrdreg $0xA  }
0xc0: {  	_ =	task.clear_ibuf [dreg:s22], $0x5FFFF;
	_ =	strace $0x9000004C  }
0xc1: {  	s29 =	simm.s32 $0xA;
	_ =	strace $0x8000004E  }
0xc2: {  	_ =	swait.ge [sflag:s29], $0x1  }
0xc3: {  	[sflag:s29] =	ssyncadd.s32 $0xFFFFFFFF  }
0xc4: {  	_ =	strace $0x9000004E  }
0xc5: {  	_ =	sfence  }
0xc6: {  	s30 =	sld [smem:$0x0];
	_ =	sdelay $0x2  }
0xc7: {  	s31 =	sshll.u32 s1, $0xD;
	s1 =	sshrl.u32 s1, $0x2  }
0xc8: {  	s4 =	sand.u32 $0x4000, s31;
	s1 =	sadd.s32 s1, s30  }
0xc9: {  	s0 =	sor.u32 s4, s0;
	s1 =	sshll.u32 s1, $0x11  }
0xca: {  	s0 =	sor.u32 s1, s0  }
0xcb: {  	s0 =	sadd.s32 $0x8F2B, s0  }
0xcc: {  	[sflag:s0] =	ssyncadd.remote.s32 $0x1  }
0xcd: {  	_ =	sfence.sel $0xFFFF  }
0xce: {  	[dreg:$0x0] =	wrdreg $0xFFFFFFFF;
	(pc) =	sbr.abs _section_cstart, $3  }
0xcf: {  	[dreg:$0x1] =	wrdreg $0xFFFFFFFF  }
0xd0: {  	_ =	task.clear_ibuf [dreg:s22], $0x2FFFF;
	_ =	strace $0x9FFFFFFF  }
0xd1: {  	(tm) =	ssettm $0x7FFFFFFF  }
tec
execute0_lowered:
.L_overlay_start_1:
0x0: {  	(tag) =	ssettag $0x1  }
0x1: {  	s0 =	srdreg.scid;
	s3 =	rddreg [dreg:$0x0]  }
0x2: {  	s12 =	stileid.u32;
	s2 =	rddreg [dreg:$0x1]  }
0x3: {  	s4 =	simm.s32 $0x0;
	s15 =	simm.s32 $0x2;
	s16 =	simm.s32 $0x20  }
0x4: {  	s17 =	simm.s32 $0x80;
	s18 =	simm.s32 $0x1450;
	s19 =	simm.s32 $0x1E50  }
0x5: {  	s20 =	simm.s32 $0x2850;
	s21 =	simm.s32 $0x3250;
	s22 =	simm.s32 $0x3C50  }
0x6: {  	s23 =	simm.s32 $0x1;
	s24 =	simm.s32 $0x50;
	s5 =	smul.u32 $0x28000, s12  }
0x7: {  	s28 =	simm.s32 $0x0;
	s1 =	sand.u32 $0x1, s0;
	s8 =	smul.u32 $0x28A0, s12  }
0x8: {  	s25 =	sshll.u32 s12, $0x1;
	[smem:$0x7FF] =	sst s4;
	s13 =	smul.u32 $0x28A00, s12  }
0x9: {  	s9 =	sadd.s32 $0x546600, s3;
	s4 =	sadd.s32 $0x50A00, s3;
	s6 =	smul.u32 $0x280000, s1  }
0xa: {  	s29 =	sshll.u32 s12, $0x6;
	s0 =	sor.u32 s1, s25;
	s10 =	smul.u32 $0x1450, s1  }
0xb: {  	_ =	strace $0x8000004D;
	s7 =	ssub.s32 $0x2, s1;
	s1 =	smul.u32 $0x14500, s1  }
0xc: {  	s0 =	smul.u32 $0x1450, s0;
	s26 =	sshrl.u32 s7, $0x1;
	s6 =	sadd.s32 s5, s6  }
0xd: {  	s11 =	ssub.s32 s7, s26;
	s5 =	sshrl.u32 s5, $0x2;
	s8 =	sadd.s32 s10, s8  }
0xe: {  	s0 =	sshrl.u32 s0, $0x3;
	s6 =	sshrl.u32 s6, $0x3;
	s14 =	sadd.s32 s5, s2  }
0xf: {  	s5 =	sor.u32 $0x1C02, s29;
	s30 =	sshll.u32 s8, $0x4;
	s8 =	smax.u32 s11, $0x1  }
0x10: {  	s0 =	sadd.s32 s0, s3;
	s3 =	sadd.s32 s6, s3;
	s31 =	sadd.s32 s9, s30  }
0x11: {  	s9 =	sadd.s32 s13, s9;
	s14 =	sshrl.u32 s14, $0x3;
	s6 =	sadd.s32 $0x55C00, s0  }
0x12: {  	s7 =	sadd.s32 $0x5AE00, s3;
	s0 =	sadd.s32 $0x1400, s31;
	s3 =	sadd.s32 $0xF00, s31  }
0x13: {  	s11 =	sadd.s32 $0xA00, s31;
	s12 =	sadd.s32 $0x500, s31;
	s13 =	sadd.s32 s1, s9  }
.LBB2_1:
0x14: {  	[spmem:s14], [sflag:s5] =	dma.local [hbm:s4], $0x1400  }
0x15: {  	_ =	swait.ge [sflag:s15], $0x1400  }
0x16: {  	[sflag:s15] =	ssyncset.done $0x0  }
0x17: {  	s1 =	simm.s32 $0x0;
	[sflag:s15] =	ssyncadd.s32 $0xFFFFEC00  }
0x18: {  	[tilespmem:s1], [sflag:$0x2] =	stream.linear.gather [hbm4b:s6+s1], $0x1450, $0x38;
	[tilespmem:$0xE650] =	vst v63  }
0x19: {  	_ =	swait.ge [sflag:s15], $0x1450  }
0x1a: {  	[sflag:s15] =	ssyncset.done $0x0  }
0x1b: {  	[sflag:s15] =	ssyncadd.s32 $0xFFFFEBB0  }
0x1c: {  	[bflag:$0x0] =	sbarrier.arrive $0xFFFF  }
0x1d: {  	[tilespmem:s18], [sflag:$0x1] =	stream.strided.gather [hbm4b:s13+s16], $0xA00, s17, s16, $0x38;
	[tilespmem:$0xE650] =	vst v63  }
0x1e: {  	_ = 	snop  }
0x1f: {  	[tilespmem:s19], [sflag:$0x1] =	stream.strided.gather [hbm4b:s12+s16], $0xA00, s17, s16, $0x38;
	[tilespmem:$0xE650] =	vst v63  }
0x20: {  	_ = 	snop  }
0x21: {  	[tilespmem:s20], [sflag:$0x1] =	stream.strided.gather [hbm4b:s11+s16], $0xA00, s17, s16, $0x38;
	[tilespmem:$0xE650] =	vst v63  }
0x22: {  	_ = 	snop  }
0x23: {  	[tilespmem:s21], [sflag:$0x1] =	stream.strided.gather [hbm4b:s3+s16], $0xA00, s17, s16, $0x38;
	[tilespmem:$0xE650] =	vst v63  }
0x24: {  	_ = 	snop  }
0x25: {  	[tilespmem:s22], [sflag:$0x1] =	stream.strided.gather [hbm4b:s0+s16], $0xA00, s17, s16, $0x38;
	[tilespmem:$0xE650] =	vst v63  }
0x26: {  	_ =	swait.ge [sflag:s23], $0xA00  }
0x27: {  	[sflag:s23] =	ssyncset.done $0x0  }
0x28: {  	s26 =	simm.s32 $0x0;
	[sflag:s23] =	ssyncadd.s32 $0xFFFFF600  }
0x29: {  	[spmem:s2] =	stream.indirect.scatter.add.f32 [tilespmem:s18], [sflag:$0x2], $0x20, s26, s24, $0xb8;
	[tilespmem:$0xE650] =	vst v63  }
0x2a: {  	_ =	swait.ge [sflag:s15], $0xA00  }
0x2b: {  	[sflag:s15] =	ssyncset.done $0x0  }
0x2c: {  	[sflag:s15] =	ssyncadd.s32 $0xFFFFF600  }
0x2d: {  	_ =	swait.ge [sflag:s23], $0xA00  }
0x2e: {  	[sflag:s23] =	ssyncset.done $0x0  }
0x2f: {  	s9 =	simm.s32 $0x50;
	[sflag:s23] =	ssyncadd.s32 $0xFFFFF600  }
0x30: {  	[spmem:s2] =	stream.indirect.scatter.add.f32 [tilespmem:s19], [sflag:$0x2], $0x20, s9, s24, $0xb8;
	[tilespmem:$0xE650] =	vst v63  }
0x31: {  	_ =	swait.ge [sflag:s15], $0xA00  }
0x32: {  	[sflag:s15] =	ssyncset.done $0x0  }
0x33: {  	[sflag:s15] =	ssyncadd.s32 $0xFFFFF600  }
0x34: {  	_ =	swait.ge [sflag:s23], $0xA00  }
0x35: {  	[sflag:s23] =	ssyncset.done $0x0  }
0x36: {  	s10 =	simm.s32 $0xA0;
	[sflag:s23] =	ssyncadd.s32 $0xFFFFF600  }
0x37: {  	[spmem:s2] =	stream.indirect.scatter.add.f32 [tilespmem:s20], [sflag:$0x2], $0x20, s10, s24, $0xb8;
	[tilespmem:$0xE650] =	vst v63  }
0x38: {  	_ =	swait.ge [sflag:s15], $0xA00  }
0x39: {  	[sflag:s15] =	ssyncset.done $0x0  }
0x3a: {  	[sflag:s15] =	ssyncadd.s32 $0xFFFFF600  }
0x3b: {  	_ =	swait.ge [sflag:s23], $0xA00  }
0x3c: {  	[sflag:s23] =	ssyncset.done $0x0  }
0x3d: {  	s25 =	simm.s32 $0xF0;
	[sflag:s23] =	ssyncadd.s32 $0xFFFFF600  }
0x3e: {  	[spmem:s2] =	stream.indirect.scatter.add.f32 [tilespmem:s21], [sflag:$0x2], $0x20, s25, s24, $0xb8;
	[tilespmem:$0xE650] =	vst v63  }
0x3f: {  	_ =	swait.ge [sflag:s15], $0xA00  }
0x40: {  	[sflag:s15] =	ssyncset.done $0x0  }
0x41: {  	[sflag:s15] =	ssyncadd.s32 $0xFFFFF600  }
0x42: {  	_ =	swait.ge [sflag:s23], $0xA00  }
0x43: {  	s29 =	simm.s32 $0x640;
	[sflag:s23] =	ssyncset.done $0x0  }
0x44: {  	s30 =	sadd.s32 $0x1900, s13;
	s26 =	simm.s32 $0x140;
	[sflag:s23] =	ssyncadd.s32 $0xFFFFF600  }
0x45: {  	[spmem:s2] =	stream.indirect.scatter.add.f32 [tilespmem:s22], [sflag:$0x2], $0x20, s26, s24, $0xb8;
	[tilespmem:$0xE650] =	vst v63  }
0x46: {  	s31 =	sadd.s32 $0x1900, s11;
	s1 =	sadd.s32 $0x1900, s12;
	_ =	swait.ge [sflag:s15], $0xA00  }
0x47: {  	s9 =	smov.u32 s0;
	s10 =	smov.u32 s3;
	[sflag:s15] =	ssyncset.done $0x0  }
.LBB2_2:
0x48: {  	[sflag:s15] =	ssyncadd.s32 $0xFFFFF600;
	s9 =	sadd.s32 $0x1900, s9;
	s10 =	sadd.s32 $0x1900, s10  }
0x49: {  	[tilespmem:s18], [sflag:$0x1] =	stream.strided.gather [hbm4b:s30+s16], $0xA00, s17, s16, $0x38;
	[tilespmem:$0xE650] =	vst v63  }
0x4a: {  	p0 =	sne.s32 s29, $0x4B00;
	s25 =	smov.u32 s29;
	s29 =	sadd.s32 $0x640, s29  }
0x4b: {  	[tilespmem:s19], [sflag:$0x1] =	stream.strided.gather [hbm4b:s1+s16], $0xA00, s17, s16, $0x38;
	[tilespmem:$0xE650] =	vst v63  }
0x4c: {  	_ = 	snop  }
0x4d: {  	[tilespmem:s20], [sflag:$0x1] =	stream.strided.gather [hbm4b:s31+s16], $0xA00, s17, s16, $0x38;
	[tilespmem:$0xE650] =	vst v63  }
0x4e: {  	_ = 	snop  }
0x4f: {  	[tilespmem:s21], [sflag:$0x1] =	stream.strided.gather [hbm4b:s10+s16], $0xA00, s17, s16, $0x38;
	[tilespmem:$0xE650] =	vst v63  }
0x50: {  	_ = 	snop  }
0x51: {  	[tilespmem:s22], [sflag:$0x1] =	stream.strided.gather [hbm4b:s9+s16], $0xA00, s17, s16, $0x38;
	[tilespmem:$0xE650] =	vst v63  }
0x52: {  	_ =	swait.ge [sflag:s23], $0xA00  }
0x53: {  	[sflag:s23] =	ssyncset.done $0x0  }
0x54: {  	s25 =	sshra.s32 s25, $0x2;
	[sflag:s23] =	ssyncadd.s32 $0xFFFFF600  }
0x55: {  	[spmem:s2] =	stream.indirect.scatter.add.f32 [tilespmem:s18], [sflag:$0x2], $0x20, s25, s24, $0xb8;
	[tilespmem:$0xE650] =	vst v63  }
0x56: {  	_ =	swait.ge [sflag:s15], $0xA00  }
0x57: {  	[sflag:s15] =	ssyncset.done $0x0  }
0x58: {  	[sflag:s15] =	ssyncadd.s32 $0xFFFFF600  }
0x59: {  	_ =	swait.ge [sflag:s23], $0xA00  }
0x5a: {  	[sflag:s23] =	ssyncset.done $0x0  }
0x5b: {  	s26 =	sadd.s32 $0x50, s25;
	[sflag:s23] =	ssyncadd.s32 $0xFFFFF600  }
0x5c: {  	[spmem:s2] =	stream.indirect.scatter.add.f32 [tilespmem:s19], [sflag:$0x2], $0x20, s26, s24, $0xb8;
	[tilespmem:$0xE650] =	vst v63  }
0x5d: {  	_ =	swait.ge [sflag:s15], $0xA00  }
0x5e: {  	[sflag:s15] =	ssyncset.done $0x0  }
0x5f: {  	[sflag:s15] =	ssyncadd.s32 $0xFFFFF600  }
0x60: {  	_ =	swait.ge [sflag:s23], $0xA00  }
0x61: {  	[sflag:s23] =	ssyncset.done $0x0  }
0x62: {  	s26 =	sadd.s32 $0xA0, s25;
	[sflag:s23] =	ssyncadd.s32 $0xFFFFF600  }
0x63: {  	[spmem:s2] =	stream.indirect.scatter.add.f32 [tilespmem:s20], [sflag:$0x2], $0x20, s26, s24, $0xb8;
	[tilespmem:$0xE650] =	vst v63  }
0x64: {  	_ =	swait.ge [sflag:s15], $0xA00  }
0x65: {  	[sflag:s15] =	ssyncset.done $0x0  }
0x66: {  	[sflag:s15] =	ssyncadd.s32 $0xFFFFF600  }
0x67: {  	_ =	swait.ge [sflag:s23], $0xA00  }
0x68: {  	[sflag:s23] =	ssyncset.done $0x0  }
0x69: {  	s26 =	sadd.s32 $0xF0, s25;
	[sflag:s23] =	ssyncadd.s32 $0xFFFFF600  }
0x6a: {  	[spmem:s2] =	stream.indirect.scatter.add.f32 [tilespmem:s21], [sflag:$0x2], $0x20, s26, s24, $0xb8;
	[tilespmem:$0xE650] =	vst v63  }
0x6b: {  	_ =	swait.ge [sflag:s15], $0xA00  }
0x6c: {  	[sflag:s15] =	ssyncset.done $0x0  }
0x6d: {  	[sflag:s15] =	ssyncadd.s32 $0xFFFFF600  }
0x6e: {  	_ =	swait.ge [sflag:s23], $0xA00  }
.Ltmp0:
0x6f: {  	[sflag:s23] =	ssyncset.done $0x0;
	(pc) =	sbr.rel @p0 .LBB2_2-.Ltmp0, $4  }
0x70: {  	s25 =	sadd.s32 $0x140, s25;
	[sflag:s23] =	ssyncadd.s32 $0xFFFFF600  }
0x71: {  	[spmem:s2] =	stream.indirect.scatter.add.f32 [tilespmem:s22], [sflag:$0x2], $0x20, s25, s24, $0xb8;
	[tilespmem:$0xE650] =	vst v63  }
0x72: {  	s30 =	sadd.s32 $0x1900, s30;
	_ =	swait.ge [sflag:s15], $0xA00  }
0x73: {  	s1 =	sadd.s32 $0x1900, s1;
	s31 =	sadd.s32 $0x1900, s31;
	[sflag:s15] =	ssyncset.done $0x0  }
0x74: {  	s28 =	sadd.s32 $0x1, s28  }
0x75: {  	[sflag:s15] =	ssyncadd.s32 $0xFFFFF600;
	s1 =	simm.s32 $0x10;
	p0 =	sne.s32 s28, s8  }
.Ltmp1:
0x76: {  	s9 =	simm.s32 $0x4;
	[bflag:$0x0] =	sbarrier.arrive $0xFFFF;
	(pc) =	sbr.rel @p0 .LBB2_1-.Ltmp1, $4  }
0x77: {  	[hbm:s7@s1], [sflag:s5] =	dma.strided [spmem:s14@s9], $0x1400, s23, $0x4   }
0x78: {  	_ =	swait.ge [sflag:s15], $0x1400  }
0x79: {  	[sflag:s15] =	ssyncset.done $0x0  }
0x7a: {  	[sflag:s15] =	ssyncadd.s32 $0xFFFFEC00  }
0x7b: {  	_ =	sfence.sel $0x180000  }
0x7c: {  	[bflag:$0x0] =	sbarrier.arrive $0xFFFF  }
0x7d: {  	_ =	strace $0x9000004D  }
0x7e: {  	s0 =	stileid.u32;
	[bflag:$0x2] =	sbarrier.arrive $0xFFFF  }
0x7f: {  	p0 =	sne.s32 s0, $0x0;
	s0 =	rddreg [dreg:$0x2]  }
0x80: {  	s0 =	sadd.s32 @!p0 $0x100000, s0  }
0x81: {  	[sflag:s0] =	ssyncadd.tile.s32 @!p0 $0x1;
	_ =	shalt  }
.Lfunc_end2:
_tile_overlayer_lowered:
.L_overlay_start_2:
0x82: {  	(tag) =	ssettag $0x2  }
0x83: {  	s0 =	rddreg [dreg:$0x0];
	s2 =	stileid.u32  }
0x84: {  	s1 =	rddreg [dreg:$0x1];
	p0 =	sne.s32 s2, $0x0  }
0x85: {  	s3 =	rddreg [dreg:$0x2];
	[bflag:$0x3] =	sbarrier.arrive $0xFFFF;
	s2 =	simm.s32 @!p0 $0x1C02  }
0x86: {  	[timem:s3], [sflag:s2] =	dma.local @!p0 [hbm:s0], s1  }
0x87: {  	s0 =	simm.s32 @!p0 $0x2  }
0x88: {  	_ =	swait.ge @!p0 [sflag:s0], s1  }
0x89: {  	s1 =	ssub.s32 @!p0 $0x0, s1;
	[sflag:s0] =	ssyncset.done @!p0 $0x0  }
0x8a: {  	[sflag:s0] =	ssyncadd.s32 @!p0 s1  }
0x8b: {  	[bflag:$0x3] =	sbarrier.arrive $0xFFFF  }
0x8c: {  	_ =	shalt  }

// kernel: kernel.16.cloned.1.call-start
scs
__scs_entry_jumppad:
0x0: {  	(pc) =	sbr.rel $0x88, $3  }
0x1: {  	(tag) =	ssettag $0x0;
	lr =	simm.s32 $0x1  }
0x2: {  	[smem:$0x3F94] =	sst lr;
	_ =	strace $0xD0000000  }
0x3: {  	_ = 	snop  }
0x4: {  	_ = 	snop  }
0x5: {  	_ = 	snop  }
0x6: {  	_ = 	snop  }
0x7: {  	_ = 	snop  }
__scs_overlays_trampoline_lowered:
0x8: {  	[smem:$0x3FA3] =	sst s0  }
0x9: {  	[smem:$0x3FA4] =	sst s1  }
0xa: {  	[smem:$0x3FA5] =	sst s2  }
0xb: {  	[smem:$0x3FA6] =	sst s3  }
0xc: {  	[smem:$0x3FA7] =	sst s4  }
0xd: {  	[smem:$0x3FA8] =	sst s5  }
0xe: {  	[smem:$0x3FA9] =	sst s6  }
0xf: {  	[smem:$0x3FAA] =	sst s7  }
0x10: {  	[smem:$0x3FAB] =	sst s8  }
0x11: {  	[smem:$0x3FAC] =	sst s9;
	s0 =	simm.s32 @!p0 $0x0  }
0x12: {  	s1 =	sld [smem:$0x3F92];
	s0 =	simm.s32 @p0 $0x1  }
0x13: {  	[smem:$0x3FAD] =	sst s0;
	s0 =	simm.s32 @!p1 $0x0  }
0x14: {  	s2 =	sld [smem:$0x3F91];
	s0 =	simm.s32 @p1 $0x1  }
0x15: {  	[smem:$0x3FAE] =	sst s0;
	s0 =	simm.s32 @!p2 $0x0  }
0x16: {  	s3 =	sld [smem:$0x3FDB];
	s0 =	simm.s32 @p2 $0x1  }
0x17: {  	s4 =	simm.s32 $0x1BF5;
	[smem:$0x3FB0] =	sst s0  }
0x18: {  	s0 =	sld [smem:$0x3F93];
	_ =	swait.ge [sflag:s4], $0x0  }
0x19: {  	s7 =	sld [smem:$0x3F94]  }
0x1a: {  	s8 =	sadd.s32 $0xFFFFE003, lr  }
0x1b: {  	s9 =	sadd.s32 $0xFFFFFEF7, lr;
	s5 =	simm.s32 $0xFFFFFFFF;
	p2 =	slt.u32 s8, $0xFFFFF086  }
0x1c: {  	p1 =	slt.u32 s9, $0xF7A;
	s5 =	simm.s32 @!p2 $0x0  }
0x1d: {  	s5 =	simm.s32 @p1 $0x1;
	p0 =	seq.s32 s7, s2  }
0x1e: {  	s7 =	smul.u32 @!p0 $0xF7A, s2;
	p2 =	seq.s32 @!p0 s5, $0x0  }
0x1f: {  	s9 =	smul.u32 $0xF7A, s1;
	s8 =	simm.s32 @!p0 $0x1BF5;
	p2 =	por !p2, p0  }
0x20: {  	[sflag:s8] =	ssyncset.s32 @!p0 $0xFFFFF086;
	s6 =	sadd.s32 @!p0 s3, s7;
	s7 =	simm.s32 @!p0 $0x108  }
0x21: {  	s3 =	sadd.s32 s3, s9;
	s6 =	sadd.s32 @!p0 $0x88, s6;
	s7 =	simm.s32 @p2 $0x1082  }
0x22: {  	[simem:s7], [sflag:s8] =	dma.local @!p0 [hbm:s6], $0xF7A  }
0x23: {  	s9 =	sor.u32 $0xD0000000, s2;
	s6 =	simm.s32 $0x108;
	_ =	swait.ge @!p0 [sflag:s8], $0x0  }
0x24: {  	s3 =	sadd.s32 $0x88, s3;
	s6 =	simm.s32 @!p1 $0x1082;
	[sflag:s4] =	ssyncset.s32 $0xFFFFF086  }
0x25: {  	[simem:s6], [sflag:s4] =	dma.local [hbm:s3], $0xF7A  }
0x26: {  	[smem:$0x3F94] =	sst s1;
	(tag) =	ssettag s2;
	_ =	strace s9  }
0x27: {  	s1 =	sld [smem:$0x3FA4]  }
0x28: {  	s2 =	sld [smem:$0x3FA5]  }
0x29: {  	s4 =	sld [smem:$0x3FA7]  }
0x2a: {  	p0 =	seq.s32 s5, $0x0;
	s5 =	sld [smem:$0x3FA8]  }
0x2b: {  	s6 =	sld [smem:$0x3FA9]  }
0x2c: {  	s7 =	sld [smem:$0x3FAA]  }
0x2d: {  	s3 =	simm.s32 $0x108;
	s8 =	sld [smem:$0x3FAB]  }
0x2e: {  	s3 =	simm.s32 @!p0 $0x1082;
	s9 =	sld [smem:$0x3FAC]  }
0x2f: {  	lr =	sadd.s32 s0, s3;
	s0 =	sld [smem:$0x3FA3]  }
0x30: {  	s3 =	sld [smem:$0x3FA6]  }
0x31: {  	[smem:$0x3FAF] =	sst s10  }
0x32: {  	s10 =	sld [smem:$0x3FAD];
	_ =	sdelay $0x3  }
0x33: {  	p0 =	seq.s32 s10, $0x1;
	s10 =	sld [smem:$0x3FAF];
	_ =	sdelay $0x3  }
0x34: {  	[smem:$0x3FAF] =	sst s10  }
0x35: {  	s10 =	sld [smem:$0x3FAE];
	_ =	sdelay $0x3  }
0x36: {  	p1 =	seq.s32 s10, $0x1;
	s10 =	sld [smem:$0x3FAF];
	_ =	sdelay $0x3  }
0x37: {  	[smem:$0x3FAF] =	sst s10  }
0x38: {  	s10 =	sld [smem:$0x3FB0]  }
0x39: {  	_ = 	snop;
	(pc) =	sbr.ind lr, $3  }
0x3a: {  	_ = 	snop  }
0x3b: {  	_ = 	snop  }
0x3c: {  	p2 =	seq.s32 s10, $0x1;
	s10 =	sld [smem:$0x3FAF]  }
0x3d: {  	_ =	shalt  }
0x3e: {  	_ =	shalt  }
0x3f: {  	_ =	shalt  }
0x40: {  	_ =	shalt  }
0x41: {  	_ =	shalt  }
0x42: {  	_ =	shalt  }
0x43: {  	_ =	shalt  }
0x44: {  	_ =	shalt  }
0x45: {  	_ =	shalt  }
0x46: {  	_ =	shalt  }
0x47: {  	_ =	shalt  }
0x48: {  	_ =	shalt  }
0x49: {  	_ =	shalt  }
0x4a: {  	_ =	shalt  }
0x4b: {  	_ =	shalt  }
0x4c: {  	_ =	shalt  }
0x4d: {  	_ =	shalt  }
0x4e: {  	_ =	shalt  }
0x4f: {  	_ =	shalt  }
0x50: {  	_ =	shalt  }
0x51: {  	_ =	shalt  }
0x52: {  	_ =	shalt  }
0x53: {  	_ =	shalt  }
0x54: {  	_ =	shalt  }
0x55: {  	_ =	shalt  }
0x56: {  	_ =	shalt  }
0x57: {  	_ =	shalt  }
0x58: {  	_ =	shalt  }
0x59: {  	_ =	shalt  }
0x5a: {  	_ =	shalt  }
0x5b: {  	_ =	shalt  }
0x5c: {  	_ =	shalt  }
0x5d: {  	_ =	shalt  }
0x5e: {  	_ =	shalt  }
0x5f: {  	_ =	shalt  }
0x60: {  	_ =	shalt  }
0x61: {  	_ =	shalt  }
0x62: {  	_ =	shalt  }
0x63: {  	_ =	shalt  }
0x64: {  	_ =	shalt  }
0x65: {  	_ =	shalt  }
0x66: {  	_ =	shalt  }
0x67: {  	_ =	shalt  }
0x68: {  	_ =	shalt  }
0x69: {  	_ =	shalt  }
0x6a: {  	_ =	shalt  }
0x6b: {  	_ =	shalt  }
0x6c: {  	_ =	shalt  }
0x6d: {  	_ =	shalt  }
0x6e: {  	_ =	shalt  }
0x6f: {  	_ =	shalt  }
0x70: {  	_ =	shalt  }
0x71: {  	_ =	shalt  }
0x72: {  	_ =	shalt  }
0x73: {  	_ =	shalt  }
0x74: {  	_ =	shalt  }
0x75: {  	_ =	shalt  }
0x76: {  	_ =	shalt  }
0x77: {  	_ =	shalt  }
0x78: {  	_ =	shalt  }
0x79: {  	_ =	shalt  }
0x7a: {  	_ =	shalt  }
0x7b: {  	_ =	shalt  }
0x7c: {  	_ =	shalt  }
0x7d: {  	_ =	shalt  }
0x7e: {  	_ =	shalt  }
0x7f: {  	_ =	shalt  }
0x80: {  	_ =	shalt  }
0x81: {  	_ =	shalt  }
0x82: {  	_ =	shalt  }
0x83: {  	_ =	shalt  }
0x84: {  	_ =	shalt  }
0x85: {  	_ =	shalt  }
0x86: {  	_ =	shalt  }
0x87: {  	_ =	shalt  }
.Lfunc_end0:
.L_simem_size_0:
called_computation.3_lowered:
.L_overlay_start_0:
0x88: {  	s2 =	sld [smem:$0x3FD9]  }
0x89: {  	s3 =	sld [smem:$0x3FFE];
	_ =	sdelay $0x1  }
0x8a: {  	s1 =	srdreg.scid  }
0x8b: {  	s0 =	sand.u32 $0x1, s1  }
0x8c: {  	s16 =	sshll.u32 s0, $0xA;
	s2 =	sadd.s32 s3, s2  }
0x8d: {  	s2 =	sadd.s32 s2, s16  }
0x8e: {  	[smem:$0x3FBB] =	sst s2  }
0x8f: {  	_ = 	snop  }
0x90: {  	(tm) =	ssettm $0x1  }
0x91: {  	s17 =	sld [smem:$0x3FFB];
	_ =	sdelay $0x3  }
0x92: {  	_ =	strace s17  }
0x93: {  	s2 =	sld [smem:$0x3FFC];
	_ =	sdelay $0x3  }
0x94: {  	_ =	strace s2  }
0x95: {  	s2 =	sld [smem:$0x3FFD];
	_ =	sdelay $0x3  }
0x96: {  	_ =	strace s2  }
0x97: {  	_ =	strace $0x8FFFFFFF  }
0x98: {  	s18 =	sld [smem:$0x3FDB];
	_ =	sdelay $0x1  }
0x99: {  	s19 =	simm.s32 $_scs_section_size  }
0x9a: {  	s4 =	simm.s32 $_size__tile_overlayer_lowered;
	s5 =	simm.s32 $_tile_overlayer_lowered  }
0x9b: {  	s22 =	simm.s32 $0x1BFF;
	s21 =	sshll.u32 s5, $0x1;
	s2 =	sadd.s32 s19, s18  }
0x9c: {  	s6 =	simm.s32 $0x0;
	s20 =	sshll.u32 s4, $0x1;
	s4 =	sadd.s32 s21, s2  }
0x9d: {  	[timem:s6], [sflag:s22] =	dma.local [hbm:s4], s20  }
0x9e: {  	_ =	swait.ge [sflag:s22], s20  }
0x9f: {  	s3 =	ssub.s32 $0x0, s20;
	[sflag:s22] =	ssyncset.done $0x0  }
0xa0: {  	[sflag:s22] =	ssyncadd.s32 s3;
	_ =	sdelay $0x1  }
0xa1: {  	s23 =	simm.s32 $0x1B8B  }
0xa2: {  	_ =	swait.ge [sflag:s23], $0x1  }
0xa3: {  	[sflag:s23] =	ssyncset.done $0x0  }
0xa4: {  	s25 =	simm.s32 $0x1B8E;
	s24 =	sld [smem:$0x3FFE];
	[sflag:s23] =	ssyncadd.s32 $0xFFFFFFFF  }
0xa5: {  	s26 =	simm.s32 $execute0_lowered;
	[smem:$0x3FD2] =	sst s25  }
0xa6: {  	s4 =	sshll.u32 s26, $0x1;
	_ =	strace $0x8000004F;
	[dreg:$0x1] =	wrdreg $0xFFFFFFFF  }
0xa7: {  	s28 =	simm.s32 $_size_execute0_lowered;
	s2 =	sadd.s32 s2, s4;
	[dreg:$0x0] =	wrdreg $0x0  }
0xa8: {  	s4 =	sshll.u32 s28, $0x1;
	[dreg:$0x2] =	wrdreg s2  }
0xa9: {  	[dreg:$0x3] =	wrdreg s4  }
0xaa: {  	[dreg:$0x4] =	wrdreg $0xC0  }
0xab: {  	_ =	task [dreg:s6], $0x5FFFF  }
0xac: {  	[dreg:$0x1] =	wrdreg $0xFFFFFFFF  }
0xad: {  	[dreg:$0x0] =	wrdreg $0x60  }
0xae: {  	[dreg:$0x2] =	wrdreg s24  }
0xaf: {  	[dreg:$0x3] =	wrdreg $0x44C00  }
0xb0: {  	[dreg:$0x4] =	wrdreg $0x9  }
0xb1: {  	_ =	task.clear_ibuf [dreg:s6], $0x5FFFF;
	_ =	strace $0x9000004F  }
0xb2: {  	s29 =	simm.s32 $0x9;
	_ =	strace $0x80000051  }
0xb3: {  	_ =	swait.ge [sflag:s29], $0x1  }
0xb4: {  	[sflag:s29] =	ssyncadd.s32 $0xFFFFFFFF  }
0xb5: {  	_ =	strace $0x90000051  }
0xb6: {  	_ =	sfence  }
0xb7: {  	s30 =	sld [smem:$0x0];
	_ =	sdelay $0x2  }
0xb8: {  	s31 =	sshll.u32 s1, $0xD;
	s1 =	sshrl.u32 s1, $0x2  }
0xb9: {  	s3 =	sand.u32 $0x4000, s31;
	s1 =	sadd.s32 s1, s30  }
0xba: {  	s0 =	sor.u32 s3, s0;
	s1 =	sshll.u32 s1, $0x11  }
0xbb: {  	s0 =	sor.u32 s1, s0  }
0xbc: {  	s0 =	sadd.s32 $0x8F2B, s0  }
0xbd: {  	[sflag:s0] =	ssyncadd.remote.s32 $0x1  }
0xbe: {  	_ =	sfence.sel $0xFFFF  }
0xbf: {  	[dreg:$0x0] =	wrdreg $0xFFFFFFFF;
	(pc) =	sbr.abs _section_cstart, $3  }
0xc0: {  	[dreg:$0x1] =	wrdreg $0xFFFFFFFF  }
0xc1: {  	_ =	task.clear_ibuf [dreg:s6], $0x2FFFF;
	_ =	strace $0x9FFFFFFF  }
0xc2: {  	(tm) =	ssettm $0x7FFFFFFF  }
0xc3: {  	_ =	shalt  }
tec
execute0_lowered:
.L_overlay_start_1:
0x0: {  	(tag) =	ssettag $0x1  }
0x1: {  	s0 =	srdreg.scid;
	s3 =	rddreg [dreg:$0x0]  }
0x2: {  	s11 =	stileid.u32;
	s2 =	rddreg [dreg:$0x1];
	s6 =	simm.s32 $0x0  }
0x3: {  	s15 =	simm.s32 $0x1;
	s16 =	simm.s32 $0x4;
	s17 =	simm.s32 $0x10  }
0x4: {  	s18 =	simm.s32 $0x2;
	s19 =	simm.s32 $0x20;
	s20 =	simm.s32 $0x80  }
0x5: {  	s21 =	simm.s32 $0x12C0;
	s22 =	simm.s32 $0x1CC0;
	s4 =	smul.u32 $0x28000, s11  }
0x6: {  	s28 =	simm.s32 $0x0;
	s1 =	sand.u32 $0x1, s0;
	s25 =	smul.u32 $0x2580, s11  }
0x7: {  	s23 =	sshll.u32 s11, $0x1;
	[smem:$0x7FF] =	sst s6;
	s13 =	smul.u32 $0x25800, s11  }
0x8: {  	s9 =	sadd.s32 $0x7D0600, s3;
	s26 =	sshll.u32 s11, $0x6;
	s5 =	smul.u32 $0x280000, s1  }
0x9: {  	s0 =	sor.u32 s1, s23;
	_ =	strace $0x80000050;
	s8 =	smul.u32 $0x12C0, s1  }
0xa: {  	s24 =	ssub.s32 $0x2, s1;
	s1 =	smul.u32 $0x12C00, s1;
	s23 =	simm.s32 $0x26C0  }
0xb: {  	s0 =	smul.u32 $0x12C0, s0;
	s7 =	sshrl.u32 s24, $0x1;
	s5 =	sadd.s32 s4, s5  }
0xc: {  	s4 =	sshrl.u32 s4, $0x2;
	s10 =	ssub.s32 s24, s7;
	s8 =	sadd.s32 s8, s25  }
0xd: {  	s24 =	simm.s32 $0x30C0;
	s25 =	simm.s32 $0x3AC0;
	s0 =	sshrl.u32 s0, $0x3  }
0xe: {  	s5 =	sshrl.u32 s5, $0x3;
	s14 =	sadd.s32 s4, s2;
	s30 =	sshll.u32 s8, $0x4  }
0xf: {  	s8 =	smax.u32 s10, $0x1;
	s0 =	sadd.s32 s0, s3;
	s3 =	sadd.s32 s5, s3  }
0x10: {  	s5 =	sor.u32 $0x1C02, s26;
	s31 =	sadd.s32 s9, s30;
	s9 =	sadd.s32 s13, s9  }
0x11: {  	s14 =	sshrl.u32 s14, $0x3;
	s26 =	simm.s32 $0x50;
	s29 =	sadd.s32 $0x5AE00, s3  }
0x12: {  	s0 =	sadd.s32 $0x2E9A00, s0;
	s7 =	sadd.s32 $0xFAE00, s3;
	s3 =	sadd.s32 $0xF00, s31  }
0x13: {  	s11 =	sadd.s32 $0xA00, s31;
	s12 =	sadd.s32 $0x500, s31;
	[dreg:$0x3] =	wrdreg s29  }
0x14: {  	s13 =	sadd.s32 s1, s9;
	[dreg:$0x4] =	wrdreg s0;
	s0 =	sadd.s32 $0x1400, s31  }
.LBB2_1:
0x15: {  	s1 =	rddreg [dreg:$0x3]  }
0x16: {  	[spmem:s14@s16], [sflag:s5] =	dma.strided [hbm:s1@s17], $0x1400, s15, $0x4   }
0x17: {  	_ =	swait.ge [sflag:s18], $0x1400  }
0x18: {  	[sflag:s18] =	ssyncset.done $0x0  }
0x19: {  	s9 =	simm.s32 $0x0;
	s4 =	rddreg [dreg:$0x4];
	[sflag:s18] =	ssyncadd.s32 $0xFFFFEC00  }
0x1a: {  	[tilespmem:s9], [sflag:$0x2] =	stream.linear.gather [hbm4b:s4+s9], $0x12C0, $0x38;
	[tilespmem:$0xE4C0] =	vst v63  }
0x1b: {  	_ =	swait.ge [sflag:s18], $0x12C0  }
0x1c: {  	[sflag:s18] =	ssyncset.done $0x0  }
0x1d: {  	[sflag:s18] =	ssyncadd.s32 $0xFFFFED40  }
0x1e: {  	[bflag:$0x0] =	sbarrier.arrive $0xFFFF  }
0x1f: {  	[tilespmem:s21], [sflag:$0x1] =	stream.strided.gather [hbm4b:s13+s19], $0xA00, s20, s19, $0x38;
	[tilespmem:$0xE4C0] =	vst v63  }
0x20: {  	_ = 	snop  }
0x21: {  	[tilespmem:s22], [sflag:$0x1] =	stream.strided.gather [hbm4b:s12+s19], $0xA00, s20, s19, $0x38;
	[tilespmem:$0xE4C0] =	vst v63  }
0x22: {  	_ = 	snop  }
0x23: {  	[tilespmem:s23], [sflag:$0x1] =	stream.strided.gather [hbm4b:s11+s19], $0xA00, s20, s19, $0x38;
	[tilespmem:$0xE4C0] =	vst v63  }
0x24: {  	_ = 	snop  }
0x25: {  	[tilespmem:s24], [sflag:$0x1] =	stream.strided.gather [hbm4b:s3+s19], $0xA00, s20, s19, $0x38;
	[tilespmem:$0xE4C0] =	vst v63  }
0x26: {  	_ = 	snop  }
0x27: {  	[tilespmem:s25], [sflag:$0x1] =	stream.strided.gather [hbm4b:s0+s19], $0xA00, s20, s19, $0x38;
	[tilespmem:$0xE4C0] =	vst v63  }
0x28: {  	_ =	swait.ge [sflag:s15], $0xA00  }
0x29: {  	[sflag:s15] =	ssyncset.done $0x0  }
0x2a: {  	s10 =	simm.s32 $0x0;
	[sflag:s15] =	ssyncadd.s32 $0xFFFFF600  }
0x2b: {  	[spmem:s2] =	stream.indirect.scatter.add.f32 [tilespmem:s21], [sflag:$0x2], $0x20, s10, s26, $0xb8;
	[tilespmem:$0xE4C0] =	vst v63  }
0x2c: {  	_ =	swait.ge [sflag:s18], $0xA00  }
0x2d: {  	[sflag:s18] =	ssyncset.done $0x0  }
0x2e: {  	[sflag:s18] =	ssyncadd.s32 $0xFFFFF600  }
0x2f: {  	_ =	swait.ge [sflag:s15], $0xA00  }
0x30: {  	[sflag:s15] =	ssyncset.done $0x0  }
0x31: {  	s4 =	simm.s32 $0x50;
	[sflag:s15] =	ssyncadd.s32 $0xFFFFF600  }
0x32: {  	[spmem:s2] =	stream.indirect.scatter.add.f32 [tilespmem:s22], [sflag:$0x2], $0x20, s4, s26, $0xb8;
	[tilespmem:$0xE4C0] =	vst v63  }
0x33: {  	_ =	swait.ge [sflag:s18], $0xA00  }
0x34: {  	[sflag:s18] =	ssyncset.done $0x0  }
0x35: {  	[sflag:s18] =	ssyncadd.s32 $0xFFFFF600  }
0x36: {  	_ =	swait.ge [sflag:s15], $0xA00  }
0x37: {  	[sflag:s15] =	ssyncset.done $0x0  }
0x38: {  	s6 =	simm.s32 $0xA0;
	[sflag:s15] =	ssyncadd.s32 $0xFFFFF600  }
0x39: {  	[spmem:s2] =	stream.indirect.scatter.add.f32 [tilespmem:s23], [sflag:$0x2], $0x20, s6, s26, $0xb8;
	[tilespmem:$0xE4C0] =	vst v63  }
0x3a: {  	_ =	swait.ge [sflag:s18], $0xA00  }
0x3b: {  	[sflag:s18] =	ssyncset.done $0x0  }
0x3c: {  	[sflag:s18] =	ssyncadd.s32 $0xFFFFF600  }
0x3d: {  	_ =	swait.ge [sflag:s15], $0xA00  }
0x3e: {  	[sflag:s15] =	ssyncset.done $0x0  }
0x3f: {  	s9 =	simm.s32 $0xF0;
	[sflag:s15] =	ssyncadd.s32 $0xFFFFF600  }
0x40: {  	[spmem:s2] =	stream.indirect.scatter.add.f32 [tilespmem:s24], [sflag:$0x2], $0x20, s9, s26, $0xb8;
	[tilespmem:$0xE4C0] =	vst v63  }
0x41: {  	_ =	swait.ge [sflag:s18], $0xA00  }
0x42: {  	[sflag:s18] =	ssyncset.done $0x0  }
0x43: {  	[sflag:s18] =	ssyncadd.s32 $0xFFFFF600  }
0x44: {  	_ =	swait.ge [sflag:s15], $0xA00  }
0x45: {  	s29 =	simm.s32 $0x640;
	[sflag:s15] =	ssyncset.done $0x0  }
0x46: {  	s30 =	sadd.s32 $0x1900, s13;
	s10 =	simm.s32 $0x140;
	[sflag:s15] =	ssyncadd.s32 $0xFFFFF600  }
0x47: {  	[spmem:s2] =	stream.indirect.scatter.add.f32 [tilespmem:s25], [sflag:$0x2], $0x20, s10, s26, $0xb8;
	[tilespmem:$0xE4C0] =	vst v63  }
0x48: {  	s31 =	sadd.s32 $0x1900, s11;
	s1 =	sadd.s32 $0x1900, s12;
	_ =	swait.ge [sflag:s18], $0xA00  }
0x49: {  	s9 =	smov.u32 s0;
	s10 =	smov.u32 s3;
	[sflag:s18] =	ssyncset.done $0x0  }
.LBB2_2:
0x4a: {  	[sflag:s18] =	ssyncadd.s32 $0xFFFFF600;
	s9 =	sadd.s32 $0x1900, s9;
	s10 =	sadd.s32 $0x1900, s10  }
0x4b: {  	[tilespmem:s21], [sflag:$0x1] =	stream.strided.gather [hbm4b:s30+s19], $0xA00, s20, s19, $0x38;
	[tilespmem:$0xE4C0] =	vst v63  }
0x4c: {  	p0 =	sne.s32 s29, $0x44C0;
	s4 =	smov.u32 s29;
	s29 =	sadd.s32 $0x640, s29  }
0x4d: {  	[tilespmem:s22], [sflag:$0x1] =	stream.strided.gather [hbm4b:s1+s19], $0xA00, s20, s19, $0x38;
	[tilespmem:$0xE4C0] =	vst v63  }
0x4e: {  	_ = 	snop  }
0x4f: {  	[tilespmem:s23], [sflag:$0x1] =	stream.strided.gather [hbm4b:s31+s19], $0xA00, s20, s19, $0x38;
	[tilespmem:$0xE4C0] =	vst v63  }
0x50: {  	_ = 	snop  }
0x51: {  	[tilespmem:s24], [sflag:$0x1] =	stream.strided.gather [hbm4b:s10+s19], $0xA00, s20, s19, $0x38;
	[tilespmem:$0xE4C0] =	vst v63  }
0x52: {  	_ = 	snop  }
0x53: {  	[tilespmem:s25], [sflag:$0x1] =	stream.strided.gather [hbm4b:s9+s19], $0xA00, s20, s19, $0x38;
	[tilespmem:$0xE4C0] =	vst v63  }
0x54: {  	_ =	swait.ge [sflag:s15], $0xA00  }
0x55: {  	[sflag:s15] =	ssyncset.done $0x0  }
0x56: {  	s4 =	sshra.s32 s4, $0x2;
	[sflag:s15] =	ssyncadd.s32 $0xFFFFF600  }
0x57: {  	[spmem:s2] =	stream.indirect.scatter.add.f32 [tilespmem:s21], [sflag:$0x2], $0x20, s4, s26, $0xb8;
	[tilespmem:$0xE4C0] =	vst v63  }
0x58: {  	_ =	swait.ge [sflag:s18], $0xA00  }
0x59: {  	[sflag:s18] =	ssyncset.done $0x0  }
0x5a: {  	[sflag:s18] =	ssyncadd.s32 $0xFFFFF600  }
0x5b: {  	_ =	swait.ge [sflag:s15], $0xA00  }
0x5c: {  	[sflag:s15] =	ssyncset.done $0x0  }
0x5d: {  	s6 =	sadd.s32 $0x50, s4;
	[sflag:s15] =	ssyncadd.s32 $0xFFFFF600  }
0x5e: {  	[spmem:s2] =	stream.indirect.scatter.add.f32 [tilespmem:s22], [sflag:$0x2], $0x20, s6, s26, $0xb8;
	[tilespmem:$0xE4C0] =	vst v63  }
0x5f: {  	_ =	swait.ge [sflag:s18], $0xA00  }
0x60: {  	[sflag:s18] =	ssyncset.done $0x0  }
0x61: {  	[sflag:s18] =	ssyncadd.s32 $0xFFFFF600  }
0x62: {  	_ =	swait.ge [sflag:s15], $0xA00  }
0x63: {  	[sflag:s15] =	ssyncset.done $0x0  }
0x64: {  	s6 =	sadd.s32 $0xA0, s4;
	[sflag:s15] =	ssyncadd.s32 $0xFFFFF600  }
0x65: {  	[spmem:s2] =	stream.indirect.scatter.add.f32 [tilespmem:s23], [sflag:$0x2], $0x20, s6, s26, $0xb8;
	[tilespmem:$0xE4C0] =	vst v63  }
0x66: {  	_ =	swait.ge [sflag:s18], $0xA00  }
0x67: {  	[sflag:s18] =	ssyncset.done $0x0  }
0x68: {  	[sflag:s18] =	ssyncadd.s32 $0xFFFFF600  }
0x69: {  	_ =	swait.ge [sflag:s15], $0xA00  }
0x6a: {  	[sflag:s15] =	ssyncset.done $0x0  }
0x6b: {  	s6 =	sadd.s32 $0xF0, s4;
	[sflag:s15] =	ssyncadd.s32 $0xFFFFF600  }
0x6c: {  	[spmem:s2] =	stream.indirect.scatter.add.f32 [tilespmem:s24], [sflag:$0x2], $0x20, s6, s26, $0xb8;
	[tilespmem:$0xE4C0] =	vst v63  }
0x6d: {  	_ =	swait.ge [sflag:s18], $0xA00  }
0x6e: {  	[sflag:s18] =	ssyncset.done $0x0  }
0x6f: {  	[sflag:s18] =	ssyncadd.s32 $0xFFFFF600  }
0x70: {  	_ =	swait.ge [sflag:s15], $0xA00  }
.Ltmp0:
0x71: {  	[sflag:s15] =	ssyncset.done $0x0;
	(pc) =	sbr.rel @p0 .LBB2_2-.Ltmp0, $4  }
0x72: {  	s4 =	sadd.s32 $0x140, s4;
	[sflag:s15] =	ssyncadd.s32 $0xFFFFF600  }
0x73: {  	[spmem:s2] =	stream.indirect.scatter.add.f32 [tilespmem:s25], [sflag:$0x2], $0x20, s4, s26, $0xb8;
	[tilespmem:$0xE4C0] =	vst v63  }
0x74: {  	s30 =	sadd.s32 $0x1900, s30;
	_ =	swait.ge [sflag:s18], $0xA00  }
0x75: {  	s1 =	sadd.s32 $0x1900, s1;
	s31 =	sadd.s32 $0x1900, s31;
	[sflag:s18] =	ssyncset.done $0x0  }
0x76: {  	s28 =	sadd.s32 $0x1, s28  }
0x77: {  	[sflag:s18] =	ssyncadd.s32 $0xFFFFF600;
	p0 =	sne.s32 s28, s8  }
.Ltmp1:
0x78: {  	[bflag:$0x0] =	sbarrier.arrive $0xFFFF;
	(pc) =	sbr.rel @p0 .LBB2_1-.Ltmp1, $4  }
0x79: {  	[hbm:s7@s17], [sflag:s5] =	dma.strided [spmem:s14@s16], $0x1400, s15, $0x4   }
0x7a: {  	_ =	swait.ge [sflag:s18], $0x1400  }
0x7b: {  	[sflag:s18] =	ssyncset.done $0x0  }
0x7c: {  	[sflag:s18] =	ssyncadd.s32 $0xFFFFEC00  }
0x7d: {  	_ =	sfence.sel $0x180000  }
0x7e: {  	[bflag:$0x0] =	sbarrier.arrive $0xFFFF  }
0x7f: {  	_ =	strace $0x90000050  }
0x80: {  	s0 =	stileid.u32;
	[bflag:$0x2] =	sbarrier.arrive $0xFFFF  }
0x81: {  	p0 =	sne.s32 s0, $0x0;
	s0 =	rddreg [dreg:$0x2]  }
0x82: {  	s0 =	sadd.s32 @!p0 $0x100000, s0  }
0x83: {  	[sflag:s0] =	ssyncadd.tile.s32 @!p0 $0x1;
	_ =	shalt  }
.Lfunc_end2:
_tile_overlayer_lowered:
.L_overlay_start_2:
0x84: {  	(tag) =	ssettag $0x2  }
0x85: {  	s0 =	rddreg [dreg:$0x0];
	s2 =	stileid.u32  }
0x86: {  	s1 =	rddreg [dreg:$0x1];
	p0 =	sne.s32 s2, $0x0  }
0x87: {  	s3 =	rddreg [dreg:$0x2];
	[bflag:$0x3] =	sbarrier.arrive $0xFFFF;
	s2 =	simm.s32 @!p0 $0x1C02  }
0x88: {  	[timem:s3], [sflag:s2] =	dma.local @!p0 [hbm:s0], s1  }
0x89: {  	s0 =	simm.s32 @!p0 $0x2  }
0x8a: {  	_ =	swait.ge @!p0 [sflag:s0], s1  }
0x8b: {  	s1 =	ssub.s32 @!p0 $0x0, s1;
	[sflag:s0] =	ssyncset.done @!p0 $0x0  }
0x8c: {  	[sflag:s0] =	ssyncadd.s32 @!p0 s1  }
0x8d: {  	[bflag:$0x3] =	sbarrier.arrive $0xFFFF  }
0x8e: {  	_ =	shalt  }

// kernel: kernel.7.cloned.1.call-start
scs
__scs_entry_jumppad:
0x0: {  	(pc) =	sbr.rel $0x88, $3  }
0x1: {  	(tag) =	ssettag $0x0;
	lr =	simm.s32 $0x1  }
0x2: {  	[smem:$0x3F94] =	sst lr;
	_ =	strace $0xD0000000  }
0x3: {  	_ = 	snop  }
0x4: {  	_ = 	snop  }
0x5: {  	_ = 	snop  }
0x6: {  	_ = 	snop  }
0x7: {  	_ = 	snop  }
__scs_overlays_trampoline_lowered:
0x8: {  	[smem:$0x3FA3] =	sst s0  }
0x9: {  	[smem:$0x3FA4] =	sst s1  }
0xa: {  	[smem:$0x3FA5] =	sst s2  }
0xb: {  	[smem:$0x3FA6] =	sst s3  }
0xc: {  	[smem:$0x3FA7] =	sst s4  }
0xd: {  	[smem:$0x3FA8] =	sst s5  }
0xe: {  	[smem:$0x3FA9] =	sst s6  }
0xf: {  	[smem:$0x3FAA] =	sst s7  }
0x10: {  	[smem:$0x3FAB] =	sst s8  }
0x11: {  	[smem:$0x3FAC] =	sst s9;
	s0 =	simm.s32 @!p0 $0x0  }
0x12: {  	s1 =	sld [smem:$0x3F92];
	s0 =	simm.s32 @p0 $0x1  }
0x13: {  	[smem:$0x3FAD] =	sst s0;
	s0 =	simm.s32 @!p1 $0x0  }
0x14: {  	s2 =	sld [smem:$0x3F91];
	s0 =	simm.s32 @p1 $0x1  }
0x15: {  	[smem:$0x3FAE] =	sst s0;
	s0 =	simm.s32 @!p2 $0x0  }
0x16: {  	s3 =	sld [smem:$0x3FDB];
	s0 =	simm.s32 @p2 $0x1  }
0x17: {  	s4 =	simm.s32 $0x1BF5;
	[smem:$0x3FB0] =	sst s0  }
0x18: {  	s0 =	sld [smem:$0x3F93];
	_ =	swait.ge [sflag:s4], $0x0  }
0x19: {  	s7 =	sld [smem:$0x3F94]  }
0x1a: {  	s8 =	sadd.s32 $0xFFFFE003, lr  }
0x1b: {  	s9 =	sadd.s32 $0xFFFFFEF7, lr;
	s5 =	simm.s32 $0xFFFFFFFF;
	p2 =	slt.u32 s8, $0xFFFFF086  }
0x1c: {  	p1 =	slt.u32 s9, $0xF7A;
	s5 =	simm.s32 @!p2 $0x0  }
0x1d: {  	s5 =	simm.s32 @p1 $0x1;
	p0 =	seq.s32 s7, s2  }
0x1e: {  	s7 =	smul.u32 @!p0 $0xF7A, s2;
	p2 =	seq.s32 @!p0 s5, $0x0  }
0x1f: {  	s9 =	smul.u32 $0xF7A, s1;
	s8 =	simm.s32 @!p0 $0x1BF5;
	p2 =	por !p2, p0  }
0x20: {  	[sflag:s8] =	ssyncset.s32 @!p0 $0xFFFFF086;
	s6 =	sadd.s32 @!p0 s3, s7;
	s7 =	simm.s32 @!p0 $0x108  }
0x21: {  	s3 =	sadd.s32 s3, s9;
	s6 =	sadd.s32 @!p0 $0x88, s6;
	s7 =	simm.s32 @p2 $0x1082  }
0x22: {  	[simem:s7], [sflag:s8] =	dma.local @!p0 [hbm:s6], $0xF7A  }
0x23: {  	s9 =	sor.u32 $0xD0000000, s2;
	s6 =	simm.s32 $0x108;
	_ =	swait.ge @!p0 [sflag:s8], $0x0  }
0x24: {  	s3 =	sadd.s32 $0x88, s3;
	s6 =	simm.s32 @!p1 $0x1082;
	[sflag:s4] =	ssyncset.s32 $0xFFFFF086  }
0x25: {  	[simem:s6], [sflag:s4] =	dma.local [hbm:s3], $0xF7A  }
0x26: {  	[smem:$0x3F94] =	sst s1;
	(tag) =	ssettag s2;
	_ =	strace s9  }
0x27: {  	s1 =	sld [smem:$0x3FA4]  }
0x28: {  	s2 =	sld [smem:$0x3FA5]  }
0x29: {  	s4 =	sld [smem:$0x3FA7]  }
0x2a: {  	p0 =	seq.s32 s5, $0x0;
	s5 =	sld [smem:$0x3FA8]  }
0x2b: {  	s6 =	sld [smem:$0x3FA9]  }
0x2c: {  	s7 =	sld [smem:$0x3FAA]  }
0x2d: {  	s3 =	simm.s32 $0x108;
	s8 =	sld [smem:$0x3FAB]  }
0x2e: {  	s3 =	simm.s32 @!p0 $0x1082;
	s9 =	sld [smem:$0x3FAC]  }
0x2f: {  	lr =	sadd.s32 s0, s3;
	s0 =	sld [smem:$0x3FA3]  }
0x30: {  	s3 =	sld [smem:$0x3FA6]  }
0x31: {  	[smem:$0x3FAF] =	sst s10  }
0x32: {  	s10 =	sld [smem:$0x3FAD];
	_ =	sdelay $0x3  }
0x33: {  	p0 =	seq.s32 s10, $0x1;
	s10 =	sld [smem:$0x3FAF];
	_ =	sdelay $0x3  }
0x34: {  	[smem:$0x3FAF] =	sst s10  }
0x35: {  	s10 =	sld [smem:$0x3FAE];
	_ =	sdelay $0x3  }
0x36: {  	p1 =	seq.s32 s10, $0x1;
	s10 =	sld [smem:$0x3FAF];
	_ =	sdelay $0x3  }
0x37: {  	[smem:$0x3FAF] =	sst s10  }
0x38: {  	s10 =	sld [smem:$0x3FB0]  }
0x39: {  	_ = 	snop;
	(pc) =	sbr.ind lr, $3  }
0x3a: {  	_ = 	snop  }
0x3b: {  	_ = 	snop  }
0x3c: {  	p2 =	seq.s32 s10, $0x1;
	s10 =	sld [smem:$0x3FAF]  }
0x3d: {  	_ =	shalt  }
0x3e: {  	_ =	shalt  }
0x3f: {  	_ =	shalt  }
0x40: {  	_ =	shalt  }
0x41: {  	_ =	shalt  }
0x42: {  	_ =	shalt  }
0x43: {  	_ =	shalt  }
0x44: {  	_ =	shalt  }
0x45: {  	_ =	shalt  }
0x46: {  	_ =	shalt  }
0x47: {  	_ =	shalt  }
0x48: {  	_ =	shalt  }
0x49: {  	_ =	shalt  }
0x4a: {  	_ =	shalt  }
0x4b: {  	_ =	shalt  }
0x4c: {  	_ =	shalt  }
0x4d: {  	_ =	shalt  }
0x4e: {  	_ =	shalt  }
0x4f: {  	_ =	shalt  }
0x50: {  	_ =	shalt  }
0x51: {  	_ =	shalt  }
0x52: {  	_ =	shalt  }
0x53: {  	_ =	shalt  }
0x54: {  	_ =	shalt  }
0x55: {  	_ =	shalt  }
0x56: {  	_ =	shalt  }
0x57: {  	_ =	shalt  }
0x58: {  	_ =	shalt  }
0x59: {  	_ =	shalt  }
0x5a: {  	_ =	shalt  }
0x5b: {  	_ =	shalt  }
0x5c: {  	_ =	shalt  }
0x5d: {  	_ =	shalt  }
0x5e: {  	_ =	shalt  }
0x5f: {  	_ =	shalt  }
0x60: {  	_ =	shalt  }
0x61: {  	_ =	shalt  }
0x62: {  	_ =	shalt  }
0x63: {  	_ =	shalt  }
0x64: {  	_ =	shalt  }
0x65: {  	_ =	shalt  }
0x66: {  	_ =	shalt  }
0x67: {  	_ =	shalt  }
0x68: {  	_ =	shalt  }
0x69: {  	_ =	shalt  }
0x6a: {  	_ =	shalt  }
0x6b: {  	_ =	shalt  }
0x6c: {  	_ =	shalt  }
0x6d: {  	_ =	shalt  }
0x6e: {  	_ =	shalt  }
0x6f: {  	_ =	shalt  }
0x70: {  	_ =	shalt  }
0x71: {  	_ =	shalt  }
0x72: {  	_ =	shalt  }
0x73: {  	_ =	shalt  }
0x74: {  	_ =	shalt  }
0x75: {  	_ =	shalt  }
0x76: {  	_ =	shalt  }
0x77: {  	_ =	shalt  }
0x78: {  	_ =	shalt  }
0x79: {  	_ =	shalt  }
0x7a: {  	_ =	shalt  }
0x7b: {  	_ =	shalt  }
0x7c: {  	_ =	shalt  }
0x7d: {  	_ =	shalt  }
0x7e: {  	_ =	shalt  }
0x7f: {  	_ =	shalt  }
0x80: {  	_ =	shalt  }
0x81: {  	_ =	shalt  }
0x82: {  	_ =	shalt  }
0x83: {  	_ =	shalt  }
0x84: {  	_ =	shalt  }
0x85: {  	_ =	shalt  }
0x86: {  	_ =	shalt  }
0x87: {  	_ =	shalt  }
.Lfunc_end0:
.L_simem_size_0:
called_computation_lowered:
.L_overlay_start_0:
0x88: {  	s2 =	sld [smem:$0x3FD9]  }
0x89: {  	s3 =	sld [smem:$0x3FFE];
	_ =	sdelay $0x1  }
0x8a: {  	s1 =	srdreg.scid  }
0x8b: {  	s0 =	sand.u32 $0x1, s1  }
0x8c: {  	s17 =	sshll.u32 s0, $0xA;
	s2 =	sadd.s32 s3, s2  }
0x8d: {  	s2 =	sadd.s32 s2, s17  }
0x8e: {  	[smem:$0x3FBB] =	sst s2  }
0x8f: {  	_ = 	snop  }
0x90: {  	s2 =	sld [smem:$0x3FD0];
	(tm) =	ssettm $0x1  }
0x91: {  	s18 =	sld [smem:$0x3FFB];
	_ =	sdelay $0x3  }
0x92: {  	_ =	strace s18  }
0x93: {  	s3 =	sld [smem:$0x3FFC];
	_ =	sdelay $0x3  }
0x94: {  	_ =	strace s3  }
0x95: {  	s3 =	sld [smem:$0x3FFD];
	_ =	sdelay $0x3  }
0x96: {  	_ =	strace s3  }
0x97: {  	_ =	strace $0x8FFFFFFF  }
0x98: {  	s19 =	sld [smem:$0x3FDB];
	_ =	sdelay $0x1  }
0x99: {  	s4 =	simm.s32 $_scs_section_size  }
0x9a: {  	s5 =	simm.s32 $_size__tile_overlayer_lowered;
	s6 =	simm.s32 $_tile_overlayer_lowered  }
0x9b: {  	s22 =	simm.s32 $0x1BFF;
	s21 =	sshll.u32 s6, $0x1;
	s3 =	sadd.s32 s4, s19  }
0x9c: {  	s7 =	simm.s32 $0x0;
	s20 =	sshll.u32 s5, $0x1;
	s5 =	sadd.s32 s21, s3  }
0x9d: {  	[timem:s7], [sflag:s22] =	dma.local [hbm:s5], s20  }
0x9e: {  	_ =	swait.ge [sflag:s22], s20  }
0x9f: {  	s4 =	ssub.s32 $0x0, s20;
	[sflag:s22] =	ssyncset.done $0x0  }
0xa0: {  	[sflag:s22] =	ssyncadd.s32 s4;
	_ =	sdelay $0x1  }
0xa1: {  	s23 =	simm.s32 $0x1B8B  }
0xa2: {  	_ =	swait.ge [sflag:s23], $0x1  }
0xa3: {  	[sflag:s23] =	ssyncset.done $0x0  }
0xa4: {  	s25 =	simm.s32 $0x1B8E;
	s24 =	sld [smem:$0x3FFE];
	[sflag:s23] =	ssyncadd.s32 $0xFFFFFFFF  }
0xa5: {  	s26 =	simm.s32 $execute0_lowered;
	[smem:$0x3FD2] =	sst s25  }
0xa6: {  	s5 =	sshll.u32 s26, $0x1;
	_ =	strace $0x80000046;
	[dreg:$0x1] =	wrdreg $0xFFFFFFFF  }
0xa7: {  	s28 =	simm.s32 $_size_execute0_lowered;
	s3 =	sadd.s32 s3, s5;
	[dreg:$0x0] =	wrdreg $0x0  }
0xa8: {  	s5 =	sshll.u32 s28, $0x1;
	[dreg:$0x2] =	wrdreg s3  }
0xa9: {  	[dreg:$0x3] =	wrdreg s5  }
0xaa: {  	[dreg:$0x4] =	wrdreg $0xC0  }
0xab: {  	_ =	task [dreg:s7], $0x5FFFF  }
0xac: {  	[dreg:$0x1] =	wrdreg $0xFFFFFFFF  }
0xad: {  	[dreg:$0x0] =	wrdreg $0x60  }
0xae: {  	[dreg:$0x2] =	wrdreg s2  }
0xaf: {  	[dreg:$0x3] =	wrdreg s24  }
0xb0: {  	[dreg:$0x4] =	wrdreg $0xA  }
0xb1: {  	_ =	task.clear_ibuf [dreg:s7], $0x5FFFF;
	_ =	strace $0x90000046  }
0xb2: {  	s29 =	simm.s32 $0xA;
	_ =	strace $0x80000048  }
0xb3: {  	_ =	swait.ge [sflag:s29], $0x1  }
0xb4: {  	[sflag:s29] =	ssyncadd.s32 $0xFFFFFFFF  }
0xb5: {  	_ =	strace $0x90000048  }
0xb6: {  	_ =	sfence  }
0xb7: {  	s30 =	sld [smem:$0x0];
	_ =	sdelay $0x2  }
0xb8: {  	s31 =	sshll.u32 s1, $0xD;
	s1 =	sshrl.u32 s1, $0x2  }
0xb9: {  	s3 =	sand.u32 $0x4000, s31;
	s1 =	sadd.s32 s1, s30  }
0xba: {  	s0 =	sor.u32 s3, s0;
	s1 =	sshll.u32 s1, $0x11  }
0xbb: {  	s0 =	sor.u32 s1, s0  }
0xbc: {  	s0 =	sadd.s32 $0x8F2B, s0  }
0xbd: {  	[sflag:s0] =	ssyncadd.remote.s32 $0x1  }
0xbe: {  	_ =	sfence.sel $0xFFFF  }
0xbf: {  	[dreg:$0x0] =	wrdreg $0xFFFFFFFF;
	(pc) =	sbr.abs _section_cstart, $3  }
0xc0: {  	[dreg:$0x1] =	wrdreg $0xFFFFFFFF  }
0xc1: {  	_ =	task.clear_ibuf [dreg:s7], $0x2FFFF;
	_ =	strace $0x9FFFFFFF  }
0xc2: {  	(tm) =	ssettm $0x7FFFFFFF  }
0xc3: {  	_ =	shalt  }
tec
execute0_lowered:
.L_overlay_start_1:
0x0: {  	(tag) =	ssettag $0x1  }
0x1: {  	s1 =	srdreg.scid  }
0x2: {  	s0 =	stileid.u32;
	s2 =	rddreg [dreg:$0x0]  }
0x3: {  	s5 =	rddreg [dreg:$0x1];
	s3 =	simm.s32 $0x0;
	s12 =	simm.s32 $0x50  }
0x4: {  	s13 =	simm.s32 $0x1450;
	s14 =	simm.s32 $0x1950;
	s15 =	simm.s32 $0x1E50  }
0x5: {  	s16 =	simm.s32 $0x2350;
	s17 =	simm.s32 $0x2850;
	s18 =	simm.s32 $0x1  }
0x6: {  	s19 =	simm.s32 $0x10;
	s20 =	simm.s32 $0x80;
	s21 =	simm.s32 $0x2  }
0x7: {  	s4 =	sand.u32 $0x1, s1;
	s26 =	sshll.u32 s0, $0x1;
	s7 =	smul.u32 $0x28A0, s0  }
0x8: {  	s1 =	rddreg [dreg:$0x2];
	s11 =	smul.u32 $0x28A00, s0;
	s6 =	sor.u32 s4, s26  }
0x9: {  	s22 =	simm.s32 $0x0;
	[smem:$0x7FF] =	sst s3;
	s6 =	smul.u32 $0x1450, s6  }
0xa: {  	_ =	strace $0x80000047;
	s8 =	smul.u32 $0x1450, s4;
	s9 =	ssub.s32 $0x2, s4  }
0xb: {  	s29 =	smul.u32 $0x14500, s4;
	s10 =	sshrl.u32 s9, $0x1;
	s6 =	sshrl.u32 s6, $0x3  }
0xc: {  	s7 =	sadd.s32 s8, s7;
	s28 =	ssub.s32 s9, s10;
	s6 =	sadd.s32 s6, s5  }
0xd: {  	s7 =	sshll.u32 s7, $0x4;
	s5 =	sadd.s32 $0x5AE00, s5;
	s4 =	sadd.s32 $0x50A00, s6  }
0xe: {  	s30 =	sadd.s32 s11, s5;
	s31 =	sadd.s32 s5, s7;
	s5 =	smax.u32 s28, $0x1  }
0xf: {  	s11 =	simm.s32 $0x3;
	s6 =	sadd.s32 s29, s30;
	s7 =	sadd.s32 $0x1400, s31  }
0x10: {  	s8 =	sadd.s32 $0xF00, s31;
	s9 =	sadd.s32 $0xA00, s31;
	s10 =	sadd.s32 $0x500, s31  }
.LBB2_1:
0x11: {  	[tilespmem:s3], [sflag:$0x3] =	stream.linear.gather [hbm4b:s4+s3], $0x1450, $0x38;
	[tilespmem:$0x2D50] =	vst v63  }
0x12: {  	_ =	swait.ge [sflag:s11], $0x1450  }
0x13: {  	[sflag:s11] =	ssyncset.done $0x0  }
0x14: {  	s23 =	simm.s32 $0x0;
	[sflag:s11] =	ssyncadd.s32 $0xFFFFEBB0  }
0x15: {  	[tilespmem:s13], [sflag:$0x1] =	stream.indirect.gather [hbm4b:s2+s12], $0x10, s23, s12, $0xb8;
	[tilespmem:$0x2D50] =	vst v63  }
0x16: {  	s30 =	simm.s32 $0x50  }
0x17: {  	[tilespmem:s14], [sflag:$0x1] =	stream.indirect.gather [hbm4b:s2+s12], $0x10, s30, s12, $0xb8;
	[tilespmem:$0x2D50] =	vst v63  }
0x18: {  	s31 =	simm.s32 $0xA0  }
0x19: {  	[tilespmem:s15], [sflag:$0x1] =	stream.indirect.gather [hbm4b:s2+s12], $0x10, s31, s12, $0xb8;
	[tilespmem:$0x2D50] =	vst v63  }
0x1a: {  	s24 =	simm.s32 $0xF0  }
0x1b: {  	[tilespmem:s16], [sflag:$0x1] =	stream.indirect.gather [hbm4b:s2+s12], $0x10, s24, s12, $0xb8;
	[tilespmem:$0x2D50] =	vst v63  }
0x1c: {  	s25 =	simm.s32 $0x140  }
0x1d: {  	[tilespmem:s17], [sflag:$0x1] =	stream.indirect.gather [hbm4b:s2+s12], $0x10, s25, s12, $0xb8;
	[tilespmem:$0x2D50] =	vst v63  }
0x1e: {  	_ =	swait.ge [sflag:s18], $0x500  }
0x1f: {  	[sflag:s18] =	ssyncset.done $0x0  }
0x20: {  	s26 =	sadd.s32 $0x0, s6;
	[sflag:s18] =	ssyncadd.s32 $0xFFFFFB00  }
0x21: {  	[hbm4b:s26+s19] =	stream.strided.scatter [tilespmem:s13], [sflag:$0x2], $0x500, s20, s19, $0x38;
	[tilespmem:$0x2D50] =	vst v63  }
0x22: {  	_ =	swait.ge [sflag:s18], $0x500  }
0x23: {  	[sflag:s18] =	ssyncset.done $0x0  }
0x24: {  	s28 =	sadd.s32 $0x0, s10;
	[sflag:s18] =	ssyncadd.s32 $0xFFFFFB00  }
0x25: {  	[hbm4b:s28+s19] =	stream.strided.scatter [tilespmem:s14], [sflag:$0x2], $0x500, s20, s19, $0x38;
	[tilespmem:$0x2D50] =	vst v63  }
0x26: {  	_ =	swait.ge [sflag:s18], $0x500  }
0x27: {  	[sflag:s18] =	ssyncset.done $0x0  }
0x28: {  	s29 =	sadd.s32 $0x0, s9;
	[sflag:s18] =	ssyncadd.s32 $0xFFFFFB00  }
0x29: {  	[hbm4b:s29+s19] =	stream.strided.scatter [tilespmem:s15], [sflag:$0x2], $0x500, s20, s19, $0x38;
	[tilespmem:$0x2D50] =	vst v63  }
0x2a: {  	_ =	swait.ge [sflag:s18], $0x500  }
0x2b: {  	[sflag:s18] =	ssyncset.done $0x0  }
0x2c: {  	s30 =	sadd.s32 $0x0, s8;
	[sflag:s18] =	ssyncadd.s32 $0xFFFFFB00  }
0x2d: {  	[hbm4b:s30+s19] =	stream.strided.scatter [tilespmem:s16], [sflag:$0x2], $0x500, s20, s19, $0x38;
	[tilespmem:$0x2D50] =	vst v63  }
0x2e: {  	_ =	swait.ge [sflag:s18], $0x500  }
0x2f: {  	[sflag:s18] =	ssyncset.done $0x0  }
0x30: {  	s31 =	sadd.s32 $0x0, s7;
	[sflag:s18] =	ssyncadd.s32 $0xFFFFFB00  }
0x31: {  	[hbm4b:s31+s19] =	stream.strided.scatter [tilespmem:s17], [sflag:$0x2], $0x500, s20, s19, $0x38;
	[tilespmem:$0x2D50] =	vst v63  }
0x32: {  	_ =	swait.ge [sflag:s21], $0x500  }
0x33: {  	[sflag:s21] =	ssyncset.done $0x0  }
0x34: {  	[sflag:s21] =	ssyncadd.s32 $0xFFFFFB00  }
0x35: {  	_ =	swait.ge [sflag:s21], $0x500  }
0x36: {  	[sflag:s21] =	ssyncset.done $0x0  }
0x37: {  	[sflag:s21] =	ssyncadd.s32 $0xFFFFFB00  }
0x38: {  	_ =	swait.ge [sflag:s21], $0x500  }
0x39: {  	[sflag:s21] =	ssyncset.done $0x0  }
0x3a: {  	[sflag:s21] =	ssyncadd.s32 $0xFFFFFB00  }
0x3b: {  	_ =	swait.ge [sflag:s21], $0x500  }
0x3c: {  	[sflag:s21] =	ssyncset.done $0x0  }
0x3d: {  	[sflag:s21] =	ssyncadd.s32 $0xFFFFFB00  }
0x3e: {  	s23 =	simm.s32 $0x1900;
	_ =	swait.ge [sflag:s21], $0x500  }
0x3f: {  	s24 =	simm.s32 $0x2D0;
	s25 =	simm.s32 $0x3200;
	[sflag:s21] =	ssyncset.done $0x0  }
.LBB2_2:
0x40: {  	p0 =	sne.s32 s25, $0x12C00;
	s26 =	sadd.s32 $0xFFFFFEC0, s24;
	[sflag:s21] =	ssyncadd.s32 $0xFFFFFB00  }
0x41: {  	[tilespmem:s13], [sflag:$0x1] =	stream.indirect.gather [hbm4b:s2+s12], $0x10, s26, s12, $0xb8;
	[tilespmem:$0x2D50] =	vst v63  }
0x42: {  	s28 =	smov.u32 s25;
	s25 =	sadd.s32 $0x1900, s25;
	s26 =	sadd.s32 $0xFFFFFF10, s24  }
0x43: {  	[tilespmem:s14], [sflag:$0x1] =	stream.indirect.gather [hbm4b:s2+s12], $0x10, s26, s12, $0xb8;
	[tilespmem:$0x2D50] =	vst v63  }
0x44: {  	s26 =	sadd.s32 $0xFFFFFF60, s24  }
0x45: {  	[tilespmem:s15], [sflag:$0x1] =	stream.indirect.gather [hbm4b:s2+s12], $0x10, s26, s12, $0xb8;
	[tilespmem:$0x2D50] =	vst v63  }
0x46: {  	s26 =	sadd.s32 $0xFFFFFFB0, s24  }
0x47: {  	[tilespmem:s16], [sflag:$0x1] =	stream.indirect.gather [hbm4b:s2+s12], $0x10, s26, s12, $0xb8;
	[tilespmem:$0x2D50] =	vst v63  }
0x48: {  	_ = 	snop  }
0x49: {  	[tilespmem:s17], [sflag:$0x1] =	stream.indirect.gather [hbm4b:s2+s12], $0x10, s24, s12, $0xb8;
	[tilespmem:$0x2D50] =	vst v63  }
0x4a: {  	_ =	swait.ge [sflag:s18], $0x500  }
0x4b: {  	[sflag:s18] =	ssyncset.done $0x0  }
0x4c: {  	s26 =	sadd.s32 s23, s6;
	[sflag:s18] =	ssyncadd.s32 $0xFFFFFB00  }
0x4d: {  	[hbm4b:s26+s19] =	stream.strided.scatter [tilespmem:s13], [sflag:$0x2], $0x500, s20, s19, $0x38;
	[tilespmem:$0x2D50] =	vst v63  }
0x4e: {  	_ =	swait.ge [sflag:s18], $0x500  }
0x4f: {  	[sflag:s18] =	ssyncset.done $0x0  }
0x50: {  	s26 =	sadd.s32 s23, s10;
	[sflag:s18] =	ssyncadd.s32 $0xFFFFFB00  }
0x51: {  	[hbm4b:s26+s19] =	stream.strided.scatter [tilespmem:s14], [sflag:$0x2], $0x500, s20, s19, $0x38;
	[tilespmem:$0x2D50] =	vst v63  }
0x52: {  	_ =	swait.ge [sflag:s18], $0x500  }
0x53: {  	[sflag:s18] =	ssyncset.done $0x0  }
0x54: {  	s26 =	sadd.s32 s23, s9;
	[sflag:s18] =	ssyncadd.s32 $0xFFFFFB00  }
0x55: {  	[hbm4b:s26+s19] =	stream.strided.scatter [tilespmem:s15], [sflag:$0x2], $0x500, s20, s19, $0x38;
	[tilespmem:$0x2D50] =	vst v63  }
0x56: {  	_ =	swait.ge [sflag:s18], $0x500  }
0x57: {  	[sflag:s18] =	ssyncset.done $0x0  }
0x58: {  	s26 =	sadd.s32 s23, s8;
	[sflag:s18] =	ssyncadd.s32 $0xFFFFFB00  }
0x59: {  	[hbm4b:s26+s19] =	stream.strided.scatter [tilespmem:s16], [sflag:$0x2], $0x500, s20, s19, $0x38;
	[tilespmem:$0x2D50] =	vst v63  }
0x5a: {  	_ =	swait.ge [sflag:s18], $0x500  }
0x5b: {  	[sflag:s18] =	ssyncset.done $0x0  }
0x5c: {  	s26 =	sadd.s32 s23, s7;
	s23 =	smov.u32 s28;
	[sflag:s18] =	ssyncadd.s32 $0xFFFFFB00  }
0x5d: {  	[hbm4b:s26+s19] =	stream.strided.scatter [tilespmem:s17], [sflag:$0x2], $0x500, s20, s19, $0x38;
	[tilespmem:$0x2D50] =	vst v63  }
0x5e: {  	_ =	swait.ge [sflag:s21], $0x500  }
0x5f: {  	[sflag:s21] =	ssyncset.done $0x0  }
0x60: {  	[sflag:s21] =	ssyncadd.s32 $0xFFFFFB00  }
0x61: {  	_ =	swait.ge [sflag:s21], $0x500  }
0x62: {  	[sflag:s21] =	ssyncset.done $0x0  }
0x63: {  	[sflag:s21] =	ssyncadd.s32 $0xFFFFFB00  }
0x64: {  	_ =	swait.ge [sflag:s21], $0x500  }
0x65: {  	[sflag:s21] =	ssyncset.done $0x0  }
0x66: {  	[sflag:s21] =	ssyncadd.s32 $0xFFFFFB00  }
.Ltmp0:
0x67: {  	_ =	swait.ge [sflag:s21], $0x500;
	(pc) =	sbr.rel @p0 .LBB2_2-.Ltmp0, $4  }
0x68: {  	[sflag:s21] =	ssyncset.done $0x0  }
0x69: {  	[sflag:s21] =	ssyncadd.s32 $0xFFFFFB00  }
0x6a: {  	_ =	swait.ge [sflag:s21], $0x500  }
0x6b: {  	s24 =	sadd.s32 $0x190, s24;
	[sflag:s21] =	ssyncset.done $0x0  }
0x6c: {  	s25 =	sadd.s32 $0xFFFFFEC0, s24;
	[sflag:s21] =	ssyncadd.s32 $0xFFFFFB00  }
0x6d: {  	[tilespmem:s13], [sflag:$0x1] =	stream.indirect.gather [hbm4b:s2+s12], $0x10, s25, s12, $0xb8;
	[tilespmem:$0x2D50] =	vst v63  }
0x6e: {  	s29 =	sadd.s32 $0xFFFFFF10, s24  }
0x6f: {  	[tilespmem:s14], [sflag:$0x1] =	stream.indirect.gather [hbm4b:s2+s12], $0x10, s29, s12, $0xb8;
	[tilespmem:$0x2D50] =	vst v63  }
0x70: {  	s30 =	sadd.s32 $0xFFFFFF60, s24  }
0x71: {  	[tilespmem:s15], [sflag:$0x1] =	stream.indirect.gather [hbm4b:s2+s12], $0x10, s30, s12, $0xb8;
	[tilespmem:$0x2D50] =	vst v63  }
0x72: {  	s31 =	sadd.s32 $0xFFFFFFB0, s24  }
0x73: {  	[tilespmem:s16], [sflag:$0x1] =	stream.indirect.gather [hbm4b:s2+s12], $0x10, s31, s12, $0xb8;
	[tilespmem:$0x2D50] =	vst v63  }
0x74: {  	_ = 	snop  }
0x75: {  	[tilespmem:s17], [sflag:$0x1] =	stream.indirect.gather [hbm4b:s2+s12], $0x10, s24, s12, $0xb8;
	[tilespmem:$0x2D50] =	vst v63  }
0x76: {  	_ =	swait.ge [sflag:s18], $0x500  }
0x77: {  	[sflag:s18] =	ssyncset.done $0x0  }
0x78: {  	s26 =	sadd.s32 s23, s6;
	[sflag:s18] =	ssyncadd.s32 $0xFFFFFB00  }
0x79: {  	[hbm4b:s26+s19] =	stream.strided.scatter [tilespmem:s13], [sflag:$0x2], $0x500, s20, s19, $0x38;
	[tilespmem:$0x2D50] =	vst v63  }
0x7a: {  	_ =	swait.ge [sflag:s18], $0x500  }
0x7b: {  	[sflag:s18] =	ssyncset.done $0x0  }
0x7c: {  	s28 =	sadd.s32 s23, s10;
	[sflag:s18] =	ssyncadd.s32 $0xFFFFFB00  }
0x7d: {  	[hbm4b:s28+s19] =	stream.strided.scatter [tilespmem:s14], [sflag:$0x2], $0x500, s20, s19, $0x38;
	[tilespmem:$0x2D50] =	vst v63  }
0x7e: {  	_ =	swait.ge [sflag:s18], $0x500  }
0x7f: {  	[sflag:s18] =	ssyncset.done $0x0  }
0x80: {  	s29 =	sadd.s32 s23, s9;
	[sflag:s18] =	ssyncadd.s32 $0xFFFFFB00  }
0x81: {  	[hbm4b:s29+s19] =	stream.strided.scatter [tilespmem:s15], [sflag:$0x2], $0x500, s20, s19, $0x38;
	[tilespmem:$0x2D50] =	vst v63  }
0x82: {  	_ =	swait.ge [sflag:s18], $0x500  }
0x83: {  	[sflag:s18] =	ssyncset.done $0x0  }
0x84: {  	s30 =	sadd.s32 s23, s8;
	[sflag:s18] =	ssyncadd.s32 $0xFFFFFB00  }
0x85: {  	[hbm4b:s30+s19] =	stream.strided.scatter [tilespmem:s16], [sflag:$0x2], $0x500, s20, s19, $0x38;
	[tilespmem:$0x2D50] =	vst v63  }
0x86: {  	_ =	swait.ge [sflag:s18], $0x500  }
0x87: {  	[sflag:s18] =	ssyncset.done $0x0  }
0x88: {  	s31 =	sadd.s32 s23, s7;
	[sflag:s18] =	ssyncadd.s32 $0xFFFFFB00  }
0x89: {  	[hbm4b:s31+s19] =	stream.strided.scatter [tilespmem:s17], [sflag:$0x2], $0x500, s20, s19, $0x38;
	[tilespmem:$0x2D50] =	vst v63  }
0x8a: {  	_ =	swait.ge [sflag:s21], $0x500  }
0x8b: {  	[sflag:s21] =	ssyncset.done $0x0  }
0x8c: {  	[sflag:s21] =	ssyncadd.s32 $0xFFFFFB00  }
0x8d: {  	_ =	swait.ge [sflag:s21], $0x500  }
0x8e: {  	[sflag:s21] =	ssyncset.done $0x0  }
0x8f: {  	[sflag:s21] =	ssyncadd.s32 $0xFFFFFB00  }
0x90: {  	_ =	swait.ge [sflag:s21], $0x500  }
0x91: {  	[sflag:s21] =	ssyncset.done $0x0  }
0x92: {  	s22 =	sadd.s32 $0x1, s22;
	[sflag:s21] =	ssyncadd.s32 $0xFFFFFB00  }
0x93: {  	p0 =	sne.s32 s22, s5;
	_ =	swait.ge [sflag:s21], $0x500  }
.Ltmp1:
0x94: {  	[sflag:s21] =	ssyncset.done $0x0;
	(pc) =	sbr.rel @p0 .LBB2_1-.Ltmp1, $4  }
0x95: {  	[sflag:s21] =	ssyncadd.s32 $0xFFFFFB00  }
0x96: {  	_ =	swait.ge [sflag:s21], $0x500  }
0x97: {  	[sflag:s21] =	ssyncset.done $0x0  }
0x98: {  	[sflag:s21] =	ssyncadd.s32 $0xFFFFFB00  }
0x99: {  	_ =	sfence.sel $0x180000  }
0x9a: {  	[bflag:$0x0] =	sbarrier.arrive $0xFFFF  }
0x9b: {  	p0 =	sne.s32 s0, $0x0;
	_ =	strace $0x90000047  }
0x9c: {  	s0 =	sadd.s32 @!p0 $0x100000, s1;
	[bflag:$0x2] =	sbarrier.arrive $0xFFFF  }
0x9d: {  	[sflag:s0] =	ssyncadd.tile.s32 @!p0 $0x1;
	_ =	shalt  }
.Lfunc_end2:
_tile_overlayer_lowered:
.L_overlay_start_2:
0x9e: {  	(tag) =	ssettag $0x2  }
0x9f: {  	s0 =	rddreg [dreg:$0x0];
	s2 =	stileid.u32  }
0xa0: {  	s1 =	rddreg [dreg:$0x1];
	p0 =	sne.s32 s2, $0x0  }
0xa1: {  	s3 =	rddreg [dreg:$0x2];
	[bflag:$0x3] =	sbarrier.arrive $0xFFFF;
	s2 =	simm.s32 @!p0 $0x1C03  }
0xa2: {  	[timem:s3], [sflag:s2] =	dma.local @!p0 [hbm:s0], s1  }
0xa3: {  	s0 =	simm.s32 @!p0 $0x3  }
0xa4: {  	_ =	swait.ge @!p0 [sflag:s0], s1  }
0xa5: {  	s1 =	ssub.s32 @!p0 $0x0, s1;
	[sflag:s0] =	ssyncset.done @!p0 $0x0  }
0xa6: {  	[sflag:s0] =	ssyncadd.s32 @!p0 s1  }
0xa7: {  	[bflag:$0x3] =	sbarrier.arrive $0xFFFF  }
0xa8: {  	_ =	shalt  }

</sc_bundles>
